<compile_context>
chip_gen: v7x
topology: tpu7x:2x2x1
jax: 0.10.2.dev20260603
libtpu: 0.0.44.dev20260713+nightly
codegen_flags: <defaults>
</compile_context>

<pallas_src>
import functools

import jax
import jax.numpy as jnp
from jax import lax
from jax.experimental import pallas as pl
from jax.experimental.pallas import tpu as pltpu
from jax.experimental.pallas import tpu_sc as plsc

N = 10000
E_UP = 160000
E_B = 20000
D = 256
H = 256
NC = 2
NS = 16
CH = 64
ROW_BLK = 640
ROW_LAST = N - 15 * ROW_BLK
EPT = E_UP // NS
UP_CHUNKS_PER_TILE = EPT // CH
UP_REM = EPT - UP_CHUNKS_PER_TILE * CH
CHB = 80
B_CHUNKS = E_B // CHB


def _p1_body(x_ref, ba_ref, w_ref, b_ref, xa_out, xh_out, bh_out):
    a = jnp.dot(x_ref[...], w_ref[...], preferred_element_type=jnp.float32)
    a = a + b_ref[...]
    xa_out[0] = a[:, :128]
    xa_out[1] = a[:, 128:]
    xh_out[0] = x_ref[:, :128]
    xh_out[1] = x_ref[:, 128:]
    bh_out[0] = ba_ref[:, :128]
    bh_out[1] = ba_ref[:, 128:]


def _run_p1(x, boundary_attr, W_mu, b_mu):
    blk = 1000
    grid = (N // blk,)
    out = pl.pallas_call(
        _p1_body,
        grid=grid,
        in_specs=[
            pl.BlockSpec((blk, D), lambda i: (i, 0)),
            pl.BlockSpec((blk, D), lambda i: (i, 0)),
            pl.BlockSpec((D, D), lambda i: (0, 0)),
            pl.BlockSpec((1, D), lambda i: (0, 0)),
        ],
        out_specs=[
            pl.BlockSpec((2, blk, 128), lambda i: (0, i, 0)),
            pl.BlockSpec((2, blk, 128), lambda i: (0, i, 0)),
            pl.BlockSpec((2, blk, 128), lambda i: (0, i, 0)),
        ],
        out_shape=[jax.ShapeDtypeStruct((2, N, 128), jnp.float32)] * 3,
    )(x, boundary_attr, W_mu[:D], b_mu.reshape(1, D))
    xa, xh, bh = out
    return (xa.reshape(2 * N, 128), xh.reshape(2 * N, 128),
            bh.reshape(2 * N, 128))


def _p2_body(ua_ref, w_ref, t_out):
    r = jnp.dot(ua_ref[...].astype(jnp.bfloat16),
                w_ref[...].astype(jnp.bfloat16),
                preferred_element_type=jnp.float32)
    t_out[0] = r[:, :128]
    t_out[1] = r[:, 128:]


def _run_p2(up_attr_part, W_mu):
    blk = 2000
    ne = up_attr_part.shape[0]
    t = pl.pallas_call(
        _p2_body,
        grid=(ne // blk,),
        in_specs=[
            pl.BlockSpec((blk, D), lambda i: (i, 0)),
            pl.BlockSpec((D, D), lambda i: (1, 0)),
        ],
        out_specs=pl.BlockSpec((2, blk, 128), lambda i: (0, i, 0)),
        out_shape=jax.ShapeDtypeStruct((2, ne, 128), jnp.float32),
    )(up_attr_part, W_mu)
    return t.reshape(2 * ne, 128)


def _scb_body(xh, ba, bsrc2, bdst, ob,
              acc, gb_b, sb_b, db_b, semB):
    c = lax.axis_index("c")
    s = lax.axis_index("s")
    r0 = s * ROW_BLK
    xoff = c * N

    def rows_copy(src_ref, dst_ref, soff, doff):
        @pl.when(s < NS - 1)
        def _():
            pltpu.sync_copy(src_ref.at[pl.ds(soff, ROW_BLK)],
                            dst_ref.at[pl.ds(doff, ROW_BLK)])

        @pl.when(s == NS - 1)
        def _():
            pltpu.sync_copy(src_ref.at[pl.ds(soff, ROW_LAST)],
                            dst_ref.at[pl.ds(doff, ROW_LAST)])

    rows_copy(xh, acc, xoff + r0, r0)
    plsc.subcore_barrier()

    nk = (B_CHUNKS - s + NS - 1) // NS

    def b_chunk(j, _):
        base = (s + j * NS) * CHB
        pltpu.sync_copy(bsrc2.at[pl.ds(c * E_B + base, CHB)], sb_b)
        pltpu.sync_copy(bdst.at[pl.ds(base, CHB)], db_b)
        pltpu.async_copy(ba.at[sb_b], gb_b, semB).wait()
        pltpu.sync_copy(gb_b, acc.at[db_b], add=True)
        return 0

    lax.fori_loop(0, nk, b_chunk, 0)
    plsc.subcore_barrier()
    rows_copy(acc, ob, r0, xoff + r0)


def _run_scb(xh, ba, boundary_index):
    mesh = plsc.VectorSubcoreMesh(core_axis_name="c", subcore_axis_name="s",
                                  num_cores=NC, num_subcores=NS)
    f = pl.kernel(
        _scb_body,
        out_type=jax.ShapeDtypeStruct((2 * N, 128), jnp.float32),
        mesh=mesh,
        scratch_types=[
            pltpu.VMEM_SHARED((N, 128), jnp.float32),
            pltpu.VMEM((CHB, 128), jnp.float32),
            pltpu.VMEM((CHB,), jnp.int32),
            pltpu.VMEM((CHB,), jnp.int32),
            pltpu.SemaphoreType.DMA,
        ],
    )
    bsrc2 = jnp.concatenate([boundary_index[0], boundary_index[0] + N])
    return f(xh, ba, bsrc2, boundary_index[1])


def _sc_body(xa, t, init, usrc2, udst, ou,
             acc, t0, t1, g0, g1, s0, s1, d0, d1,
             te, ge, se, de,
             semL0, semL1, semG0, semG1, semB):
    c = lax.axis_index("c")
    s = lax.axis_index("s")
    r0 = s * ROW_BLK
    xoff = c * N
    toff = c * E_UP
    ebase = s * EPT

    tb = (t0, t1)
    gb = (g0, g1)
    sb = (s0, s1)
    db = (d0, d1)
    semL = (semL0, semL1)
    semG = (semG0, semG1)

    def rows_copy(src_ref, dst_ref, soff, doff):
        @pl.when(s < NS - 1)
        def _():
            pltpu.sync_copy(src_ref.at[pl.ds(soff, ROW_BLK)],
                            dst_ref.at[pl.ds(doff, ROW_BLK)])

        @pl.when(s == NS - 1)
        def _():
            pltpu.sync_copy(src_ref.at[pl.ds(soff, ROW_LAST)],
                            dst_ref.at[pl.ds(doff, ROW_LAST)])

    rows_copy(init, acc, xoff + r0, r0)
    plsc.subcore_barrier()

    def issue_loads(b, j):
        base = ebase + j * CH
        pltpu.async_copy(t.at[pl.ds(toff + base, CH)], tb[b], semL[b])
        pltpu.async_copy(usrc2.at[pl.ds(toff + base, CH)], sb[b], semL[b])
        pltpu.async_copy(udst.at[pl.ds(base, CH)], db[b], semL[b])

    def wait_loads(b):
        pltpu.make_async_copy(t.at[pl.ds(toff + ebase, CH)], tb[b],
                              semL[b]).wait()
        pltpu.make_async_copy(usrc2.at[pl.ds(toff + ebase, CH)], sb[b],
                              semL[b]).wait()
        pltpu.make_async_copy(udst.at[pl.ds(ebase, CH)], db[b],
                              semL[b]).wait()

    def issue_gather(b):
        pltpu.async_copy(xa.at[sb[b]], gb[b], semG[b])

    def wait_gather(b):
        pltpu.make_async_copy(xa.at[sb[b]], gb[b], semG[b]).wait()

    def compute_scatter(b):
        _tb, _gb = tb[b], gb[b]

        @plsc.parallel_loop(0, CH, unroll=4)
        def _(r):
            for k in range(8):
                sl = pl.ds(k * 16, 16)
                _tb[r, sl] = jnp.maximum(_tb[r, sl] + _gb[r, sl], 0.0)

        pltpu.sync_copy(_tb, acc.at[db[b]], add=True)

    issue_loads(0, 0)
    wait_loads(0)
    issue_gather(0)
    issue_loads(1, 1)

    NP = UP_CHUNKS_PER_TILE // 2

    def pair(p, _):
        wait_gather(0)
        wait_loads(1)
        issue_gather(1)
        compute_scatter(0)

        @pl.when(p < NP - 1)
        def _():
            issue_loads(0, 2 * p + 2)

        wait_gather(1)
        compute_scatter(1)

        @pl.when(p < NP - 1)
        def _():
            wait_loads(0)
            issue_gather(0)
            issue_loads(1, 2 * p + 3)

        return 0

    lax.fori_loop(0, NP, pair, 0)

    rbase = ebase + UP_CHUNKS_PER_TILE * CH
    pltpu.sync_copy(t.at[pl.ds(toff + rbase, UP_REM)], te)
    pltpu.sync_copy(usrc2.at[pl.ds(toff + rbase, UP_REM)], se)
    pltpu.sync_copy(udst.at[pl.ds(rbase, UP_REM)], de)
    pltpu.async_copy(xa.at[se], ge, semB).wait()

    @plsc.parallel_loop(0, UP_REM, unroll=4)
    def _(r):
        for k in range(8):
            sl = pl.ds(k * 16, 16)
            te[r, sl] = jnp.maximum(te[r, sl] + ge[r, sl], 0.0)

    pltpu.sync_copy(te, acc.at[de], add=True)

    plsc.subcore_barrier()
    rows_copy(acc, ou, r0, xoff + r0)



def _run_sc(xa, t, init, usrc_part, udst_part):
    mesh = plsc.VectorSubcoreMesh(core_axis_name="c", subcore_axis_name="s",
                                  num_cores=NC, num_subcores=NS)
    f = pl.kernel(
        _sc_body,
        out_type=jax.ShapeDtypeStruct((2 * N, 128), jnp.float32),
        mesh=mesh,
        scratch_types=[
            pltpu.VMEM_SHARED((N, 128), jnp.float32),
            pltpu.VMEM((CH, 128), jnp.float32),
            pltpu.VMEM((CH, 128), jnp.float32),
            pltpu.VMEM((CH, 128), jnp.float32),
            pltpu.VMEM((CH, 128), jnp.float32),
            pltpu.VMEM((CH,), jnp.int32),
            pltpu.VMEM((CH,), jnp.int32),
            pltpu.VMEM((CH,), jnp.int32),
            pltpu.VMEM((CH,), jnp.int32),
            pltpu.VMEM((UP_REM, 128), jnp.float32),
            pltpu.VMEM((UP_REM, 128), jnp.float32),
            pltpu.VMEM((UP_REM,), jnp.int32),
            pltpu.VMEM((UP_REM,), jnp.int32),
            pltpu.SemaphoreType.DMA,
            pltpu.SemaphoreType.DMA,
            pltpu.SemaphoreType.DMA,
            pltpu.SemaphoreType.DMA,
            pltpu.SemaphoreType.DMA,
        ],
    )
    usrc2 = jnp.concatenate([usrc_part, usrc_part + N])
    return f(xa, t, init, usrc2, udst_part)


def _bn_relu(h, g, beta):
    mu = jnp.mean(h, axis=0, keepdims=True)
    d = h - mu
    var = jnp.mean(d * d, axis=0, keepdims=True)
    return jnp.maximum(g * d * lax.rsqrt(var + 1e-5) + beta, 0.0)


def _mlp_body(ou_ref, ob_ref, wu1, bu1, wu2, bu2, wb1, bb1, wb2, bb2,
              wc, bc, gu1, betau1, gu2, betau2, gb1, betab1, gb2, betab2,
              gc, betac, out_ref):
    dot = functools.partial(jnp.dot, preferred_element_type=jnp.float32)
    u = dot(ou_ref[:N], wu1[:128]) + dot(ou_ref[N:], wu1[128:]) + bu1[...]
    u = _bn_relu(u, gu1[...], betau1[...])
    u = _bn_relu(dot(u, wu2[...]) + bu2[...], gu2[...], betau2[...])
    b = dot(ob_ref[:N], wb1[:128]) + dot(ob_ref[N:], wb1[128:]) + bb1[...]
    b = _bn_relu(b, gb1[...], betab1[...])
    b = _bn_relu(dot(b, wb2[...]) + bb2[...], gb2[...], betab2[...])
    o = dot(u, wc[:H]) + dot(b, wc[H:]) + bc[...]
    out_ref[...] = _bn_relu(o, gc[...], betac[...])


def _run_mlp(ou, ob, Wu1, bu1, Wu2, bu2, Wb1, bb1, Wb2, bb2, Wc, bc,
             gu1, betau1, gu2, betau2, gb1, betab1, gb2, betab2, gc, betac):
    row = lambda v: v.reshape(1, H)
    return pl.pallas_call(
        _mlp_body,
        out_shape=jax.ShapeDtypeStruct((N, H), jnp.float32),
    )(ou, ob, Wu1, row(bu1), Wu2, row(bu2), Wb1, row(bb1), Wb2, row(bb2),
      Wc, row(bc), row(gu1), row(betau1), row(gu2), row(betau2),
      row(gb1), row(betab1), row(gb2), row(betab2), row(gc), row(betac))


def kernel(x, up_index, up_attr, boundary_index, boundary_attr, W_mu, b_mu,
           Wu1, bu1, Wu2, bu2, Wb1, bb1, Wb2, bb2, Wc, bc, gu1, betau1,
           gu2, betau2, gb1, betab1, gb2, betab2, gc, betac):
    xa, xh, bh = _run_p1(x, boundary_attr, W_mu, b_mu)
    ob = _run_scb(xh, bh, boundary_index)
    t = _run_p2(up_attr, W_mu)
    ou = _run_sc(xa, t, xh, up_index[1], up_index[0])
    return _run_mlp(ou, ob, Wu1, bu1, Wu2, bu2, Wb1, bb1, Wb2, bb2, Wc, bc,
                    gu1, betau1, gu2, betau2, gb1, betab1, gb2, betab2,
                    gc, betac)

# --- scband reference (transcript-rebuilt; emitter-appended) ---
"""Pipeline reference for scband-sparse-cinconv-38680475468440 (READ-ONLY COPY).

The authoritative reference and input builder live on the scoring server;
editing this copy changes nothing except your own understanding.
"""

import jax, jax.numpy as jnp
import numpy as np

N = 10000; E_UP = 160000; E_B = 20000; N_B = 10000; D = 256; H = 256; EPS = 0.0

def _lin(k, fi, fo):
    s = 1.0 / np.sqrt(fi)
    kw, kb = jax.random.split(k)
    W = jax.random.uniform(kw, (fi, fo), minval=-s, maxval=s, dtype=jnp.float32)
    b = jax.random.uniform(kb, (fo,), minval=-s, maxval=s, dtype=jnp.float32)
    return W, b

def setup_inputs(seed: int = 0):
    key = jax.random.key(seed)
    ks = jax.random.split(key, 16)
    inp = {}
    inp['x'] = jax.random.normal(ks[0], (N, D), dtype=jnp.float32)
    inp['up_index'] = jax.random.randint(ks[1], (2, E_UP), 0, N, dtype=jnp.int32)
    inp['up_attr'] = jax.random.normal(ks[2], (E_UP, D), dtype=jnp.float32)
    inp['boundary_index'] = jax.random.randint(ks[3], (2, E_B), 0, N, dtype=jnp.int32)
    inp['boundary_attr'] = jax.random.normal(ks[4], (N_B, D), dtype=jnp.float32)
    inp['W_mu'], inp['b_mu'] = _lin(ks[5], 2 * D, D)
    inp['Wu1'], inp['bu1'] = _lin(ks[6], D, H)
    inp['Wu2'], inp['bu2'] = _lin(ks[7], H, H)
    inp['Wb1'], inp['bb1'] = _lin(ks[8], D, H)
    inp['Wb2'], inp['bb2'] = _lin(ks[9], H, H)
    inp['Wc'], inp['bc'] = _lin(ks[10], 2 * H, H)
    for nm in ['gu1', 'gu2', 'gb1', 'gb2', 'gc']:
        inp[nm] = jnp.ones((H,), dtype=jnp.float32)
    for nm in ['betau1', 'betau2', 'betab1', 'betab2', 'betac']:
        inp[nm] = jnp.zeros((H,), dtype=jnp.float32)
    return inp

def _bn(h, g, b, eps=1e-5):
    mu = jnp.mean(h, axis=0)
    var = jnp.var(h, axis=0)
    return g * (h - mu) / jnp.sqrt(var + eps) + b

def reference(x, up_index, up_attr, boundary_index, boundary_attr, W_mu, b_mu, Wu1, bu1, Wu2, bu2, Wb1, bb1, Wb2, bb2, Wc, bc, gu1, betau1, gu2, betau2, gb1, betab1, gb2, betab2, gc, betac):
    # message_up with use_coboundaries=True: msg_up_nn = Linear(2D, D) + ReLU over cat([x_j, up_attr])
    x_j = jnp.take(x, up_index[1], axis=0)
    m_up = jax.nn.relu(jnp.concatenate([x_j, up_attr], axis=-1) @ W_mu + b_mu)
    out_up = jnp.zeros((x.shape[0], D), dtype=x.dtype).at[up_index[0]].add(m_up)
    # message_boundary: identity over gathered boundary_attr, scatter-add to cells
    b_x = jnp.take(boundary_attr, boundary_index[0], axis=0)
    out_b = jnp.zeros_like(x).at[boundary_index[1]].add(b_x)
    # GIN-style residual with eps
    out_up = out_up + (1.0 + EPS) * x
    out_b = out_b + (1.0 + EPS) * x
    # update_up_nn / update_boundaries_nn: conv_type 'B' => [Linear, BN, ReLU] x 2
    out_up = jax.nn.relu(_bn(out_up @ Wu1 + bu1, gu1, betau1))
    out_up = jax.nn.relu(_bn(out_up @ Wu2 + bu2, gu2, betau2))
    out_b = jax.nn.relu(_bn(out_b @ Wb1 + bb1, gb1, betab1))
    out_b = jax.nn.relu(_bn(out_b @ Wb2 + bb2, gb2, betab2))
    # combine_nn: Linear(2H, H) + BN + ReLU over concat
    out = jax.nn.relu(_bn(jnp.concatenate([out_up, out_b], axis=-1) @ Wc + bc, gc, betac))
    return out

if __name__ == "__main__":
    import jax
    _d = setup_inputs()
    print(jax.jit(kernel)(*tuple(_d.values())))

</pallas_src>

<mosaic_0001>
#map = affine_map<(d0, d1) -> (0, 0)>
#map1 = affine_map<(d0, d1) -> (0)>
module attributes {stable_mosaic.version = 14 : i64} {
  func.func @_scb_body(%arg0: i32, %arg1: i32, %arg2: memref<20000x128xf32, #tpu.memory_space<hbm>>, %arg3: memref<20000x128xf32, #tpu.memory_space<hbm>>, %arg4: memref<40000xi32, #tpu.memory_space<hbm>>, %arg5: memref<20000xi32, #tpu.memory_space<hbm>>, %arg6: memref<20000x128xf32, #tpu.memory_space<hbm>>, %arg7: memref<10000x128xf32, #tpu.memory_space<vmem_shared>>, %arg8: memref<80x128xf32, #tpu.memory_space<vmem>>, %arg9: memref<80xi32, #tpu.memory_space<vmem>>, %arg10: memref<80xi32, #tpu.memory_space<vmem>>, %arg11: memref<!tpu.dma_semaphore, #tpu.memory_space<semaphore_mem>>) attributes {dimension_semantics = [#tpu.dimension_semantics<core_parallel>, #tpu.dimension_semantics<subcore_parallel>], iteration_bounds = array<i64: 2, 16>, scalar_prefetch = 0 : i64, scratch_operands = 5 : i64, tpu.core_type = #tpu.core_type<sc_vector_subcore>, window_params = [{transform_indices = #map}, {transform_indices = #map}, {transform_indices = #map1}, {transform_indices = #map1}, {transform_indices = #map}]} {
    %mul3A = arith.constant 640 : i32
    %mul3A_0 = arith.muli %arg1, %mul3A : i32
    %mul3A_1 = arith.constant 10000 : i32
    %mul3A_2 = arith.muli %arg0, %mul3A_1 : i32
    %add3A = arith.addi %mul3A_2, %mul3A_0 : i32
    %lt3A = arith.constant 15 : i32
    %lt3A_3 = arith.cmpi slt, %arg1, %lt3A : i32
    %convert_element_type3A = arith.extui %lt3A_3 : i1 to i32
    %cond3A = arith.constant 0 : i32
    %cond3A_4 = arith.cmpi ne, %convert_element_type3A, %cond3A : i32
    scf.if %cond3A_4 {
      "tpu.region"() ({
        %run_scoped3A = tpu.sem_alloc : memref<!tpu.dma_semaphore, #tpu.memory_space<semaphore_mem>>
        %dma_start3A = arith.constant 0 : i32
        %dma_start3A_54 = tpu.memref_slice %arg7[%mul3A_0, %dma_start3A] : memref<10000x128xf32, #tpu.memory_space<vmem_shared>> -> memref<640x128xf32, #tpu.memory_space<vmem_shared>>
        %dma_start3A_55 = arith.constant 0 : i32
        %dma_start3A_56 = tpu.memref_slice %arg2[%add3A, %dma_start3A_55] : memref<20000x128xf32, #tpu.memory_space<hbm>> -> memref<640x128xf32, #tpu.memory_space<hbm>>
        tpu.enqueue_dma source(%dma_start3A_56 : memref<640x128xf32, #tpu.memory_space<hbm>>) target(%dma_start3A_54 : memref<640x128xf32, #tpu.memory_space<vmem_shared>>) target_semaphore(%run_scoped3A : memref<!tpu.dma_semaphore, #tpu.memory_space<semaphore_mem>>)
        %dma_wait3A = arith.constant 0 : i32
        %dma_wait3A_57 = tpu.memref_slice %arg7[%mul3A_0, %dma_wait3A] : memref<10000x128xf32, #tpu.memory_space<vmem_shared>> -> memref<640x128xf32, #tpu.memory_space<vmem_shared>>
        %dma_wait3A_58 = arith.constant 0 : i32
        %dma_wait3A_59 = tpu.memref_slice %arg2[%add3A, %dma_wait3A_58] : memref<20000x128xf32, #tpu.memory_space<hbm>> -> memref<640x128xf32, #tpu.memory_space<hbm>>
        tpu.wait_dma2 semaphore(%run_scoped3A : memref<!tpu.dma_semaphore, #tpu.memory_space<semaphore_mem>>) src(%dma_wait3A_59 : memref<640x128xf32, #tpu.memory_space<hbm>>) dst(%dma_wait3A_57 : memref<640x128xf32, #tpu.memory_space<vmem_shared>>)
        tpu.yield
      }) : () -> ()
    } else {
    }
    %eq3A = arith.constant 15 : i32
    %eq3A_5 = arith.cmpi eq, %arg1, %eq3A : i32
    %convert_element_type3A_6 = arith.extui %eq3A_5 : i1 to i32
    %cond3A_7 = arith.constant 0 : i32
    %cond3A_8 = arith.cmpi ne, %convert_element_type3A_6, %cond3A_7 : i32
    scf.if %cond3A_8 {
      "tpu.region"() ({
        %run_scoped3A = tpu.sem_alloc : memref<!tpu.dma_semaphore, #tpu.memory_space<semaphore_mem>>
        %dma_start3A = arith.constant 0 : i32
        %dma_start3A_54 = tpu.memref_slice %arg7[%mul3A_0, %dma_start3A] : memref<10000x128xf32, #tpu.memory_space<vmem_shared>> -> memref<400x128xf32, #tpu.memory_space<vmem_shared>>
        %dma_start3A_55 = arith.constant 0 : i32
        %dma_start3A_56 = tpu.memref_slice %arg2[%add3A, %dma_start3A_55] : memref<20000x128xf32, #tpu.memory_space<hbm>> -> memref<400x128xf32, #tpu.memory_space<hbm>>
        tpu.enqueue_dma source(%dma_start3A_56 : memref<400x128xf32, #tpu.memory_space<hbm>>) target(%dma_start3A_54 : memref<400x128xf32, #tpu.memory_space<vmem_shared>>) target_semaphore(%run_scoped3A : memref<!tpu.dma_semaphore, #tpu.memory_space<semaphore_mem>>)
        %dma_wait3A = arith.constant 0 : i32
        %dma_wait3A_57 = tpu.memref_slice %arg7[%mul3A_0, %dma_wait3A] : memref<10000x128xf32, #tpu.memory_space<vmem_shared>> -> memref<400x128xf32, #tpu.memory_space<vmem_shared>>
        %dma_wait3A_58 = arith.constant 0 : i32
        %dma_wait3A_59 = tpu.memref_slice %arg2[%add3A, %dma_wait3A_58] : memref<20000x128xf32, #tpu.memory_space<hbm>> -> memref<400x128xf32, #tpu.memory_space<hbm>>
        tpu.wait_dma2 semaphore(%run_scoped3A : memref<!tpu.dma_semaphore, #tpu.memory_space<semaphore_mem>>) src(%dma_wait3A_59 : memref<400x128xf32, #tpu.memory_space<hbm>>) dst(%dma_wait3A_57 : memref<400x128xf32, #tpu.memory_space<vmem_shared>>)
        tpu.yield
      }) : () -> ()
    } else {
    }
    %barrier3A = arith.constant 0 : index
    tpu.barrier barrier_id(%barrier3A)
    %sub3A = arith.constant 250 : i32
    %sub3A_9 = arith.subi %sub3A, %arg1 : i32
    %add3A_10 = arith.constant 16 : i32
    %add3A_11 = arith.addi %sub3A_9, %add3A_10 : i32
    %sub3A_12 = arith.constant 1 : i32
    %sub3A_13 = arith.subi %add3A_11, %sub3A_12 : i32
    %jit3A = arith.constant 16 : i32
    %div3A = arith.divsi %sub3A_13, %jit3A : i32
    %sign3A = arith.constant 0 : i32
    %sign3A_14 = arith.cmpi sgt, %sub3A_13, %sign3A : i32
    %sign3A_15 = arith.extui %sign3A_14 : i1 to i32
    %sign3A_16 = arith.constant 0 : i32
    %sign3A_17 = arith.cmpi slt, %sub3A_13, %sign3A_16 : i32
    %sign3A_18 = arith.extui %sign3A_17 : i1 to i32
    %sign3A_19 = arith.subi %sign3A_15, %sign3A_18 : i32
    %sign3A_20 = arith.constant 0 : i32
    %sign3A_21 = arith.cmpi sgt, %jit3A, %sign3A_20 : i32
    %sign3A_22 = arith.extui %sign3A_21 : i1 to i32
    %sign3A_23 = arith.constant 0 : i32
    %sign3A_24 = arith.cmpi slt, %jit3A, %sign3A_23 : i32
    %sign3A_25 = arith.extui %sign3A_24 : i1 to i32
    %sign3A_26 = arith.subi %sign3A_22, %sign3A_25 : i32
    %ne3A = arith.cmpi ne, %sign3A_19, %sign3A_26 : i32
    %rem3A = arith.remsi %sub3A_13, %jit3A : i32
    %ne3A_27 = arith.constant 0 : i32
    %ne3A_28 = arith.cmpi ne, %rem3A, %ne3A_27 : i32
    %and3A = arith.andi %ne3A, %ne3A_28 : i1
    %sub3A_29 = arith.constant 1 : i32
    %sub3A_30 = arith.subi %div3A, %sub3A_29 : i32
    %select_n3A = arith.select %and3A, %sub3A_30, %div3A : i32
    %while3A = arith.constant 0 : i32
    %while3A_31 = arith.constant 0 : i32
    %while3A_32 = arith.subi %select_n3A, %while3A : i32
    %while3A_33 = arith.addi %while3A, %while3A_32 : i32
    %while3A_34 = arith.constant 1 : i32
    %while3A_35 = arith.divsi %while3A_32, %while3A_34 : i32
    %while3A_36 = arith.muli %while3A_35, %while3A_34 : i32
    %while3A_37 = arith.addi %while3A, %while3A_36 : i32
    %while3A_38 = arith.constant 1 : i32
    %while3A_39 = scf.for %while3A_54 = %while3A to %while3A_37 step %while3A_38 iter_args(%while3A_55 = %while3A_31) -> (i32)  : i32 {
      %mul3A_56 = arith.constant 16 : i32
      %mul3A_57 = arith.muli %while3A_54, %mul3A_56 : i32
      %add3A_58 = arith.addi %arg1, %mul3A_57 : i32
      %mul3A_59 = arith.constant 80 : i32
      %mul3A_60 = arith.muli %add3A_58, %mul3A_59 : i32
      %mul3A_61 = arith.constant 20000 : i32
      %mul3A_62 = arith.muli %arg0, %mul3A_61 : i32
      %add3A_63 = arith.addi %mul3A_62, %mul3A_60 : i32
      "tpu.region"() ({
        %run_scoped3A = tpu.sem_alloc : memref<!tpu.dma_semaphore, #tpu.memory_space<semaphore_mem>>
        %dma_start3A_69 = tpu.memref_slice %arg4[%add3A_63] : memref<40000xi32, #tpu.memory_space<hbm>> -> memref<80xi32, #tpu.memory_space<hbm>>
        %dma_start3A_70 = tpu.memref_slice %arg4[%add3A_63] : memref<40000xi32, #tpu.memory_space<hbm>> -> memref<80xi32, #tpu.memory_space<hbm>>
        tpu.enqueue_dma source(%dma_start3A_70 : memref<80xi32, #tpu.memory_space<hbm>>) target(%arg9 : memref<80xi32, #tpu.memory_space<vmem>>) target_semaphore(%run_scoped3A : memref<!tpu.dma_semaphore, #tpu.memory_space<semaphore_mem>>)
        %dma_wait3A_71 = tpu.memref_slice %arg4[%add3A_63] : memref<40000xi32, #tpu.memory_space<hbm>> -> memref<80xi32, #tpu.memory_space<hbm>>
        %dma_wait3A_72 = tpu.memref_slice %arg4[%add3A_63] : memref<40000xi32, #tpu.memory_space<hbm>> -> memref<80xi32, #tpu.memory_space<hbm>>
        tpu.wait_dma2 semaphore(%run_scoped3A : memref<!tpu.dma_semaphore, #tpu.memory_space<semaphore_mem>>) src(%dma_wait3A_72 : memref<80xi32, #tpu.memory_space<hbm>>) dst(%arg9 : memref<80xi32, #tpu.memory_space<vmem>>)
        tpu.yield
      }) : () -> ()
      "tpu.region"() ({
        %run_scoped3A = tpu.sem_alloc : memref<!tpu.dma_semaphore, #tpu.memory_space<semaphore_mem>>
        %dma_start3A_69 = tpu.memref_slice %arg5[%mul3A_60] : memref<20000xi32, #tpu.memory_space<hbm>> -> memref<80xi32, #tpu.memory_space<hbm>>
        %dma_start3A_70 = tpu.memref_slice %arg5[%mul3A_60] : memref<20000xi32, #tpu.memory_space<hbm>> -> memref<80xi32, #tpu.memory_space<hbm>>
        tpu.enqueue_dma source(%dma_start3A_70 : memref<80xi32, #tpu.memory_space<hbm>>) target(%arg10 : memref<80xi32, #tpu.memory_space<vmem>>) target_semaphore(%run_scoped3A : memref<!tpu.dma_semaphore, #tpu.memory_space<semaphore_mem>>)
        %dma_wait3A_71 = tpu.memref_slice %arg5[%mul3A_60] : memref<20000xi32, #tpu.memory_space<hbm>> -> memref<80xi32, #tpu.memory_space<hbm>>
        %dma_wait3A_72 = tpu.memref_slice %arg5[%mul3A_60] : memref<20000xi32, #tpu.memory_space<hbm>> -> memref<80xi32, #tpu.memory_space<hbm>>
        tpu.wait_dma2 semaphore(%run_scoped3A : memref<!tpu.dma_semaphore, #tpu.memory_space<semaphore_mem>>) src(%dma_wait3A_72 : memref<80xi32, #tpu.memory_space<hbm>>) dst(%arg10 : memref<80xi32, #tpu.memory_space<vmem>>)
        tpu.yield
      }) : () -> ()
      %dma_start3A = arith.constant 0 : i32
      %dma_start3A_64 = arith.constant 0 : i32
      %dma_start3A_65 = tpu.memref_slice %arg3[%dma_start3A, %dma_start3A_64] : memref<20000x128xf32, #tpu.memory_space<hbm>> -> memref<20000x128xf32, #tpu.memory_space<hbm>>
      tpu.enqueue_indirect_dma source(%dma_start3A_65 : memref<20000x128xf32, #tpu.memory_space<hbm>>) target(%arg8 : memref<80x128xf32, #tpu.memory_space<vmem>>) offsets(%arg9 : memref<80xi32, #tpu.memory_space<vmem>>) semaphore(%arg11 : memref<!tpu.dma_semaphore, #tpu.memory_space<semaphore_mem>>)
      %dma_wait3A = arith.constant 0 : i32
      %dma_wait3A_66 = arith.constant 0 : i32
      %dma_wait3A_67 = tpu.memref_slice %arg3[%dma_wait3A, %dma_wait3A_66] : memref<20000x128xf32, #tpu.memory_space<hbm>> -> memref<20000x128xf32, #tpu.memory_space<hbm>>
      tpu.wait_indirect_dma semaphore(%arg11 : memref<!tpu.dma_semaphore, #tpu.memory_space<semaphore_mem>>) src(%dma_wait3A_67 : memref<20000x128xf32, #tpu.memory_space<hbm>>) dst(%arg8 : memref<80x128xf32, #tpu.memory_space<vmem>>)
      "tpu.region"() ({
        %run_scoped3A = tpu.sem_alloc : memref<!tpu.dma_semaphore, #tpu.memory_space<semaphore_mem>>
        %dma_start3A_69 = arith.constant 0 : i32
        %dma_start3A_70 = arith.constant 0 : i32
        %dma_start3A_71 = tpu.memref_slice %arg7[%dma_start3A_69, %dma_start3A_70] : memref<10000x128xf32, #tpu.memory_space<vmem_shared>> -> memref<10000x128xf32, #tpu.memory_space<vmem_shared>>
        tpu.enqueue_indirect_dma source(%arg8 : memref<80x128xf32, #tpu.memory_space<vmem>>) target(%dma_start3A_71 : memref<10000x128xf32, #tpu.memory_space<vmem_shared>>) offsets(%arg10 : memref<80xi32, #tpu.memory_space<vmem>>) semaphore(%run_scoped3A : memref<!tpu.dma_semaphore, #tpu.memory_space<semaphore_mem>>) {add = true}
        %dma_wait3A_72 = arith.constant 0 : i32
        %dma_wait3A_73 = arith.constant 0 : i32
        %dma_wait3A_74 = tpu.memref_slice %arg7[%dma_wait3A_72, %dma_wait3A_73] : memref<10000x128xf32, #tpu.memory_space<vmem_shared>> -> memref<10000x128xf32, #tpu.memory_space<vmem_shared>>
        tpu.wait_indirect_dma semaphore(%run_scoped3A : memref<!tpu.dma_semaphore, #tpu.memory_space<semaphore_mem>>) src(%arg8 : memref<80x128xf32, #tpu.memory_space<vmem>>) dst(%dma_wait3A_74 : memref<10000x128xf32, #tpu.memory_space<vmem_shared>>)
        tpu.yield
      }) : () -> ()
      %while3A_68 = arith.constant 0 : i32
      scf.yield %while3A_68 : i32
    }
    %while3A_40 = arith.constant 1 : i32
    %while3A_41 = scf.for %while3A_54 = %while3A_37 to %while3A_33 step %while3A_40 iter_args(%while3A_55 = %while3A_39) -> (i32)  : i32 {
      %mul3A_56 = arith.constant 16 : i32
      %mul3A_57 = arith.muli %while3A_54, %mul3A_56 : i32
      %add3A_58 = arith.addi %arg1, %mul3A_57 : i32
      %mul3A_59 = arith.constant 80 : i32
      %mul3A_60 = arith.muli %add3A_58, %mul3A_59 : i32
      %mul3A_61 = arith.constant 20000 : i32
      %mul3A_62 = arith.muli %arg0, %mul3A_61 : i32
      %add3A_63 = arith.addi %mul3A_62, %mul3A_60 : i32
      "tpu.region"() ({
        %run_scoped3A = tpu.sem_alloc : memref<!tpu.dma_semaphore, #tpu.memory_space<semaphore_mem>>
        %dma_start3A_69 = tpu.memref_slice %arg4[%add3A_63] : memref<40000xi32, #tpu.memory_space<hbm>> -> memref<80xi32, #tpu.memory_space<hbm>>
        %dma_start3A_70 = tpu.memref_slice %arg4[%add3A_63] : memref<40000xi32, #tpu.memory_space<hbm>> -> memref<80xi32, #tpu.memory_space<hbm>>
        tpu.enqueue_dma source(%dma_start3A_70 : memref<80xi32, #tpu.memory_space<hbm>>) target(%arg9 : memref<80xi32, #tpu.memory_space<vmem>>) target_semaphore(%run_scoped3A : memref<!tpu.dma_semaphore, #tpu.memory_space<semaphore_mem>>)
        %dma_wait3A_71 = tpu.memref_slice %arg4[%add3A_63] : memref<40000xi32, #tpu.memory_space<hbm>> -> memref<80xi32, #tpu.memory_space<hbm>>
        %dma_wait3A_72 = tpu.memref_slice %arg4[%add3A_63] : memref<40000xi32, #tpu.memory_space<hbm>> -> memref<80xi32, #tpu.memory_space<hbm>>
        tpu.wait_dma2 semaphore(%run_scoped3A : memref<!tpu.dma_semaphore, #tpu.memory_space<semaphore_mem>>) src(%dma_wait3A_72 : memref<80xi32, #tpu.memory_space<hbm>>) dst(%arg9 : memref<80xi32, #tpu.memory_space<vmem>>)
        tpu.yield
      }) : () -> ()
      "tpu.region"() ({
        %run_scoped3A = tpu.sem_alloc : memref<!tpu.dma_semaphore, #tpu.memory_space<semaphore_mem>>
        %dma_start3A_69 = tpu.memref_slice %arg5[%mul3A_60] : memref<20000xi32, #tpu.memory_space<hbm>> -> memref<80xi32, #tpu.memory_space<hbm>>
        %dma_start3A_70 = tpu.memref_slice %arg5[%mul3A_60] : memref<20000xi32, #tpu.memory_space<hbm>> -> memref<80xi32, #tpu.memory_space<hbm>>
        tpu.enqueue_dma source(%dma_start3A_70 : memref<80xi32, #tpu.memory_space<hbm>>) target(%arg10 : memref<80xi32, #tpu.memory_space<vmem>>) target_semaphore(%run_scoped3A : memref<!tpu.dma_semaphore, #tpu.memory_space<semaphore_mem>>)
        %dma_wait3A_71 = tpu.memref_slice %arg5[%mul3A_60] : memref<20000xi32, #tpu.memory_space<hbm>> -> memref<80xi32, #tpu.memory_space<hbm>>
        %dma_wait3A_72 = tpu.memref_slice %arg5[%mul3A_60] : memref<20000xi32, #tpu.memory_space<hbm>> -> memref<80xi32, #tpu.memory_space<hbm>>
        tpu.wait_dma2 semaphore(%run_scoped3A : memref<!tpu.dma_semaphore, #tpu.memory_space<semaphore_mem>>) src(%dma_wait3A_72 : memref<80xi32, #tpu.memory_space<hbm>>) dst(%arg10 : memref<80xi32, #tpu.memory_space<vmem>>)
        tpu.yield
      }) : () -> ()
      %dma_start3A = arith.constant 0 : i32
      %dma_start3A_64 = arith.constant 0 : i32
      %dma_start3A_65 = tpu.memref_slice %arg3[%dma_start3A, %dma_start3A_64] : memref<20000x128xf32, #tpu.memory_space<hbm>> -> memref<20000x128xf32, #tpu.memory_space<hbm>>
      tpu.enqueue_indirect_dma source(%dma_start3A_65 : memref<20000x128xf32, #tpu.memory_space<hbm>>) target(%arg8 : memref<80x128xf32, #tpu.memory_space<vmem>>) offsets(%arg9 : memref<80xi32, #tpu.memory_space<vmem>>) semaphore(%arg11 : memref<!tpu.dma_semaphore, #tpu.memory_space<semaphore_mem>>)
      %dma_wait3A = arith.constant 0 : i32
      %dma_wait3A_66 = arith.constant 0 : i32
      %dma_wait3A_67 = tpu.memref_slice %arg3[%dma_wait3A, %dma_wait3A_66] : memref<20000x128xf32, #tpu.memory_space<hbm>> -> memref<20000x128xf32, #tpu.memory_space<hbm>>
      tpu.wait_indirect_dma semaphore(%arg11 : memref<!tpu.dma_semaphore, #tpu.memory_space<semaphore_mem>>) src(%dma_wait3A_67 : memref<20000x128xf32, #tpu.memory_space<hbm>>) dst(%arg8 : memref<80x128xf32, #tpu.memory_space<vmem>>)
      "tpu.region"() ({
        %run_scoped3A = tpu.sem_alloc : memref<!tpu.dma_semaphore, #tpu.memory_space<semaphore_mem>>
        %dma_start3A_69 = arith.constant 0 : i32
        %dma_start3A_70 = arith.constant 0 : i32
        %dma_start3A_71 = tpu.memref_slice %arg7[%dma_start3A_69, %dma_start3A_70] : memref<10000x128xf32, #tpu.memory_space<vmem_shared>> -> memref<10000x128xf32, #tpu.memory_space<vmem_shared>>
        tpu.enqueue_indirect_dma source(%arg8 : memref<80x128xf32, #tpu.memory_space<vmem>>) target(%dma_start3A_71 : memref<10000x128xf32, #tpu.memory_space<vmem_shared>>) offsets(%arg10 : memref<80xi32, #tpu.memory_space<vmem>>) semaphore(%run_scoped3A : memref<!tpu.dma_semaphore, #tpu.memory_space<semaphore_mem>>) {add = true}
        %dma_wait3A_72 = arith.constant 0 : i32
        %dma_wait3A_73 = arith.constant 0 : i32
        %dma_wait3A_74 = tpu.memref_slice %arg7[%dma_wait3A_72, %dma_wait3A_73] : memref<10000x128xf32, #tpu.memory_space<vmem_shared>> -> memref<10000x128xf32, #tpu.memory_space<vmem_shared>>
        tpu.wait_indirect_dma semaphore(%run_scoped3A : memref<!tpu.dma_semaphore, #tpu.memory_space<semaphore_mem>>) src(%arg8 : memref<80x128xf32, #tpu.memory_space<vmem>>) dst(%dma_wait3A_74 : memref<10000x128xf32, #tpu.memory_space<vmem_shared>>)
        tpu.yield
      }) : () -> ()
      %while3A_68 = arith.constant 0 : i32
      scf.yield %while3A_68 : i32
    }
    %barrier3A_42 = arith.constant 0 : index
    tpu.barrier barrier_id(%barrier3A_42)
    %add3A_43 = arith.addi %mul3A_2, %mul3A_0 : i32
    %lt3A_44 = arith.constant 15 : i32
    %lt3A_45 = arith.cmpi slt, %arg1, %lt3A_44 : i32
    %convert_element_type3A_46 = arith.extui %lt3A_45 : i1 to i32
    %cond3A_47 = arith.constant 0 : i32
    %cond3A_48 = arith.cmpi ne, %convert_element_type3A_46, %cond3A_47 : i32
    scf.if %cond3A_48 {
      "tpu.region"() ({
        %run_scoped3A = tpu.sem_alloc : memref<!tpu.dma_semaphore, #tpu.memory_space<semaphore_mem>>
        %dma_start3A = arith.constant 0 : i32
        %dma_start3A_54 = tpu.memref_slice %arg6[%add3A_43, %dma_start3A] : memref<20000x128xf32, #tpu.memory_space<hbm>> -> memref<640x128xf32, #tpu.memory_space<hbm>>
        %dma_start3A_55 = arith.constant 0 : i32
        %dma_start3A_56 = tpu.memref_slice %arg7[%mul3A_0, %dma_start3A_55] : memref<10000x128xf32, #tpu.memory_space<vmem_shared>> -> memref<640x128xf32, #tpu.memory_space<vmem_shared>>
        tpu.enqueue_dma source(%dma_start3A_56 : memref<640x128xf32, #tpu.memory_space<vmem_shared>>) target(%dma_start3A_54 : memref<640x128xf32, #tpu.memory_space<hbm>>) target_semaphore(%run_scoped3A : memref<!tpu.dma_semaphore, #tpu.memory_space<semaphore_mem>>)
        %dma_wait3A = arith.constant 0 : i32
        %dma_wait3A_57 = tpu.memref_slice %arg6[%add3A_43, %dma_wait3A] : memref<20000x128xf32, #tpu.memory_space<hbm>> -> memref<640x128xf32, #tpu.memory_space<hbm>>
        %dma_wait3A_58 = arith.constant 0 : i32
        %dma_wait3A_59 = tpu.memref_slice %arg7[%mul3A_0, %dma_wait3A_58] : memref<10000x128xf32, #tpu.memory_space<vmem_shared>> -> memref<640x128xf32, #tpu.memory_space<vmem_shared>>
        tpu.wait_dma2 semaphore(%run_scoped3A : memref<!tpu.dma_semaphore, #tpu.memory_space<semaphore_mem>>) src(%dma_wait3A_59 : memref<640x128xf32, #tpu.memory_space<vmem_shared>>) dst(%dma_wait3A_57 : memref<640x128xf32, #tpu.memory_space<hbm>>)
        tpu.yield
      }) : () -> ()
    } else {
    }
    %eq3A_49 = arith.constant 15 : i32
    %eq3A_50 = arith.cmpi eq, %arg1, %eq3A_49 : i32
    %convert_element_type3A_51 = arith.extui %eq3A_50 : i1 to i32
    %cond3A_52 = arith.constant 0 : i32
    %cond3A_53 = arith.cmpi ne, %convert_element_type3A_51, %cond3A_52 : i32
    scf.if %cond3A_53 {
      "tpu.region"() ({
        %run_scoped3A = tpu.sem_alloc : memref<!tpu.dma_semaphore, #tpu.memory_space<semaphore_mem>>
        %dma_start3A = arith.constant 0 : i32
        %dma_start3A_54 = tpu.memref_slice %arg6[%add3A_43, %dma_start3A] : memref<20000x128xf32, #tpu.memory_space<hbm>> -> memref<400x128xf32, #tpu.memory_space<hbm>>
        %dma_start3A_55 = arith.constant 0 : i32
        %dma_start3A_56 = tpu.memref_slice %arg7[%mul3A_0, %dma_start3A_55] : memref<10000x128xf32, #tpu.memory_space<vmem_shared>> -> memref<400x128xf32, #tpu.memory_space<vmem_shared>>
        tpu.enqueue_dma source(%dma_start3A_56 : memref<400x128xf32, #tpu.memory_space<vmem_shared>>) target(%dma_start3A_54 : memref<400x128xf32, #tpu.memory_space<hbm>>) target_semaphore(%run_scoped3A : memref<!tpu.dma_semaphore, #tpu.memory_space<semaphore_mem>>)
        %dma_wait3A = arith.constant 0 : i32
        %dma_wait3A_57 = tpu.memref_slice %arg6[%add3A_43, %dma_wait3A] : memref<20000x128xf32, #tpu.memory_space<hbm>> -> memref<400x128xf32, #tpu.memory_space<hbm>>
        %dma_wait3A_58 = arith.constant 0 : i32
        %dma_wait3A_59 = tpu.memref_slice %arg7[%mul3A_0, %dma_wait3A_58] : memref<10000x128xf32, #tpu.memory_space<vmem_shared>> -> memref<400x128xf32, #tpu.memory_space<vmem_shared>>
        tpu.wait_dma2 semaphore(%run_scoped3A : memref<!tpu.dma_semaphore, #tpu.memory_space<semaphore_mem>>) src(%dma_wait3A_59 : memref<400x128xf32, #tpu.memory_space<vmem_shared>>) dst(%dma_wait3A_57 : memref<400x128xf32, #tpu.memory_space<hbm>>)
        tpu.yield
      }) : () -> ()
    } else {
    }
    return
  }
}

#map = affine_map<(d0, d1) -> (0, 0)>
#map1 = affine_map<(d0, d1) -> (0)>
module attributes {stable_mosaic.version = 14 : i64} {
  func.func @_sc_body(%arg0: i32, %arg1: i32, %arg2: memref<20000x128xf32, #tpu.memory_space<hbm>>, %arg3: memref<320000x128xf32, #tpu.memory_space<hbm>>, %arg4: memref<20000x128xf32, #tpu.memory_space<hbm>>, %arg5: memref<320000xi32, #tpu.memory_space<hbm>>, %arg6: memref<160000xi32, #tpu.memory_space<hbm>>, %arg7: memref<20000x128xf32, #tpu.memory_space<hbm>>, %arg8: memref<10000x128xf32, #tpu.memory_space<vmem_shared>>, %arg9: memref<64x128xf32, #tpu.memory_space<vmem>>, %arg10: memref<64x128xf32, #tpu.memory_space<vmem>>, %arg11: memref<64x128xf32, #tpu.memory_space<vmem>>, %arg12: memref<64x128xf32, #tpu.memory_space<vmem>>, %arg13: memref<64xi32, #tpu.memory_space<vmem>>, %arg14: memref<64xi32, #tpu.memory_space<vmem>>, %arg15: memref<64xi32, #tpu.memory_space<vmem>>, %arg16: memref<64xi32, #tpu.memory_space<vmem>>, %arg17: memref<16x128xf32, #tpu.memory_space<vmem>>, %arg18: memref<16x128xf32, #tpu.memory_space<vmem>>, %arg19: memref<16xi32, #tpu.memory_space<vmem>>, %arg20: memref<16xi32, #tpu.memory_space<vmem>>, %arg21: memref<!tpu.dma_semaphore, #tpu.memory_space<semaphore_mem>>, %arg22: memref<!tpu.dma_semaphore, #tpu.memory_space<semaphore_mem>>, %arg23: memref<!tpu.dma_semaphore, #tpu.memory_space<semaphore_mem>>, %arg24: memref<!tpu.dma_semaphore, #tpu.memory_space<semaphore_mem>>, %arg25: memref<!tpu.dma_semaphore, #tpu.memory_space<semaphore_mem>>) attributes {dimension_semantics = [#tpu.dimension_semantics<core_parallel>, #tpu.dimension_semantics<subcore_parallel>], iteration_bounds = array<i64: 2, 16>, scalar_prefetch = 0 : i64, scratch_operands = 18 : i64, tpu.core_type = #tpu.core_type<sc_vector_subcore>, window_params = [{transform_indices = #map}, {transform_indices = #map}, {transform_indices = #map}, {transform_indices = #map1}, {transform_indices = #map1}, {transform_indices = #map}]} {
    %mul3A = arith.constant 640 : i32
    %mul3A_0 = arith.muli %arg1, %mul3A : i32
    %mul3A_1 = arith.constant 10000 : i32
    %mul3A_2 = arith.muli %arg0, %mul3A_1 : i32
    %mul3A_3 = arith.constant 160000 : i32
    %mul3A_4 = arith.muli %arg0, %mul3A_3 : i32
    %mul3A_5 = arith.constant 10000 : i32
    %mul3A_6 = arith.muli %arg1, %mul3A_5 : i32
    %add3A = arith.addi %mul3A_2, %mul3A_0 : i32
    %lt3A = arith.constant 15 : i32
    %lt3A_7 = arith.cmpi slt, %arg1, %lt3A : i32
    %convert_element_type3A = arith.extui %lt3A_7 : i1 to i32
    %cond3A = arith.constant 0 : i32
    %cond3A_8 = arith.cmpi ne, %convert_element_type3A, %cond3A : i32
    scf.if %cond3A_8 {
      "tpu.region"() ({
        %run_scoped3A = tpu.sem_alloc : memref<!tpu.dma_semaphore, #tpu.memory_space<semaphore_mem>>
        %dma_start3A_78 = arith.constant 0 : i32
        %dma_start3A_79 = tpu.memref_slice %arg8[%mul3A_0, %dma_start3A_78] : memref<10000x128xf32, #tpu.memory_space<vmem_shared>> -> memref<640x128xf32, #tpu.memory_space<vmem_shared>>
        %dma_start3A_80 = arith.constant 0 : i32
        %dma_start3A_81 = tpu.memref_slice %arg4[%add3A, %dma_start3A_80] : memref<20000x128xf32, #tpu.memory_space<hbm>> -> memref<640x128xf32, #tpu.memory_space<hbm>>
        tpu.enqueue_dma source(%dma_start3A_81 : memref<640x128xf32, #tpu.memory_space<hbm>>) target(%dma_start3A_79 : memref<640x128xf32, #tpu.memory_space<vmem_shared>>) target_semaphore(%run_scoped3A : memref<!tpu.dma_semaphore, #tpu.memory_space<semaphore_mem>>)
        %dma_wait3A_82 = arith.constant 0 : i32
        %dma_wait3A_83 = tpu.memref_slice %arg8[%mul3A_0, %dma_wait3A_82] : memref<10000x128xf32, #tpu.memory_space<vmem_shared>> -> memref<640x128xf32, #tpu.memory_space<vmem_shared>>
        %dma_wait3A_84 = arith.constant 0 : i32
        %dma_wait3A_85 = tpu.memref_slice %arg4[%add3A, %dma_wait3A_84] : memref<20000x128xf32, #tpu.memory_space<hbm>> -> memref<640x128xf32, #tpu.memory_space<hbm>>
        tpu.wait_dma2 semaphore(%run_scoped3A : memref<!tpu.dma_semaphore, #tpu.memory_space<semaphore_mem>>) src(%dma_wait3A_85 : memref<640x128xf32, #tpu.memory_space<hbm>>) dst(%dma_wait3A_83 : memref<640x128xf32, #tpu.memory_space<vmem_shared>>)
        tpu.yield
      }) : () -> ()
    } else {
    }
    %eq3A = arith.constant 15 : i32
    %eq3A_9 = arith.cmpi eq, %arg1, %eq3A : i32
    %convert_element_type3A_10 = arith.extui %eq3A_9 : i1 to i32
    %cond3A_11 = arith.constant 0 : i32
    %cond3A_12 = arith.cmpi ne, %convert_element_type3A_10, %cond3A_11 : i32
    scf.if %cond3A_12 {
      "tpu.region"() ({
        %run_scoped3A = tpu.sem_alloc : memref<!tpu.dma_semaphore, #tpu.memory_space<semaphore_mem>>
        %dma_start3A_78 = arith.constant 0 : i32
        %dma_start3A_79 = tpu.memref_slice %arg8[%mul3A_0, %dma_start3A_78] : memref<10000x128xf32, #tpu.memory_space<vmem_shared>> -> memref<400x128xf32, #tpu.memory_space<vmem_shared>>
        %dma_start3A_80 = arith.constant 0 : i32
        %dma_start3A_81 = tpu.memref_slice %arg4[%add3A, %dma_start3A_80] : memref<20000x128xf32, #tpu.memory_space<hbm>> -> memref<400x128xf32, #tpu.memory_space<hbm>>
        tpu.enqueue_dma source(%dma_start3A_81 : memref<400x128xf32, #tpu.memory_space<hbm>>) target(%dma_start3A_79 : memref<400x128xf32, #tpu.memory_space<vmem_shared>>) target_semaphore(%run_scoped3A : memref<!tpu.dma_semaphore, #tpu.memory_space<semaphore_mem>>)
        %dma_wait3A_82 = arith.constant 0 : i32
        %dma_wait3A_83 = tpu.memref_slice %arg8[%mul3A_0, %dma_wait3A_82] : memref<10000x128xf32, #tpu.memory_space<vmem_shared>> -> memref<400x128xf32, #tpu.memory_space<vmem_shared>>
        %dma_wait3A_84 = arith.constant 0 : i32
        %dma_wait3A_85 = tpu.memref_slice %arg4[%add3A, %dma_wait3A_84] : memref<20000x128xf32, #tpu.memory_space<hbm>> -> memref<400x128xf32, #tpu.memory_space<hbm>>
        tpu.wait_dma2 semaphore(%run_scoped3A : memref<!tpu.dma_semaphore, #tpu.memory_space<semaphore_mem>>) src(%dma_wait3A_85 : memref<400x128xf32, #tpu.memory_space<hbm>>) dst(%dma_wait3A_83 : memref<400x128xf32, #tpu.memory_space<vmem_shared>>)
        tpu.yield
      }) : () -> ()
    } else {
    }
    %barrier3A = arith.constant 0 : index
    tpu.barrier barrier_id(%barrier3A)
    %add3A_13 = arith.constant 0 : i32
    %add3A_14 = arith.addi %mul3A_6, %add3A_13 : i32
    %add3A_15 = arith.addi %mul3A_4, %add3A_14 : i32
    %dma_start3A = arith.constant 0 : i32
    %dma_start3A_16 = tpu.memref_slice %arg3[%add3A_15, %dma_start3A] : memref<320000x128xf32, #tpu.memory_space<hbm>> -> memref<64x128xf32, #tpu.memory_space<hbm>>
    %dma_start3A_17 = arith.constant 0 : i32
    %dma_start3A_18 = tpu.memref_slice %arg3[%add3A_15, %dma_start3A_17] : memref<320000x128xf32, #tpu.memory_space<hbm>> -> memref<64x128xf32, #tpu.memory_space<hbm>>
    tpu.enqueue_dma source(%dma_start3A_18 : memref<64x128xf32, #tpu.memory_space<hbm>>) target(%arg9 : memref<64x128xf32, #tpu.memory_space<vmem>>) target_semaphore(%arg21 : memref<!tpu.dma_semaphore, #tpu.memory_space<semaphore_mem>>)
    %add3A_19 = arith.addi %mul3A_4, %add3A_14 : i32
    %dma_start3A_20 = tpu.memref_slice %arg5[%add3A_19] : memref<320000xi32, #tpu.memory_space<hbm>> -> memref<64xi32, #tpu.memory_space<hbm>>
    %dma_start3A_21 = tpu.memref_slice %arg5[%add3A_19] : memref<320000xi32, #tpu.memory_space<hbm>> -> memref<64xi32, #tpu.memory_space<hbm>>
    tpu.enqueue_dma source(%dma_start3A_21 : memref<64xi32, #tpu.memory_space<hbm>>) target(%arg13 : memref<64xi32, #tpu.memory_space<vmem>>) target_semaphore(%arg21 : memref<!tpu.dma_semaphore, #tpu.memory_space<semaphore_mem>>)
    %dma_start3A_22 = tpu.memref_slice %arg6[%add3A_14] : memref<160000xi32, #tpu.memory_space<hbm>> -> memref<64xi32, #tpu.memory_space<hbm>>
    %dma_start3A_23 = tpu.memref_slice %arg6[%add3A_14] : memref<160000xi32, #tpu.memory_space<hbm>> -> memref<64xi32, #tpu.memory_space<hbm>>
    tpu.enqueue_dma source(%dma_start3A_23 : memref<64xi32, #tpu.memory_space<hbm>>) target(%arg15 : memref<64xi32, #tpu.memory_space<vmem>>) target_semaphore(%arg21 : memref<!tpu.dma_semaphore, #tpu.memory_space<semaphore_mem>>)
    %add3A_24 = arith.addi %mul3A_4, %mul3A_6 : i32
    %dma_wait3A = arith.constant 0 : i32
    %dma_wait3A_25 = tpu.memref_slice %arg3[%add3A_24, %dma_wait3A] : memref<320000x128xf32, #tpu.memory_space<hbm>> -> memref<64x128xf32, #tpu.memory_space<hbm>>
    %dma_wait3A_26 = arith.constant 0 : i32
    %dma_wait3A_27 = tpu.memref_slice %arg3[%add3A_24, %dma_wait3A_26] : memref<320000x128xf32, #tpu.memory_space<hbm>> -> memref<64x128xf32, #tpu.memory_space<hbm>>
    tpu.wait_dma2 semaphore(%arg21 : memref<!tpu.dma_semaphore, #tpu.memory_space<semaphore_mem>>) src(%dma_wait3A_27 : memref<64x128xf32, #tpu.memory_space<hbm>>) dst(%arg9 : memref<64x128xf32, #tpu.memory_space<vmem>>)
    %add3A_28 = arith.addi %mul3A_4, %mul3A_6 : i32
    %dma_wait3A_29 = tpu.memref_slice %arg5[%add3A_28] : memref<320000xi32, #tpu.memory_space<hbm>> -> memref<64xi32, #tpu.memory_space<hbm>>
    %dma_wait3A_30 = tpu.memref_slice %arg5[%add3A_28] : memref<320000xi32, #tpu.memory_space<hbm>> -> memref<64xi32, #tpu.memory_space<hbm>>
    tpu.wait_dma2 semaphore(%arg21 : memref<!tpu.dma_semaphore, #tpu.memory_space<semaphore_mem>>) src(%dma_wait3A_30 : memref<64xi32, #tpu.memory_space<hbm>>) dst(%arg13 : memref<64xi32, #tpu.memory_space<vmem>>)
    %dma_wait3A_31 = tpu.memref_slice %arg6[%mul3A_6] : memref<160000xi32, #tpu.memory_space<hbm>> -> memref<64xi32, #tpu.memory_space<hbm>>
    %dma_wait3A_32 = tpu.memref_slice %arg6[%mul3A_6] : memref<160000xi32, #tpu.memory_space<hbm>> -> memref<64xi32, #tpu.memory_space<hbm>>
    tpu.wait_dma2 semaphore(%arg21 : memref<!tpu.dma_semaphore, #tpu.memory_space<semaphore_mem>>) src(%dma_wait3A_32 : memref<64xi32, #tpu.memory_space<hbm>>) dst(%arg15 : memref<64xi32, #tpu.memory_space<vmem>>)
    %dma_start3A_33 = arith.constant 0 : i32
    %dma_start3A_34 = arith.constant 0 : i32
    %dma_start3A_35 = tpu.memref_slice %arg2[%dma_start3A_33, %dma_start3A_34] : memref<20000x128xf32, #tpu.memory_space<hbm>> -> memref<20000x128xf32, #tpu.memory_space<hbm>>
    tpu.enqueue_indirect_dma source(%dma_start3A_35 : memref<20000x128xf32, #tpu.memory_space<hbm>>) target(%arg11 : memref<64x128xf32, #tpu.memory_space<vmem>>) offsets(%arg13 : memref<64xi32, #tpu.memory_space<vmem>>) semaphore(%arg23 : memref<!tpu.dma_semaphore, #tpu.memory_space<semaphore_mem>>)
    %add3A_36 = arith.constant 64 : i32
    %add3A_37 = arith.addi %mul3A_6, %add3A_36 : i32
    %add3A_38 = arith.addi %mul3A_4, %add3A_37 : i32
    %dma_start3A_39 = arith.constant 0 : i32
    %dma_start3A_40 = tpu.memref_slice %arg3[%add3A_38, %dma_start3A_39] : memref<320000x128xf32, #tpu.memory_space<hbm>> -> memref<64x128xf32, #tpu.memory_space<hbm>>
    %dma_start3A_41 = arith.constant 0 : i32
    %dma_start3A_42 = tpu.memref_slice %arg3[%add3A_38, %dma_start3A_41] : memref<320000x128xf32, #tpu.memory_space<hbm>> -> memref<64x128xf32, #tpu.memory_space<hbm>>
    tpu.enqueue_dma source(%dma_start3A_42 : memref<64x128xf32, #tpu.memory_space<hbm>>) target(%arg10 : memref<64x128xf32, #tpu.memory_space<vmem>>) target_semaphore(%arg22 : memref<!tpu.dma_semaphore, #tpu.memory_space<semaphore_mem>>)
    %add3A_43 = arith.addi %mul3A_4, %add3A_37 : i32
    %dma_start3A_44 = tpu.memref_slice %arg5[%add3A_43] : memref<320000xi32, #tpu.memory_space<hbm>> -> memref<64xi32, #tpu.memory_space<hbm>>
    %dma_start3A_45 = tpu.memref_slice %arg5[%add3A_43] : memref<320000xi32, #tpu.memory_space<hbm>> -> memref<64xi32, #tpu.memory_space<hbm>>
    tpu.enqueue_dma source(%dma_start3A_45 : memref<64xi32, #tpu.memory_space<hbm>>) target(%arg14 : memref<64xi32, #tpu.memory_space<vmem>>) target_semaphore(%arg22 : memref<!tpu.dma_semaphore, #tpu.memory_space<semaphore_mem>>)
    %dma_start3A_46 = tpu.memref_slice %arg6[%add3A_37] : memref<160000xi32, #tpu.memory_space<hbm>> -> memref<64xi32, #tpu.memory_space<hbm>>
    %dma_start3A_47 = tpu.memref_slice %arg6[%add3A_37] : memref<160000xi32, #tpu.memory_space<hbm>> -> memref<64xi32, #tpu.memory_space<hbm>>
    tpu.enqueue_dma source(%dma_start3A_47 : memref<64xi32, #tpu.memory_space<hbm>>) target(%arg16 : memref<64xi32, #tpu.memory_space<vmem>>) target_semaphore(%arg22 : memref<!tpu.dma_semaphore, #tpu.memory_space<semaphore_mem>>)
    %scan3A = arith.constant 0 : i32
    %scan3A_48 = arith.constant 0 : i32
    %scan3A_49 = arith.constant 78 : i32
    %scan3A_50 = arith.addi %scan3A_48, %scan3A_49 : i32
    %scan3A_51 = arith.constant 1 : i32
    %scan3A_52 = scf.for %scan3A_78 = %scan3A_48 to %scan3A_50 step %scan3A_51 iter_args(%scan3A_79 = %scan3A) -> (i32)  : i32 {
      %dma_wait3A_80 = arith.constant 0 : i32
      %dma_wait3A_81 = arith.constant 0 : i32
      %dma_wait3A_82 = tpu.memref_slice %arg2[%dma_wait3A_80, %dma_wait3A_81] : memref<20000x128xf32, #tpu.memory_space<hbm>> -> memref<20000x128xf32, #tpu.memory_space<hbm>>
      tpu.wait_indirect_dma semaphore(%arg23 : memref<!tpu.dma_semaphore, #tpu.memory_space<semaphore_mem>>) src(%dma_wait3A_82 : memref<20000x128xf32, #tpu.memory_space<hbm>>) dst(%arg11 : memref<64x128xf32, #tpu.memory_space<vmem>>)
      %add3A_83 = arith.addi %mul3A_4, %mul3A_6 : i32
      %dma_wait3A_84 = arith.constant 0 : i32
      %dma_wait3A_85 = tpu.memref_slice %arg3[%add3A_83, %dma_wait3A_84] : memref<320000x128xf32, #tpu.memory_space<hbm>> -> memref<64x128xf32, #tpu.memory_space<hbm>>
      %dma_wait3A_86 = arith.constant 0 : i32
      %dma_wait3A_87 = tpu.memref_slice %arg3[%add3A_83, %dma_wait3A_86] : memref<320000x128xf32, #tpu.memory_space<hbm>> -> memref<64x128xf32, #tpu.memory_space<hbm>>
      tpu.wait_dma2 semaphore(%arg22 : memref<!tpu.dma_semaphore, #tpu.memory_space<semaphore_mem>>) src(%dma_wait3A_87 : memref<64x128xf32, #tpu.memory_space<hbm>>) dst(%arg10 : memref<64x128xf32, #tpu.memory_space<vmem>>)
      %add3A_88 = arith.addi %mul3A_4, %mul3A_6 : i32
      %dma_wait3A_89 = tpu.memref_slice %arg5[%add3A_88] : memref<320000xi32, #tpu.memory_space<hbm>> -> memref<64xi32, #tpu.memory_space<hbm>>
      %dma_wait3A_90 = tpu.memref_slice %arg5[%add3A_88] : memref<320000xi32, #tpu.memory_space<hbm>> -> memref<64xi32, #tpu.memory_space<hbm>>
      tpu.wait_dma2 semaphore(%arg22 : memref<!tpu.dma_semaphore, #tpu.memory_space<semaphore_mem>>) src(%dma_wait3A_90 : memref<64xi32, #tpu.memory_space<hbm>>) dst(%arg14 : memref<64xi32, #tpu.memory_space<vmem>>)
      %dma_wait3A_91 = tpu.memref_slice %arg6[%mul3A_6] : memref<160000xi32, #tpu.memory_space<hbm>> -> memref<64xi32, #tpu.memory_space<hbm>>
      %dma_wait3A_92 = tpu.memref_slice %arg6[%mul3A_6] : memref<160000xi32, #tpu.memory_space<hbm>> -> memref<64xi32, #tpu.memory_space<hbm>>
      tpu.wait_dma2 semaphore(%arg22 : memref<!tpu.dma_semaphore, #tpu.memory_space<semaphore_mem>>) src(%dma_wait3A_92 : memref<64xi32, #tpu.memory_space<hbm>>) dst(%arg16 : memref<64xi32, #tpu.memory_space<vmem>>)
      %dma_start3A_93 = arith.constant 0 : i32
      %dma_start3A_94 = arith.constant 0 : i32
      %dma_start3A_95 = tpu.memref_slice %arg2[%dma_start3A_93, %dma_start3A_94] : memref<20000x128xf32, #tpu.memory_space<hbm>> -> memref<20000x128xf32, #tpu.memory_space<hbm>>
      tpu.enqueue_indirect_dma source(%dma_start3A_95 : memref<20000x128xf32, #tpu.memory_space<hbm>>) target(%arg12 : memref<64x128xf32, #tpu.memory_space<vmem>>) offsets(%arg14 : memref<64xi32, #tpu.memory_space<vmem>>) semaphore(%arg24 : memref<!tpu.dma_semaphore, #tpu.memory_space<semaphore_mem>>)
      %parallel_loop3A_96 = arith.constant 0 : i32
      %parallel_loop3A_97 = arith.constant 64 : i32
      %parallel_loop3A_98 = arith.constant 1 : i32
      scf.for %parallel_loop3A_116 = %parallel_loop3A_96 to %parallel_loop3A_97 step %parallel_loop3A_98  : i32 {
        %parallel_loop3A_117 = arith.index_cast %parallel_loop3A_116 : i32 to index
        %parallel_loop3A_118 = arith.constant 0 : index
        %parallel_loop3A_119 = tpu.vector_load %arg9[%parallel_loop3A_117, %parallel_loop3A_118] {strides = array<i32>} : memref<64x128xf32, #tpu.memory_space<vmem>>, vector<1x16xf32>,
        %parallel_loop3A_120 = vector.shape_cast %parallel_loop3A_119 : vector<1x16xf32> to vector<16xf32>
        %parallel_loop3A_121 = arith.index_cast %parallel_loop3A_116 : i32 to index
        %parallel_loop3A_122 = arith.constant 0 : index
        %parallel_loop3A_123 = tpu.vector_load %arg11[%parallel_loop3A_121, %parallel_loop3A_122] {strides = array<i32>} : memref<64x128xf32, #tpu.memory_space<vmem>>, vector<1x16xf32>,
        %parallel_loop3A_124 = vector.shape_cast %parallel_loop3A_123 : vector<1x16xf32> to vector<16xf32>
        %parallel_loop3A_125 = arith.addf %parallel_loop3A_120, %parallel_loop3A_124 : vector<16xf32>
        %parallel_loop3A_126 = arith.constant 0.000000e+00 : f32
        %parallel_loop3A_127 = vector.broadcast %parallel_loop3A_126 : f32 to vector<16xf32>
        %parallel_loop3A_128 = arith.maximumf %parallel_loop3A_125, %parallel_loop3A_127 : vector<16xf32>
        %parallel_loop3A_129 = arith.index_cast %parallel_loop3A_116 : i32 to index
        %parallel_loop3A_130 = arith.constant 0 : index
        %parallel_loop3A_131 = tpu.vector_load %arg9[%parallel_loop3A_129, %parallel_loop3A_130] {strides = array<i32>} : memref<64x128xf32, #tpu.memory_space<vmem>>, vector<1x16xf32>,
        %parallel_loop3A_132 = vector.shape_cast %parallel_loop3A_131 : vector<1x16xf32> to vector<16xf32>
        %parallel_loop3A_133 = vector.shape_cast %parallel_loop3A_128 : vector<16xf32> to vector<1x16xf32>
        tpu.vector_store %arg9[%parallel_loop3A_129, %parallel_loop3A_130], %parallel_loop3A_133 {strides = array<i32>} : memref<64x128xf32, #tpu.memory_space<vmem>>, vector<1x16xf32>,
        %parallel_loop3A_134 = arith.index_cast %parallel_loop3A_116 : i32 to index
        %parallel_loop3A_135 = arith.constant 16 : index
        %parallel_loop3A_136 = tpu.vector_load %arg9[%parallel_loop3A_134, %parallel_loop3A_135] {strides = array<i32>} : memref<64x128xf32, #tpu.memory_space<vmem>>, vector<1x16xf32>,
        %parallel_loop3A_137 = vector.shape_cast %parallel_loop3A_136 : vector<1x16xf32> to vector<16xf32>
        %parallel_loop3A_138 = arith.index_cast %parallel_loop3A_116 : i32 to index
        %parallel_loop3A_139 = arith.constant 16 : index
        %parallel_loop3A_140 = tpu.vector_load %arg11[%parallel_loop3A_138, %parallel_loop3A_139] {strides = array<i32>} : memref<64x128xf32, #tpu.memory_space<vmem>>, vector<1x16xf32>,
        %parallel_loop3A_141 = vector.shape_cast %parallel_loop3A_140 : vector<1x16xf32> to vector<16xf32>
        %parallel_loop3A_142 = arith.addf %parallel_loop3A_137, %parallel_loop3A_141 : vector<16xf32>
        %parallel_loop3A_143 = arith.constant 0.000000e+00 : f32
        %parallel_loop3A_144 = vector.broadcast %parallel_loop3A_143 : f32 to vector<16xf32>
        %parallel_loop3A_145 = arith.maximumf %parallel_loop3A_142, %parallel_loop3A_144 : vector<16xf32>
        %parallel_loop3A_146 = arith.index_cast %parallel_loop3A_116 : i32 to index
        %parallel_loop3A_147 = arith.constant 16 : index
        %parallel_loop3A_148 = tpu.vector_load %arg9[%parallel_loop3A_146, %parallel_loop3A_147] {strides = array<i32>} : memref<64x128xf32, #tpu.memory_space<vmem>>, vector<1x16xf32>,
        %parallel_loop3A_149 = vector.shape_cast %parallel_loop3A_148 : vector<1x16xf32> to vector<16xf32>
        %parallel_loop3A_150 = vector.shape_cast %parallel_loop3A_145 : vector<16xf32> to vector<1x16xf32>
        tpu.vector_store %arg9[%parallel_loop3A_146, %parallel_loop3A_147], %parallel_loop3A_150 {strides = array<i32>} : memref<64x128xf32, #tpu.memory_space<vmem>>, vector<1x16xf32>,
        %parallel_loop3A_151 = arith.index_cast %parallel_loop3A_116 : i32 to index
        %parallel_loop3A_152 = arith.constant 32 : index
        %parallel_loop3A_153 = tpu.vector_load %arg9[%parallel_loop3A_151, %parallel_loop3A_152] {strides = array<i32>} : memref<64x128xf32, #tpu.memory_space<vmem>>, vector<1x16xf32>,
        %parallel_loop3A_154 = vector.shape_cast %parallel_loop3A_153 : vector<1x16xf32> to vector<16xf32>
        %parallel_loop3A_155 = arith.index_cast %parallel_loop3A_116 : i32 to index
        %parallel_loop3A_156 = arith.constant 32 : index
        %parallel_loop3A_157 = tpu.vector_load %arg11[%parallel_loop3A_155, %parallel_loop3A_156] {strides = array<i32>} : memref<64x128xf32, #tpu.memory_space<vmem>>, vector<1x16xf32>,
        %parallel_loop3A_158 = vector.shape_cast %parallel_loop3A_157 : vector<1x16xf32> to vector<16xf32>
        %parallel_loop3A_159 = arith.addf %parallel_loop3A_154, %parallel_loop3A_158 : vector<16xf32>
        %parallel_loop3A_160 = arith.constant 0.000000e+00 : f32
        %parallel_loop3A_161 = vector.broadcast %parallel_loop3A_160 : f32 to vector<16xf32>
        %parallel_loop3A_162 = arith.maximumf %parallel_loop3A_159, %parallel_loop3A_161 : vector<16xf32>
        %parallel_loop3A_163 = arith.index_cast %parallel_loop3A_116 : i32 to index
        %parallel_loop3A_164 = arith.constant 32 : index
        %parallel_loop3A_165 = tpu.vector_load %arg9[%parallel_loop3A_163, %parallel_loop3A_164] {strides = array<i32>} : memref<64x128xf32, #tpu.memory_space<vmem>>, vector<1x16xf32>,
        %parallel_loop3A_166 = vector.shape_cast %parallel_loop3A_165 : vector<1x16xf32> to vector<16xf32>
        %parallel_loop3A_167 = vector.shape_cast %parallel_loop3A_162 : vector<16xf32> to vector<1x16xf32>
        tpu.vector_store %arg9[%parallel_loop3A_163, %parallel_loop3A_164], %parallel_loop3A_167 {strides = array<i32>} : memref<64x128xf32, #tpu.memory_space<vmem>>, vector<1x16xf32>,
        %parallel_loop3A_168 = arith.index_cast %parallel_loop3A_116 : i32 to index
        %parallel_loop3A_169 = arith.constant 48 : index
        %parallel_loop3A_170 = tpu.vector_load %arg9[%parallel_loop3A_168, %parallel_loop3A_169] {strides = array<i32>} : memref<64x128xf32, #tpu.memory_space<vmem>>, vector<1x16xf32>,
        %parallel_loop3A_171 = vector.shape_cast %parallel_loop3A_170 : vector<1x16xf32> to vector<16xf32>
        %parallel_loop3A_172 = arith.index_cast %parallel_loop3A_116 : i32 to index
        %parallel_loop3A_173 = arith.constant 48 : index
        %parallel_loop3A_174 = tpu.vector_load %arg11[%parallel_loop3A_172, %parallel_loop3A_173] {strides = array<i32>} : memref<64x128xf32, #tpu.memory_space<vmem>>, vector<1x16xf32>,
        %parallel_loop3A_175 = vector.shape_cast %parallel_loop3A_174 : vector<1x16xf32> to vector<16xf32>
        %parallel_loop3A_176 = arith.addf %parallel_loop3A_171, %parallel_loop3A_175 : vector<16xf32>
        %parallel_loop3A_177 = arith.constant 0.000000e+00 : f32
        %parallel_loop3A_178 = vector.broadcast %parallel_loop3A_177 : f32 to vector<16xf32>
        %parallel_loop3A_179 = arith.maximumf %parallel_loop3A_176, %parallel_loop3A_178 : vector<16xf32>
        %parallel_loop3A_180 = arith.index_cast %parallel_loop3A_116 : i32 to index
        %parallel_loop3A_181 = arith.constant 48 : index
        %parallel_loop3A_182 = tpu.vector_load %arg9[%parallel_loop3A_180, %parallel_loop3A_181] {strides = array<i32>} : memref<64x128xf32, #tpu.memory_space<vmem>>, vector<1x16xf32>,
        %parallel_loop3A_183 = vector.shape_cast %parallel_loop3A_182 : vector<1x16xf32> to vector<16xf32>
        %parallel_loop3A_184 = vector.shape_cast %parallel_loop3A_179 : vector<16xf32> to vector<1x16xf32>
        tpu.vector_store %arg9[%parallel_loop3A_180, %parallel_loop3A_181], %parallel_loop3A_184 {strides = array<i32>} : memref<64x128xf32, #tpu.memory_space<vmem>>, vector<1x16xf32>,
        %parallel_loop3A_185 = arith.index_cast %parallel_loop3A_116 : i32 to index
        %parallel_loop3A_186 = arith.constant 64 : index
        %parallel_loop3A_187 = tpu.vector_load %arg9[%parallel_loop3A_185, %parallel_loop3A_186] {strides = array<i32>} : memref<64x128xf32, #tpu.memory_space<vmem>>, vector<1x16xf32>,
        %parallel_loop3A_188 = vector.shape_cast %parallel_loop3A_187 : vector<1x16xf32> to vector<16xf32>
        %parallel_loop3A_189 = arith.index_cast %parallel_loop3A_116 : i32 to index
        %parallel_loop3A_190 = arith.constant 64 : index
        %parallel_loop3A_191 = tpu.vector_load %arg11[%parallel_loop3A_189, %parallel_loop3A_190] {strides = array<i32>} : memref<64x128xf32, #tpu.memory_space<vmem>>, vector<1x16xf32>,
        %parallel_loop3A_192 = vector.shape_cast %parallel_loop3A_191 : vector<1x16xf32> to vector<16xf32>
        %parallel_loop3A_193 = arith.addf %parallel_loop3A_188, %parallel_loop3A_192 : vector<16xf32>
        %parallel_loop3A_194 = arith.constant 0.000000e+00 : f32
        %parallel_loop3A_195 = vector.broadcast %parallel_loop3A_194 : f32 to vector<16xf32>
        %parallel_loop3A_196 = arith.maximumf %parallel_loop3A_193, %parallel_loop3A_195 : vector<16xf32>
        %parallel_loop3A_197 = arith.index_cast %parallel_loop3A_116 : i32 to index
        %parallel_loop3A_198 = arith.constant 64 : index
        %parallel_loop3A_199 = tpu.vector_load %arg9[%parallel_loop3A_197, %parallel_loop3A_198] {strides = array<i32>} : memref<64x128xf32, #tpu.memory_space<vmem>>, vector<1x16xf32>,
        %parallel_loop3A_200 = vector.shape_cast %parallel_loop3A_199 : vector<1x16xf32> to vector<16xf32>
        %parallel_loop3A_201 = vector.shape_cast %parallel_loop3A_196 : vector<16xf32> to vector<1x16xf32>
        tpu.vector_store %arg9[%parallel_loop3A_197, %parallel_loop3A_198], %parallel_loop3A_201 {strides = array<i32>} : memref<64x128xf32, #tpu.memory_space<vmem>>, vector<1x16xf32>,
        %parallel_loop3A_202 = arith.index_cast %parallel_loop3A_116 : i32 to index
        %parallel_loop3A_203 = arith.constant 80 : index
        %parallel_loop3A_204 = tpu.vector_load %arg9[%parallel_loop3A_202, %parallel_loop3A_203] {strides = array<i32>} : memref<64x128xf32, #tpu.memory_space<vmem>>, vector<1x16xf32>,
        %parallel_loop3A_205 = vector.shape_cast %parallel_loop3A_204 : vector<1x16xf32> to vector<16xf32>
        %parallel_loop3A_206 = arith.index_cast %parallel_loop3A_116 : i32 to index
        %parallel_loop3A_207 = arith.constant 80 : index
        %parallel_loop3A_208 = tpu.vector_load %arg11[%parallel_loop3A_206, %parallel_loop3A_207] {strides = array<i32>} : memref<64x128xf32, #tpu.memory_space<vmem>>, vector<1x16xf32>,
        %parallel_loop3A_209 = vector.shape_cast %parallel_loop3A_208 : vector<1x16xf32> to vector<16xf32>
        %parallel_loop3A_210 = arith.addf %parallel_loop3A_205, %parallel_loop3A_209 : vector<16xf32>
        %parallel_loop3A_211 = arith.constant 0.000000e+00 : f32
        %parallel_loop3A_212 = vector.broadcast %parallel_loop3A_211 : f32 to vector<16xf32>
        %parallel_loop3A_213 = arith.maximumf %parallel_loop3A_210, %parallel_loop3A_212 : vector<16xf32>
        %parallel_loop3A_214 = arith.index_cast %parallel_loop3A_116 : i32 to index
        %parallel_loop3A_215 = arith.constant 80 : index
        %parallel_loop3A_216 = tpu.vector_load %arg9[%parallel_loop3A_214, %parallel_loop3A_215] {strides = array<i32>} : memref<64x128xf32, #tpu.memory_space<vmem>>, vector<1x16xf32>,
        %parallel_loop3A_217 = vector.shape_cast %parallel_loop3A_216 : vector<1x16xf32> to vector<16xf32>
        %parallel_loop3A_218 = vector.shape_cast %parallel_loop3A_213 : vector<16xf32> to vector<1x16xf32>
        tpu.vector_store %arg9[%parallel_loop3A_214, %parallel_loop3A_215], %parallel_loop3A_218 {strides = array<i32>} : memref<64x128xf32, #tpu.memory_space<vmem>>, vector<1x16xf32>,
        %parallel_loop3A_219 = arith.index_cast %parallel_loop3A_116 : i32 to index
        %parallel_loop3A_220 = arith.constant 96 : index
        %parallel_loop3A_221 = tpu.vector_load %arg9[%parallel_loop3A_219, %parallel_loop3A_220] {strides = array<i32>} : memref<64x128xf32, #tpu.memory_space<vmem>>, vector<1x16xf32>,
        %parallel_loop3A_222 = vector.shape_cast %parallel_loop3A_221 : vector<1x16xf32> to vector<16xf32>
        %parallel_loop3A_223 = arith.index_cast %parallel_loop3A_116 : i32 to index
        %parallel_loop3A_224 = arith.constant 96 : index
        %parallel_loop3A_225 = tpu.vector_load %arg11[%parallel_loop3A_223, %parallel_loop3A_224] {strides = array<i32>} : memref<64x128xf32, #tpu.memory_space<vmem>>, vector<1x16xf32>,
        %parallel_loop3A_226 = vector.shape_cast %parallel_loop3A_225 : vector<1x16xf32> to vector<16xf32>
        %parallel_loop3A_227 = arith.addf %parallel_loop3A_222, %parallel_loop3A_226 : vector<16xf32>
        %parallel_loop3A_228 = arith.constant 0.000000e+00 : f32
        %parallel_loop3A_229 = vector.broadcast %parallel_loop3A_228 : f32 to vector<16xf32>
        %parallel_loop3A_230 = arith.maximumf %parallel_loop3A_227, %parallel_loop3A_229 : vector<16xf32>
        %parallel_loop3A_231 = arith.index_cast %parallel_loop3A_116 : i32 to index
        %parallel_loop3A_232 = arith.constant 96 : index
        %parallel_loop3A_233 = tpu.vector_load %arg9[%parallel_loop3A_231, %parallel_loop3A_232] {strides = array<i32>} : memref<64x128xf32, #tpu.memory_space<vmem>>, vector<1x16xf32>,
        %parallel_loop3A_234 = vector.shape_cast %parallel_loop3A_233 : vector<1x16xf32> to vector<16xf32>
        %parallel_loop3A_235 = vector.shape_cast %parallel_loop3A_230 : vector<16xf32> to vector<1x16xf32>
        tpu.vector_store %arg9[%parallel_loop3A_231, %parallel_loop3A_232], %parallel_loop3A_235 {strides = array<i32>} : memref<64x128xf32, #tpu.memory_space<vmem>>, vector<1x16xf32>,
        %parallel_loop3A_236 = arith.index_cast %parallel_loop3A_116 : i32 to index
        %parallel_loop3A_237 = arith.constant 112 : index
        %parallel_loop3A_238 = tpu.vector_load %arg9[%parallel_loop3A_236, %parallel_loop3A_237] {strides = array<i32>} : memref<64x128xf32, #tpu.memory_space<vmem>>, vector<1x16xf32>,
        %parallel_loop3A_239 = vector.shape_cast %parallel_loop3A_238 : vector<1x16xf32> to vector<16xf32>
        %parallel_loop3A_240 = arith.index_cast %parallel_loop3A_116 : i32 to index
        %parallel_loop3A_241 = arith.constant 112 : index
        %parallel_loop3A_242 = tpu.vector_load %arg11[%parallel_loop3A_240, %parallel_loop3A_241] {strides = array<i32>} : memref<64x128xf32, #tpu.memory_space<vmem>>, vector<1x16xf32>,
        %parallel_loop3A_243 = vector.shape_cast %parallel_loop3A_242 : vector<1x16xf32> to vector<16xf32>
        %parallel_loop3A_244 = arith.addf %parallel_loop3A_239, %parallel_loop3A_243 : vector<16xf32>
        %parallel_loop3A_245 = arith.constant 0.000000e+00 : f32
        %parallel_loop3A_246 = vector.broadcast %parallel_loop3A_245 : f32 to vector<16xf32>
        %parallel_loop3A_247 = arith.maximumf %parallel_loop3A_244, %parallel_loop3A_246 : vector<16xf32>
        %parallel_loop3A_248 = arith.index_cast %parallel_loop3A_116 : i32 to index
        %parallel_loop3A_249 = arith.constant 112 : index
        %parallel_loop3A_250 = tpu.vector_load %arg9[%parallel_loop3A_248, %parallel_loop3A_249] {strides = array<i32>} : memref<64x128xf32, #tpu.memory_space<vmem>>, vector<1x16xf32>,
        %parallel_loop3A_251 = vector.shape_cast %parallel_loop3A_250 : vector<1x16xf32> to vector<16xf32>
        %parallel_loop3A_252 = vector.shape_cast %parallel_loop3A_247 : vector<16xf32> to vector<1x16xf32>
        tpu.vector_store %arg9[%parallel_loop3A_248, %parallel_loop3A_249], %parallel_loop3A_252 {strides = array<i32>} : memref<64x128xf32, #tpu.memory_space<vmem>>, vector<1x16xf32>,
      } {sc.loop_unroll_factor = 4 : i64, sc.parallel_access}
      "tpu.region"() ({
        %run_scoped3A = tpu.sem_alloc : memref<!tpu.dma_semaphore, #tpu.memory_space<semaphore_mem>>
        %dma_start3A_116 = arith.constant 0 : i32
        %dma_start3A_117 = arith.constant 0 : i32
        %dma_start3A_118 = tpu.memref_slice %arg8[%dma_start3A_116, %dma_start3A_117] : memref<10000x128xf32, #tpu.memory_space<vmem_shared>> -> memref<10000x128xf32, #tpu.memory_space<vmem_shared>>
        tpu.enqueue_indirect_dma source(%arg9 : memref<64x128xf32, #tpu.memory_space<vmem>>) target(%dma_start3A_118 : memref<10000x128xf32, #tpu.memory_space<vmem_shared>>) offsets(%arg15 : memref<64xi32, #tpu.memory_space<vmem>>) semaphore(%run_scoped3A : memref<!tpu.dma_semaphore, #tpu.memory_space<semaphore_mem>>) {add = true}
        %dma_wait3A_119 = arith.constant 0 : i32
        %dma_wait3A_120 = arith.constant 0 : i32
        %dma_wait3A_121 = tpu.memref_slice %arg8[%dma_wait3A_119, %dma_wait3A_120] : memref<10000x128xf32, #tpu.memory_space<vmem_shared>> -> memref<10000x128xf32, #tpu.memory_space<vmem_shared>>
        tpu.wait_indirect_dma semaphore(%run_scoped3A : memref<!tpu.dma_semaphore, #tpu.memory_space<semaphore_mem>>) src(%arg9 : memref<64x128xf32, #tpu.memory_space<vmem>>) dst(%dma_wait3A_121 : memref<10000x128xf32, #tpu.memory_space<vmem_shared>>)
        tpu.yield
      }) : () -> ()
      %lt3A_99 = arith.constant 77 : i32
      %lt3A_100 = arith.cmpi slt, %scan3A_78, %lt3A_99 : i32
      %convert_element_type3A_101 = arith.extui %lt3A_100 : i1 to i32
      %cond3A_102 = arith.constant 0 : i32
      %cond3A_103 = arith.cmpi ne, %convert_element_type3A_101, %cond3A_102 : i32
      scf.if %cond3A_103 {
        %mul3A_116 = arith.constant 2 : i32
        %mul3A_117 = arith.muli %mul3A_116, %scan3A_78 : i32
        %add3A_118 = arith.constant 2 : i32
        %add3A_119 = arith.addi %mul3A_117, %add3A_118 : i32
        %mul3A_120 = arith.constant 64 : i32
        %mul3A_121 = arith.muli %add3A_119, %mul3A_120 : i32
        %add3A_122 = arith.addi %mul3A_6, %mul3A_121 : i32
        %add3A_123 = arith.addi %mul3A_4, %add3A_122 : i32
        %dma_start3A_124 = arith.constant 0 : i32
        %dma_start3A_125 = tpu.memref_slice %arg3[%add3A_123, %dma_start3A_124] : memref<320000x128xf32, #tpu.memory_space<hbm>> -> memref<64x128xf32, #tpu.memory_space<hbm>>
        %dma_start3A_126 = arith.constant 0 : i32
        %dma_start3A_127 = tpu.memref_slice %arg3[%add3A_123, %dma_start3A_126] : memref<320000x128xf32, #tpu.memory_space<hbm>> -> memref<64x128xf32, #tpu.memory_space<hbm>>
        tpu.enqueue_dma source(%dma_start3A_127 : memref<64x128xf32, #tpu.memory_space<hbm>>) target(%arg9 : memref<64x128xf32, #tpu.memory_space<vmem>>) target_semaphore(%arg21 : memref<!tpu.dma_semaphore, #tpu.memory_space<semaphore_mem>>)
        %add3A_128 = arith.addi %mul3A_4, %add3A_122 : i32
        %dma_start3A_129 = tpu.memref_slice %arg5[%add3A_128] : memref<320000xi32, #tpu.memory_space<hbm>> -> memref<64xi32, #tpu.memory_space<hbm>>
        %dma_start3A_130 = tpu.memref_slice %arg5[%add3A_128] : memref<320000xi32, #tpu.memory_space<hbm>> -> memref<64xi32, #tpu.memory_space<hbm>>
        tpu.enqueue_dma source(%dma_start3A_130 : memref<64xi32, #tpu.memory_space<hbm>>) target(%arg13 : memref<64xi32, #tpu.memory_space<vmem>>) target_semaphore(%arg21 : memref<!tpu.dma_semaphore, #tpu.memory_space<semaphore_mem>>)
        %dma_start3A_131 = tpu.memref_slice %arg6[%add3A_122] : memref<160000xi32, #tpu.memory_space<hbm>> -> memref<64xi32, #tpu.memory_space<hbm>>
        %dma_start3A_132 = tpu.memref_slice %arg6[%add3A_122] : memref<160000xi32, #tpu.memory_space<hbm>> -> memref<64xi32, #tpu.memory_space<hbm>>
        tpu.enqueue_dma source(%dma_start3A_132 : memref<64xi32, #tpu.memory_space<hbm>>) target(%arg15 : memref<64xi32, #tpu.memory_space<vmem>>) target_semaphore(%arg21 : memref<!tpu.dma_semaphore, #tpu.memory_space<semaphore_mem>>)
      } else {
      }
      %dma_wait3A_104 = arith.constant 0 : i32
      %dma_wait3A_105 = arith.constant 0 : i32
      %dma_wait3A_106 = tpu.memref_slice %arg2[%dma_wait3A_104, %dma_wait3A_105] : memref<20000x128xf32, #tpu.memory_space<hbm>> -> memref<20000x128xf32, #tpu.memory_space<hbm>>
      tpu.wait_indirect_dma semaphore(%arg24 : memref<!tpu.dma_semaphore, #tpu.memory_space<semaphore_mem>>) src(%dma_wait3A_106 : memref<20000x128xf32, #tpu.memory_space<hbm>>) dst(%arg12 : memref<64x128xf32, #tpu.memory_space<vmem>>)
      %parallel_loop3A_107 = arith.constant 0 : i32
      %parallel_loop3A_108 = arith.constant 64 : i32
      %parallel_loop3A_109 = arith.constant 1 : i32
      scf.for %parallel_loop3A_116 = %parallel_loop3A_107 to %parallel_loop3A_108 step %parallel_loop3A_109  : i32 {
        %parallel_loop3A_117 = arith.index_cast %parallel_loop3A_116 : i32 to index
        %parallel_loop3A_118 = arith.constant 0 : index
        %parallel_loop3A_119 = tpu.vector_load %arg10[%parallel_loop3A_117, %parallel_loop3A_118] {strides = array<i32>} : memref<64x128xf32, #tpu.memory_space<vmem>>, vector<1x16xf32>,
        %parallel_loop3A_120 = vector.shape_cast %parallel_loop3A_119 : vector<1x16xf32> to vector<16xf32>
        %parallel_loop3A_121 = arith.index_cast %parallel_loop3A_116 : i32 to index
        %parallel_loop3A_122 = arith.constant 0 : index
        %parallel_loop3A_123 = tpu.vector_load %arg12[%parallel_loop3A_121, %parallel_loop3A_122] {strides = array<i32>} : memref<64x128xf32, #tpu.memory_space<vmem>>, vector<1x16xf32>,
        %parallel_loop3A_124 = vector.shape_cast %parallel_loop3A_123 : vector<1x16xf32> to vector<16xf32>
        %parallel_loop3A_125 = arith.addf %parallel_loop3A_120, %parallel_loop3A_124 : vector<16xf32>
        %parallel_loop3A_126 = arith.constant 0.000000e+00 : f32
        %parallel_loop3A_127 = vector.broadcast %parallel_loop3A_126 : f32 to vector<16xf32>
        %parallel_loop3A_128 = arith.maximumf %parallel_loop3A_125, %parallel_loop3A_127 : vector<16xf32>
        %parallel_loop3A_129 = arith.index_cast %parallel_loop3A_116 : i32 to index
        %parallel_loop3A_130 = arith.constant 0 : index
        %parallel_loop3A_131 = tpu.vector_load %arg10[%parallel_loop3A_129, %parallel_loop3A_130] {strides = array<i32>} : memref<64x128xf32, #tpu.memory_space<vmem>>, vector<1x16xf32>,
        %parallel_loop3A_132 = vector.shape_cast %parallel_loop3A_131 : vector<1x16xf32> to vector<16xf32>
        %parallel_loop3A_133 = vector.shape_cast %parallel_loop3A_128 : vector<16xf32> to vector<1x16xf32>
        tpu.vector_store %arg10[%parallel_loop3A_129, %parallel_loop3A_130], %parallel_loop3A_133 {strides = array<i32>} : memref<64x128xf32, #tpu.memory_space<vmem>>, vector<1x16xf32>,
        %parallel_loop3A_134 = arith.index_cast %parallel_loop3A_116 : i32 to index
        %parallel_loop3A_135 = arith.constant 16 : index
        %parallel_loop3A_136 = tpu.vector_load %arg10[%parallel_loop3A_134, %parallel_loop3A_135] {strides = array<i32>} : memref<64x128xf32, #tpu.memory_space<vmem>>, vector<1x16xf32>,
        %parallel_loop3A_137 = vector.shape_cast %parallel_loop3A_136 : vector<1x16xf32> to vector<16xf32>
        %parallel_loop3A_138 = arith.index_cast %parallel_loop3A_116 : i32 to index
        %parallel_loop3A_139 = arith.constant 16 : index
        %parallel_loop3A_140 = tpu.vector_load %arg12[%parallel_loop3A_138, %parallel_loop3A_139] {strides = array<i32>} : memref<64x128xf32, #tpu.memory_space<vmem>>, vector<1x16xf32>,
        %parallel_loop3A_141 = vector.shape_cast %parallel_loop3A_140 : vector<1x16xf32> to vector<16xf32>
        %parallel_loop3A_142 = arith.addf %parallel_loop3A_137, %parallel_loop3A_141 : vector<16xf32>
        %parallel_loop3A_143 = arith.constant 0.000000e+00 : f32
        %parallel_loop3A_144 = vector.broadcast %parallel_loop3A_143 : f32 to vector<16xf32>
        %parallel_loop3A_145 = arith.maximumf %parallel_loop3A_142, %parallel_loop3A_144 : vector<16xf32>
        %parallel_loop3A_146 = arith.index_cast %parallel_loop3A_116 : i32 to index
        %parallel_loop3A_147 = arith.constant 16 : index
        %parallel_loop3A_148 = tpu.vector_load %arg10[%parallel_loop3A_146, %parallel_loop3A_147] {strides = array<i32>} : memref<64x128xf32, #tpu.memory_space<vmem>>, vector<1x16xf32>,
        %parallel_loop3A_149 = vector.shape_cast %parallel_loop3A_148 : vector<1x16xf32> to vector<16xf32>
        %parallel_loop3A_150 = vector.shape_cast %parallel_loop3A_145 : vector<16xf32> to vector<1x16xf32>
        tpu.vector_store %arg10[%parallel_loop3A_146, %parallel_loop3A_147], %parallel_loop3A_150 {strides = array<i32>} : memref<64x128xf32, #tpu.memory_space<vmem>>, vector<1x16xf32>,
        %parallel_loop3A_151 = arith.index_cast %parallel_loop3A_116 : i32 to index
        %parallel_loop3A_152 = arith.constant 32 : index
        %parallel_loop3A_153 = tpu.vector_load %arg10[%parallel_loop3A_151, %parallel_loop3A_152] {strides = array<i32>} : memref<64x128xf32, #tpu.memory_space<vmem>>, vector<1x16xf32>,
        %parallel_loop3A_154 = vector.shape_cast %parallel_loop3A_153 : vector<1x16xf32> to vector<16xf32>
        %parallel_loop3A_155 = arith.index_cast %parallel_loop3A_116 : i32 to index
        %parallel_loop3A_156 = arith.constant 32 : index
        %parallel_loop3A_157 = tpu.vector_load %arg12[%parallel_loop3A_155, %parallel_loop3A_156] {strides = array<i32>} : memref<64x128xf32, #tpu.memory_space<vmem>>, vector<1x16xf32>,
        %parallel_loop3A_158 = vector.shape_cast %parallel_loop3A_157 : vector<1x16xf32> to vector<16xf32>
        %parallel_loop3A_159 = arith.addf %parallel_loop3A_154, %parallel_loop3A_158 : vector<16xf32>
        %parallel_loop3A_160 = arith.constant 0.000000e+00 : f32
        %parallel_loop3A_161 = vector.broadcast %parallel_loop3A_160 : f32 to vector<16xf32>
        %parallel_loop3A_162 = arith.maximumf %parallel_loop3A_159, %parallel_loop3A_161 : vector<16xf32>
        %parallel_loop3A_163 = arith.index_cast %parallel_loop3A_116 : i32 to index
        %parallel_loop3A_164 = arith.constant 32 : index
        %parallel_loop3A_165 = tpu.vector_load %arg10[%parallel_loop3A_163, %parallel_loop3A_164] {strides = array<i32>} : memref<64x128xf32, #tpu.memory_space<vmem>>, vector<1x16xf32>,
        %parallel_loop3A_166 = vector.shape_cast %parallel_loop3A_165 : vector<1x16xf32> to vector<16xf32>
        %parallel_loop3A_167 = vector.shape_cast %parallel_loop3A_162 : vector<16xf32> to vector<1x16xf32>
        tpu.vector_store %arg10[%parallel_loop3A_163, %parallel_loop3A_164], %parallel_loop3A_167 {strides = array<i32>} : memref<64x128xf32, #tpu.memory_space<vmem>>, vector<1x16xf32>,
        %parallel_loop3A_168 = arith.index_cast %parallel_loop3A_116 : i32 to index
        %parallel_loop3A_169 = arith.constant 48 : index
        %parallel_loop3A_170 = tpu.vector_load %arg10[%parallel_loop3A_168, %parallel_loop3A_169] {strides = array<i32>} : memref<64x128xf32, #tpu.memory_space<vmem>>, vector<1x16xf32>,
        %parallel_loop3A_171 = vector.shape_cast %parallel_loop3A_170 : vector<1x16xf32> to vector<16xf32>
        %parallel_loop3A_172 = arith.index_cast %parallel_loop3A_116 : i32 to index
        %parallel_loop3A_173 = arith.constant 48 : index
        %parallel_loop3A_174 = tpu.vector_load %arg12[%parallel_loop3A_172, %parallel_loop3A_173] {strides = array<i32>} : memref<64x128xf32, #tpu.memory_space<vmem>>, vector<1x16xf32>,
        %parallel_loop3A_175 = vector.shape_cast %parallel_loop3A_174 : vector<1x16xf32> to vector<16xf32>
        %parallel_loop3A_176 = arith.addf %parallel_loop3A_171, %parallel_loop3A_175 : vector<16xf32>
        %parallel_loop3A_177 = arith.constant 0.000000e+00 : f32
        %parallel_loop3A_178 = vector.broadcast %parallel_loop3A_177 : f32 to vector<16xf32>
        %parallel_loop3A_179 = arith.maximumf %parallel_loop3A_176, %parallel_loop3A_178 : vector<16xf32>
        %parallel_loop3A_180 = arith.index_cast %parallel_loop3A_116 : i32 to index
        %parallel_loop3A_181 = arith.constant 48 : index
        %parallel_loop3A_182 = tpu.vector_load %arg10[%parallel_loop3A_180, %parallel_loop3A_181] {strides = array<i32>} : memref<64x128xf32, #tpu.memory_space<vmem>>, vector<1x16xf32>,
        %parallel_loop3A_183 = vector.shape_cast %parallel_loop3A_182 : vector<1x16xf32> to vector<16xf32>
        %parallel_loop3A_184 = vector.shape_cast %parallel_loop3A_179 : vector<16xf32> to vector<1x16xf32>
        tpu.vector_store %arg10[%parallel_loop3A_180, %parallel_loop3A_181], %parallel_loop3A_184 {strides = array<i32>} : memref<64x128xf32, #tpu.memory_space<vmem>>, vector<1x16xf32>,
        %parallel_loop3A_185 = arith.index_cast %parallel_loop3A_116 : i32 to index
        %parallel_loop3A_186 = arith.constant 64 : index
        %parallel_loop3A_187 = tpu.vector_load %arg10[%parallel_loop3A_185, %parallel_loop3A_186] {strides = array<i32>} : memref<64x128xf32, #tpu.memory_space<vmem>>, vector<1x16xf32>,
        %parallel_loop3A_188 = vector.shape_cast %parallel_loop3A_187 : vector<1x16xf32> to vector<16xf32>
        %parallel_loop3A_189 = arith.index_cast %parallel_loop3A_116 : i32 to index
        %parallel_loop3A_190 = arith.constant 64 : index
        %parallel_loop3A_191 = tpu.vector_load %arg12[%parallel_loop3A_189, %parallel_loop3A_190] {strides = array<i32>} : memref<64x128xf32, #tpu.memory_space<vmem>>, vector<1x16xf32>,
        %parallel_loop3A_192 = vector.shape_cast %parallel_loop3A_191 : vector<1x16xf32> to vector<16xf32>
        %parallel_loop3A_193 = arith.addf %parallel_loop3A_188, %parallel_loop3A_192 : vector<16xf32>
        %parallel_loop3A_194 = arith.constant 0.000000e+00 : f32
        %parallel_loop3A_195 = vector.broadcast %parallel_loop3A_194 : f32 to vector<16xf32>
        %parallel_loop3A_196 = arith.maximumf %parallel_loop3A_193, %parallel_loop3A_195 : vector<16xf32>
        %parallel_loop3A_197 = arith.index_cast %parallel_loop3A_116 : i32 to index
        %parallel_loop3A_198 = arith.constant 64 : index
        %parallel_loop3A_199 = tpu.vector_load %arg10[%parallel_loop3A_197, %parallel_loop3A_198] {strides = array<i32>} : memref<64x128xf32, #tpu.memory_space<vmem>>, vector<1x16xf32>,
        %parallel_loop3A_200 = vector.shape_cast %parallel_loop3A_199 : vector<1x16xf32> to vector<16xf32>
        %parallel_loop3A_201 = vector.shape_cast %parallel_loop3A_196 : vector<16xf32> to vector<1x16xf32>
        tpu.vector_store %arg10[%parallel_loop3A_197, %parallel_loop3A_198], %parallel_loop3A_201 {strides = array<i32>} : memref<64x128xf32, #tpu.memory_space<vmem>>, vector<1x16xf32>,
        %parallel_loop3A_202 = arith.index_cast %parallel_loop3A_116 : i32 to index
        %parallel_loop3A_203 = arith.constant 80 : index
        %parallel_loop3A_204 = tpu.vector_load %arg10[%parallel_loop3A_202, %parallel_loop3A_203] {strides = array<i32>} : memref<64x128xf32, #tpu.memory_space<vmem>>, vector<1x16xf32>,
        %parallel_loop3A_205 = vector.shape_cast %parallel_loop3A_204 : vector<1x16xf32> to vector<16xf32>
        %parallel_loop3A_206 = arith.index_cast %parallel_loop3A_116 : i32 to index
        %parallel_loop3A_207 = arith.constant 80 : index
        %parallel_loop3A_208 = tpu.vector_load %arg12[%parallel_loop3A_206, %parallel_loop3A_207] {strides = array<i32>} : memref<64x128xf32, #tpu.memory_space<vmem>>, vector<1x16xf32>,
        %parallel_loop3A_209 = vector.shape_cast %parallel_loop3A_208 : vector<1x16xf32> to vector<16xf32>
        %parallel_loop3A_210 = arith.addf %parallel_loop3A_205, %parallel_loop3A_209 : vector<16xf32>
        %parallel_loop3A_211 = arith.constant 0.000000e+00 : f32
        %parallel_loop3A_212 = vector.broadcast %parallel_loop3A_211 : f32 to vector<16xf32>
        %parallel_loop3A_213 = arith.maximumf %parallel_loop3A_210, %parallel_loop3A_212 : vector<16xf32>
        %parallel_loop3A_214 = arith.index_cast %parallel_loop3A_116 : i32 to index
        %parallel_loop3A_215 = arith.constant 80 : index
        %parallel_loop3A_216 = tpu.vector_load %arg10[%parallel_loop3A_214, %parallel_loop3A_215] {strides = array<i32>} : memref<64x128xf32, #tpu.memory_space<vmem>>, vector<1x16xf32>,
        %parallel_loop3A_217 = vector.shape_cast %parallel_loop3A_216 : vector<1x16xf32> to vector<16xf32>
        %parallel_loop3A_218 = vector.shape_cast %parallel_loop3A_213 : vector<16xf32> to vector<1x16xf32>
        tpu.vector_store %arg10[%parallel_loop3A_214, %parallel_loop3A_215], %parallel_loop3A_218 {strides = array<i32>} : memref<64x128xf32, #tpu.memory_space<vmem>>, vector<1x16xf32>,
        %parallel_loop3A_219 = arith.index_cast %parallel_loop3A_116 : i32 to index
        %parallel_loop3A_220 = arith.constant 96 : index
        %parallel_loop3A_221 = tpu.vector_load %arg10[%parallel_loop3A_219, %parallel_loop3A_220] {strides = array<i32>} : memref<64x128xf32, #tpu.memory_space<vmem>>, vector<1x16xf32>,
        %parallel_loop3A_222 = vector.shape_cast %parallel_loop3A_221 : vector<1x16xf32> to vector<16xf32>
        %parallel_loop3A_223 = arith.index_cast %parallel_loop3A_116 : i32 to index
        %parallel_loop3A_224 = arith.constant 96 : index
        %parallel_loop3A_225 = tpu.vector_load %arg12[%parallel_loop3A_223, %parallel_loop3A_224] {strides = array<i32>} : memref<64x128xf32, #tpu.memory_space<vmem>>, vector<1x16xf32>,
        %parallel_loop3A_226 = vector.shape_cast %parallel_loop3A_225 : vector<1x16xf32> to vector<16xf32>
        %parallel_loop3A_227 = arith.addf %parallel_loop3A_222, %parallel_loop3A_226 : vector<16xf32>
        %parallel_loop3A_228 = arith.constant 0.000000e+00 : f32
        %parallel_loop3A_229 = vector.broadcast %parallel_loop3A_228 : f32 to vector<16xf32>
        %parallel_loop3A_230 = arith.maximumf %parallel_loop3A_227, %parallel_loop3A_229 : vector<16xf32>
        %parallel_loop3A_231 = arith.index_cast %parallel_loop3A_116 : i32 to index
        %parallel_loop3A_232 = arith.constant 96 : index
        %parallel_loop3A_233 = tpu.vector_load %arg10[%parallel_loop3A_231, %parallel_loop3A_232] {strides = array<i32>} : memref<64x128xf32, #tpu.memory_space<vmem>>, vector<1x16xf32>,
        %parallel_loop3A_234 = vector.shape_cast %parallel_loop3A_233 : vector<1x16xf32> to vector<16xf32>
        %parallel_loop3A_235 = vector.shape_cast %parallel_loop3A_230 : vector<16xf32> to vector<1x16xf32>
        tpu.vector_store %arg10[%parallel_loop3A_231, %parallel_loop3A_232], %parallel_loop3A_235 {strides = array<i32>} : memref<64x128xf32, #tpu.memory_space<vmem>>, vector<1x16xf32>,
        %parallel_loop3A_236 = arith.index_cast %parallel_loop3A_116 : i32 to index
        %parallel_loop3A_237 = arith.constant 112 : index
        %parallel_loop3A_238 = tpu.vector_load %arg10[%parallel_loop3A_236, %parallel_loop3A_237] {strides = array<i32>} : memref<64x128xf32, #tpu.memory_space<vmem>>, vector<1x16xf32>,
        %parallel_loop3A_239 = vector.shape_cast %parallel_loop3A_238 : vector<1x16xf32> to vector<16xf32>
        %parallel_loop3A_240 = arith.index_cast %parallel_loop3A_116 : i32 to index
        %parallel_loop3A_241 = arith.constant 112 : index
        %parallel_loop3A_242 = tpu.vector_load %arg12[%parallel_loop3A_240, %parallel_loop3A_241] {strides = array<i32>} : memref<64x128xf32, #tpu.memory_space<vmem>>, vector<1x16xf32>,
        %parallel_loop3A_243 = vector.shape_cast %parallel_loop3A_242 : vector<1x16xf32> to vector<16xf32>
        %parallel_loop3A_244 = arith.addf %parallel_loop3A_239, %parallel_loop3A_243 : vector<16xf32>
        %parallel_loop3A_245 = arith.constant 0.000000e+00 : f32
        %parallel_loop3A_246 = vector.broadcast %parallel_loop3A_245 : f32 to vector<16xf32>
        %parallel_loop3A_247 = arith.maximumf %parallel_loop3A_244, %parallel_loop3A_246 : vector<16xf32>
        %parallel_loop3A_248 = arith.index_cast %parallel_loop3A_116 : i32 to index
        %parallel_loop3A_249 = arith.constant 112 : index
        %parallel_loop3A_250 = tpu.vector_load %arg10[%parallel_loop3A_248, %parallel_loop3A_249] {strides = array<i32>} : memref<64x128xf32, #tpu.memory_space<vmem>>, vector<1x16xf32>,
        %parallel_loop3A_251 = vector.shape_cast %parallel_loop3A_250 : vector<1x16xf32> to vector<16xf32>
        %parallel_loop3A_252 = vector.shape_cast %parallel_loop3A_247 : vector<16xf32> to vector<1x16xf32>
        tpu.vector_store %arg10[%parallel_loop3A_248, %parallel_loop3A_249], %parallel_loop3A_252 {strides = array<i32>} : memref<64x128xf32, #tpu.memory_space<vmem>>, vector<1x16xf32>,
      } {sc.loop_unroll_factor = 4 : i64, sc.parallel_access}
      "tpu.region"() ({
        %run_scoped3A = tpu.sem_alloc : memref<!tpu.dma_semaphore, #tpu.memory_space<semaphore_mem>>
        %dma_start3A_116 = arith.constant 0 : i32
        %dma_start3A_117 = arith.constant 0 : i32
        %dma_start3A_118 = tpu.memref_slice %arg8[%dma_start3A_116, %dma_start3A_117] : memref<10000x128xf32, #tpu.memory_space<vmem_shared>> -> memref<10000x128xf32, #tpu.memory_space<vmem_shared>>
        tpu.enqueue_indirect_dma source(%arg10 : memref<64x128xf32, #tpu.memory_space<vmem>>) target(%dma_start3A_118 : memref<10000x128xf32, #tpu.memory_space<vmem_shared>>) offsets(%arg16 : memref<64xi32, #tpu.memory_space<vmem>>) semaphore(%run_scoped3A : memref<!tpu.dma_semaphore, #tpu.memory_space<semaphore_mem>>) {add = true}
        %dma_wait3A_119 = arith.constant 0 : i32
        %dma_wait3A_120 = arith.constant 0 : i32
        %dma_wait3A_121 = tpu.memref_slice %arg8[%dma_wait3A_119, %dma_wait3A_120] : memref<10000x128xf32, #tpu.memory_space<vmem_shared>> -> memref<10000x128xf32, #tpu.memory_space<vmem_shared>>
        tpu.wait_indirect_dma semaphore(%run_scoped3A : memref<!tpu.dma_semaphore, #tpu.memory_space<semaphore_mem>>) src(%arg10 : memref<64x128xf32, #tpu.memory_space<vmem>>) dst(%dma_wait3A_121 : memref<10000x128xf32, #tpu.memory_space<vmem_shared>>)
        tpu.yield
      }) : () -> ()
      %lt3A_110 = arith.constant 77 : i32
      %lt3A_111 = arith.cmpi slt, %scan3A_78, %lt3A_110 : i32
      %convert_element_type3A_112 = arith.extui %lt3A_111 : i1 to i32
      %cond3A_113 = arith.constant 0 : i32
      %cond3A_114 = arith.cmpi ne, %convert_element_type3A_112, %cond3A_113 : i32
      scf.if %cond3A_114 {
        %add3A_116 = arith.addi %mul3A_4, %mul3A_6 : i32
        %dma_wait3A_117 = arith.constant 0 : i32
        %dma_wait3A_118 = tpu.memref_slice %arg3[%add3A_116, %dma_wait3A_117] : memref<320000x128xf32, #tpu.memory_space<hbm>> -> memref<64x128xf32, #tpu.memory_space<hbm>>
        %dma_wait3A_119 = arith.constant 0 : i32
        %dma_wait3A_120 = tpu.memref_slice %arg3[%add3A_116, %dma_wait3A_119] : memref<320000x128xf32, #tpu.memory_space<hbm>> -> memref<64x128xf32, #tpu.memory_space<hbm>>
        tpu.wait_dma2 semaphore(%arg21 : memref<!tpu.dma_semaphore, #tpu.memory_space<semaphore_mem>>) src(%dma_wait3A_120 : memref<64x128xf32, #tpu.memory_space<hbm>>) dst(%arg9 : memref<64x128xf32, #tpu.memory_space<vmem>>)
        %add3A_121 = arith.addi %mul3A_4, %mul3A_6 : i32
        %dma_wait3A_122 = tpu.memref_slice %arg5[%add3A_121] : memref<320000xi32, #tpu.memory_space<hbm>> -> memref<64xi32, #tpu.memory_space<hbm>>
        %dma_wait3A_123 = tpu.memref_slice %arg5[%add3A_121] : memref<320000xi32, #tpu.memory_space<hbm>> -> memref<64xi32, #tpu.memory_space<hbm>>
        tpu.wait_dma2 semaphore(%arg21 : memref<!tpu.dma_semaphore, #tpu.memory_space<semaphore_mem>>) src(%dma_wait3A_123 : memref<64xi32, #tpu.memory_space<hbm>>) dst(%arg13 : memref<64xi32, #tpu.memory_space<vmem>>)
        %dma_wait3A_124 = tpu.memref_slice %arg6[%mul3A_6] : memref<160000xi32, #tpu.memory_space<hbm>> -> memref<64xi32, #tpu.memory_space<hbm>>
        %dma_wait3A_125 = tpu.memref_slice %arg6[%mul3A_6] : memref<160000xi32, #tpu.memory_space<hbm>> -> memref<64xi32, #tpu.memory_space<hbm>>
        tpu.wait_dma2 semaphore(%arg21 : memref<!tpu.dma_semaphore, #tpu.memory_space<semaphore_mem>>) src(%dma_wait3A_125 : memref<64xi32, #tpu.memory_space<hbm>>) dst(%arg15 : memref<64xi32, #tpu.memory_space<vmem>>)
        %dma_start3A_126 = arith.constant 0 : i32
        %dma_start3A_127 = arith.constant 0 : i32
        %dma_start3A_128 = tpu.memref_slice %arg2[%dma_start3A_126, %dma_start3A_127] : memref<20000x128xf32, #tpu.memory_space<hbm>> -> memref<20000x128xf32, #tpu.memory_space<hbm>>
        tpu.enqueue_indirect_dma source(%dma_start3A_128 : memref<20000x128xf32, #tpu.memory_space<hbm>>) target(%arg11 : memref<64x128xf32, #tpu.memory_space<vmem>>) offsets(%arg13 : memref<64xi32, #tpu.memory_space<vmem>>) semaphore(%arg23 : memref<!tpu.dma_semaphore, #tpu.memory_space<semaphore_mem>>)
        %mul3A_129 = arith.constant 2 : i32
        %mul3A_130 = arith.muli %mul3A_129, %scan3A_78 : i32
        %add3A_131 = arith.constant 3 : i32
        %add3A_132 = arith.addi %mul3A_130, %add3A_131 : i32
        %mul3A_133 = arith.constant 64 : i32
        %mul3A_134 = arith.muli %add3A_132, %mul3A_133 : i32
        %add3A_135 = arith.addi %mul3A_6, %mul3A_134 : i32
        %add3A_136 = arith.addi %mul3A_4, %add3A_135 : i32
        %dma_start3A_137 = arith.constant 0 : i32
        %dma_start3A_138 = tpu.memref_slice %arg3[%add3A_136, %dma_start3A_137] : memref<320000x128xf32, #tpu.memory_space<hbm>> -> memref<64x128xf32, #tpu.memory_space<hbm>>
        %dma_start3A_139 = arith.constant 0 : i32
        %dma_start3A_140 = tpu.memref_slice %arg3[%add3A_136, %dma_start3A_139] : memref<320000x128xf32, #tpu.memory_space<hbm>> -> memref<64x128xf32, #tpu.memory_space<hbm>>
        tpu.enqueue_dma source(%dma_start3A_140 : memref<64x128xf32, #tpu.memory_space<hbm>>) target(%arg10 : memref<64x128xf32, #tpu.memory_space<vmem>>) target_semaphore(%arg22 : memref<!tpu.dma_semaphore, #tpu.memory_space<semaphore_mem>>)
        %add3A_141 = arith.addi %mul3A_4, %add3A_135 : i32
        %dma_start3A_142 = tpu.memref_slice %arg5[%add3A_141] : memref<320000xi32, #tpu.memory_space<hbm>> -> memref<64xi32, #tpu.memory_space<hbm>>
        %dma_start3A_143 = tpu.memref_slice %arg5[%add3A_141] : memref<320000xi32, #tpu.memory_space<hbm>> -> memref<64xi32, #tpu.memory_space<hbm>>
        tpu.enqueue_dma source(%dma_start3A_143 : memref<64xi32, #tpu.memory_space<hbm>>) target(%arg14 : memref<64xi32, #tpu.memory_space<vmem>>) target_semaphore(%arg22 : memref<!tpu.dma_semaphore, #tpu.memory_space<semaphore_mem>>)
        %dma_start3A_144 = tpu.memref_slice %arg6[%add3A_135] : memref<160000xi32, #tpu.memory_space<hbm>> -> memref<64xi32, #tpu.memory_space<hbm>>
        %dma_start3A_145 = tpu.memref_slice %arg6[%add3A_135] : memref<160000xi32, #tpu.memory_space<hbm>> -> memref<64xi32, #tpu.memory_space<hbm>>
        tpu.enqueue_dma source(%dma_start3A_145 : memref<64xi32, #tpu.memory_space<hbm>>) target(%arg16 : memref<64xi32, #tpu.memory_space<vmem>>) target_semaphore(%arg22 : memref<!tpu.dma_semaphore, #tpu.memory_space<semaphore_mem>>)
      } else {
      }
      %scan3A_115 = arith.constant 0 : i32
      scf.yield %scan3A_115 : i32
    }
    %scan3A_53 = arith.constant 78 : i32
    %add3A_54 = arith.constant 9984 : i32
    %add3A_55 = arith.addi %mul3A_6, %add3A_54 : i32
    %add3A_56 = arith.addi %mul3A_4, %add3A_55 : i32
    "tpu.region"() ({
      %run_scoped3A = tpu.sem_alloc : memref<!tpu.dma_semaphore, #tpu.memory_space<semaphore_mem>>
      %dma_start3A_78 = arith.constant 0 : i32
      %dma_start3A_79 = tpu.memref_slice %arg3[%add3A_56, %dma_start3A_78] : memref<320000x128xf32, #tpu.memory_space<hbm>> -> memref<16x128xf32, #tpu.memory_space<hbm>>
      %dma_start3A_80 = arith.constant 0 : i32
      %dma_start3A_81 = tpu.memref_slice %arg3[%add3A_56, %dma_start3A_80] : memref<320000x128xf32, #tpu.memory_space<hbm>> -> memref<16x128xf32, #tpu.memory_space<hbm>>
      tpu.enqueue_dma source(%dma_start3A_81 : memref<16x128xf32, #tpu.memory_space<hbm>>) target(%arg17 : memref<16x128xf32, #tpu.memory_space<vmem>>) target_semaphore(%run_scoped3A : memref<!tpu.dma_semaphore, #tpu.memory_space<semaphore_mem>>)
      %dma_wait3A_82 = arith.constant 0 : i32
      %dma_wait3A_83 = tpu.memref_slice %arg3[%add3A_56, %dma_wait3A_82] : memref<320000x128xf32, #tpu.memory_space<hbm>> -> memref<16x128xf32, #tpu.memory_space<hbm>>
      %dma_wait3A_84 = arith.constant 0 : i32
      %dma_wait3A_85 = tpu.memref_slice %arg3[%add3A_56, %dma_wait3A_84] : memref<320000x128xf32, #tpu.memory_space<hbm>> -> memref<16x128xf32, #tpu.memory_space<hbm>>
      tpu.wait_dma2 semaphore(%run_scoped3A : memref<!tpu.dma_semaphore, #tpu.memory_space<semaphore_mem>>) src(%dma_wait3A_85 : memref<16x128xf32, #tpu.memory_space<hbm>>) dst(%arg17 : memref<16x128xf32, #tpu.memory_space<vmem>>)
      tpu.yield
    }) : () -> ()
    %add3A_57 = arith.addi %mul3A_4, %add3A_55 : i32
    "tpu.region"() ({
      %run_scoped3A = tpu.sem_alloc : memref<!tpu.dma_semaphore, #tpu.memory_space<semaphore_mem>>
      %dma_start3A_78 = tpu.memref_slice %arg5[%add3A_57] : memref<320000xi32, #tpu.memory_space<hbm>> -> memref<16xi32, #tpu.memory_space<hbm>>
      %dma_start3A_79 = tpu.memref_slice %arg5[%add3A_57] : memref<320000xi32, #tpu.memory_space<hbm>> -> memref<16xi32, #tpu.memory_space<hbm>>
      tpu.enqueue_dma source(%dma_start3A_79 : memref<16xi32, #tpu.memory_space<hbm>>) target(%arg19 : memref<16xi32, #tpu.memory_space<vmem>>) target_semaphore(%run_scoped3A : memref<!tpu.dma_semaphore, #tpu.memory_space<semaphore_mem>>)
      %dma_wait3A_80 = tpu.memref_slice %arg5[%add3A_57] : memref<320000xi32, #tpu.memory_space<hbm>> -> memref<16xi32, #tpu.memory_space<hbm>>
      %dma_wait3A_81 = tpu.memref_slice %arg5[%add3A_57] : memref<320000xi32, #tpu.memory_space<hbm>> -> memref<16xi32, #tpu.memory_space<hbm>>
      tpu.wait_dma2 semaphore(%run_scoped3A : memref<!tpu.dma_semaphore, #tpu.memory_space<semaphore_mem>>) src(%dma_wait3A_81 : memref<16xi32, #tpu.memory_space<hbm>>) dst(%arg19 : memref<16xi32, #tpu.memory_space<vmem>>)
      tpu.yield
    }) : () -> ()
    "tpu.region"() ({
      %run_scoped3A = tpu.sem_alloc : memref<!tpu.dma_semaphore, #tpu.memory_space<semaphore_mem>>
      %dma_start3A_78 = tpu.memref_slice %arg6[%add3A_55] : memref<160000xi32, #tpu.memory_space<hbm>> -> memref<16xi32, #tpu.memory_space<hbm>>
      %dma_start3A_79 = tpu.memref_slice %arg6[%add3A_55] : memref<160000xi32, #tpu.memory_space<hbm>> -> memref<16xi32, #tpu.memory_space<hbm>>
      tpu.enqueue_dma source(%dma_start3A_79 : memref<16xi32, #tpu.memory_space<hbm>>) target(%arg20 : memref<16xi32, #tpu.memory_space<vmem>>) target_semaphore(%run_scoped3A : memref<!tpu.dma_semaphore, #tpu.memory_space<semaphore_mem>>)
      %dma_wait3A_80 = tpu.memref_slice %arg6[%add3A_55] : memref<160000xi32, #tpu.memory_space<hbm>> -> memref<16xi32, #tpu.memory_space<hbm>>
      %dma_wait3A_81 = tpu.memref_slice %arg6[%add3A_55] : memref<160000xi32, #tpu.memory_space<hbm>> -> memref<16xi32, #tpu.memory_space<hbm>>
      tpu.wait_dma2 semaphore(%run_scoped3A : memref<!tpu.dma_semaphore, #tpu.memory_space<semaphore_mem>>) src(%dma_wait3A_81 : memref<16xi32, #tpu.memory_space<hbm>>) dst(%arg20 : memref<16xi32, #tpu.memory_space<vmem>>)
      tpu.yield
    }) : () -> ()
    %dma_start3A_58 = arith.constant 0 : i32
    %dma_start3A_59 = arith.constant 0 : i32
    %dma_start3A_60 = tpu.memref_slice %arg2[%dma_start3A_58, %dma_start3A_59] : memref<20000x128xf32, #tpu.memory_space<hbm>> -> memref<20000x128xf32, #tpu.memory_space<hbm>>
    tpu.enqueue_indirect_dma source(%dma_start3A_60 : memref<20000x128xf32, #tpu.memory_space<hbm>>) target(%arg18 : memref<16x128xf32, #tpu.memory_space<vmem>>) offsets(%arg19 : memref<16xi32, #tpu.memory_space<vmem>>) semaphore(%arg25 : memref<!tpu.dma_semaphore, #tpu.memory_space<semaphore_mem>>)
    %dma_wait3A_61 = arith.constant 0 : i32
    %dma_wait3A_62 = arith.constant 0 : i32
    %dma_wait3A_63 = tpu.memref_slice %arg2[%dma_wait3A_61, %dma_wait3A_62] : memref<20000x128xf32, #tpu.memory_space<hbm>> -> memref<20000x128xf32, #tpu.memory_space<hbm>>
    tpu.wait_indirect_dma semaphore(%arg25 : memref<!tpu.dma_semaphore, #tpu.memory_space<semaphore_mem>>) src(%dma_wait3A_63 : memref<20000x128xf32, #tpu.memory_space<hbm>>) dst(%arg18 : memref<16x128xf32, #tpu.memory_space<vmem>>)
    %parallel_loop3A = arith.constant 0 : i32
    %parallel_loop3A_64 = arith.constant 16 : i32
    %parallel_loop3A_65 = arith.constant 1 : i32
    scf.for %parallel_loop3A_78 = %parallel_loop3A to %parallel_loop3A_64 step %parallel_loop3A_65  : i32 {
      %parallel_loop3A_79 = arith.index_cast %parallel_loop3A_78 : i32 to index
      %parallel_loop3A_80 = arith.constant 0 : index
      %parallel_loop3A_81 = tpu.vector_load %arg17[%parallel_loop3A_79, %parallel_loop3A_80] {strides = array<i32>} : memref<16x128xf32, #tpu.memory_space<vmem>>, vector<1x16xf32>,
      %parallel_loop3A_82 = vector.shape_cast %parallel_loop3A_81 : vector<1x16xf32> to vector<16xf32>
      %parallel_loop3A_83 = arith.index_cast %parallel_loop3A_78 : i32 to index
      %parallel_loop3A_84 = arith.constant 0 : index
      %parallel_loop3A_85 = tpu.vector_load %arg18[%parallel_loop3A_83, %parallel_loop3A_84] {strides = array<i32>} : memref<16x128xf32, #tpu.memory_space<vmem>>, vector<1x16xf32>,
      %parallel_loop3A_86 = vector.shape_cast %parallel_loop3A_85 : vector<1x16xf32> to vector<16xf32>
      %parallel_loop3A_87 = arith.addf %parallel_loop3A_82, %parallel_loop3A_86 : vector<16xf32>
      %parallel_loop3A_88 = arith.constant 0.000000e+00 : f32
      %parallel_loop3A_89 = vector.broadcast %parallel_loop3A_88 : f32 to vector<16xf32>
      %parallel_loop3A_90 = arith.maximumf %parallel_loop3A_87, %parallel_loop3A_89 : vector<16xf32>
      %parallel_loop3A_91 = arith.index_cast %parallel_loop3A_78 : i32 to index
      %parallel_loop3A_92 = arith.constant 0 : index
      %parallel_loop3A_93 = tpu.vector_load %arg17[%parallel_loop3A_91, %parallel_loop3A_92] {strides = array<i32>} : memref<16x128xf32, #tpu.memory_space<vmem>>, vector<1x16xf32>,
      %parallel_loop3A_94 = vector.shape_cast %parallel_loop3A_93 : vector<1x16xf32> to vector<16xf32>
      %parallel_loop3A_95 = vector.shape_cast %parallel_loop3A_90 : vector<16xf32> to vector<1x16xf32>
      tpu.vector_store %arg17[%parallel_loop3A_91, %parallel_loop3A_92], %parallel_loop3A_95 {strides = array<i32>} : memref<16x128xf32, #tpu.memory_space<vmem>>, vector<1x16xf32>,
      %parallel_loop3A_96 = arith.index_cast %parallel_loop3A_78 : i32 to index
      %parallel_loop3A_97 = arith.constant 16 : index
      %parallel_loop3A_98 = tpu.vector_load %arg17[%parallel_loop3A_96, %parallel_loop3A_97] {strides = array<i32>} : memref<16x128xf32, #tpu.memory_space<vmem>>, vector<1x16xf32>,
      %parallel_loop3A_99 = vector.shape_cast %parallel_loop3A_98 : vector<1x16xf32> to vector<16xf32>
      %parallel_loop3A_100 = arith.index_cast %parallel_loop3A_78 : i32 to index
      %parallel_loop3A_101 = arith.constant 16 : index
      %parallel_loop3A_102 = tpu.vector_load %arg18[%parallel_loop3A_100, %parallel_loop3A_101] {strides = array<i32>} : memref<16x128xf32, #tpu.memory_space<vmem>>, vector<1x16xf32>,
      %parallel_loop3A_103 = vector.shape_cast %parallel_loop3A_102 : vector<1x16xf32> to vector<16xf32>
      %parallel_loop3A_104 = arith.addf %parallel_loop3A_99, %parallel_loop3A_103 : vector<16xf32>
      %parallel_loop3A_105 = arith.constant 0.000000e+00 : f32
      %parallel_loop3A_106 = vector.broadcast %parallel_loop3A_105 : f32 to vector<16xf32>
      %parallel_loop3A_107 = arith.maximumf %parallel_loop3A_104, %parallel_loop3A_106 : vector<16xf32>
      %parallel_loop3A_108 = arith.index_cast %parallel_loop3A_78 : i32 to index
      %parallel_loop3A_109 = arith.constant 16 : index
      %parallel_loop3A_110 = tpu.vector_load %arg17[%parallel_loop3A_108, %parallel_loop3A_109] {strides = array<i32>} : memref<16x128xf32, #tpu.memory_space<vmem>>, vector<1x16xf32>,
      %parallel_loop3A_111 = vector.shape_cast %parallel_loop3A_110 : vector<1x16xf32> to vector<16xf32>
      %parallel_loop3A_112 = vector.shape_cast %parallel_loop3A_107 : vector<16xf32> to vector<1x16xf32>
      tpu.vector_store %arg17[%parallel_loop3A_108, %parallel_loop3A_109], %parallel_loop3A_112 {strides = array<i32>} : memref<16x128xf32, #tpu.memory_space<vmem>>, vector<1x16xf32>,
      %parallel_loop3A_113 = arith.index_cast %parallel_loop3A_78 : i32 to index
      %parallel_loop3A_114 = arith.constant 32 : index
      %parallel_loop3A_115 = tpu.vector_load %arg17[%parallel_loop3A_113, %parallel_loop3A_114] {strides = array<i32>} : memref<16x128xf32, #tpu.memory_space<vmem>>, vector<1x16xf32>,
      %parallel_loop3A_116 = vector.shape_cast %parallel_loop3A_115 : vector<1x16xf32> to vector<16xf32>
      %parallel_loop3A_117 = arith.index_cast %parallel_loop3A_78 : i32 to index
      %parallel_loop3A_118 = arith.constant 32 : index
      %parallel_loop3A_119 = tpu.vector_load %arg18[%parallel_loop3A_117, %parallel_loop3A_118] {strides = array<i32>} : memref<16x128xf32, #tpu.memory_space<vmem>>, vector<1x16xf32>,
      %parallel_loop3A_120 = vector.shape_cast %parallel_loop3A_119 : vector<1x16xf32> to vector<16xf32>
      %parallel_loop3A_121 = arith.addf %parallel_loop3A_116, %parallel_loop3A_120 : vector<16xf32>
      %parallel_loop3A_122 = arith.constant 0.000000e+00 : f32
      %parallel_loop3A_123 = vector.broadcast %parallel_loop3A_122 : f32 to vector<16xf32>
      %parallel_loop3A_124 = arith.maximumf %parallel_loop3A_121, %parallel_loop3A_123 : vector<16xf32>
      %parallel_loop3A_125 = arith.index_cast %parallel_loop3A_78 : i32 to index
      %parallel_loop3A_126 = arith.constant 32 : index
      %parallel_loop3A_127 = tpu.vector_load %arg17[%parallel_loop3A_125, %parallel_loop3A_126] {strides = array<i32>} : memref<16x128xf32, #tpu.memory_space<vmem>>, vector<1x16xf32>,
      %parallel_loop3A_128 = vector.shape_cast %parallel_loop3A_127 : vector<1x16xf32> to vector<16xf32>
      %parallel_loop3A_129 = vector.shape_cast %parallel_loop3A_124 : vector<16xf32> to vector<1x16xf32>
      tpu.vector_store %arg17[%parallel_loop3A_125, %parallel_loop3A_126], %parallel_loop3A_129 {strides = array<i32>} : memref<16x128xf32, #tpu.memory_space<vmem>>, vector<1x16xf32>,
      %parallel_loop3A_130 = arith.index_cast %parallel_loop3A_78 : i32 to index
      %parallel_loop3A_131 = arith.constant 48 : index
      %parallel_loop3A_132 = tpu.vector_load %arg17[%parallel_loop3A_130, %parallel_loop3A_131] {strides = array<i32>} : memref<16x128xf32, #tpu.memory_space<vmem>>, vector<1x16xf32>,
      %parallel_loop3A_133 = vector.shape_cast %parallel_loop3A_132 : vector<1x16xf32> to vector<16xf32>
      %parallel_loop3A_134 = arith.index_cast %parallel_loop3A_78 : i32 to index
      %parallel_loop3A_135 = arith.constant 48 : index
      %parallel_loop3A_136 = tpu.vector_load %arg18[%parallel_loop3A_134, %parallel_loop3A_135] {strides = array<i32>} : memref<16x128xf32, #tpu.memory_space<vmem>>, vector<1x16xf32>,
      %parallel_loop3A_137 = vector.shape_cast %parallel_loop3A_136 : vector<1x16xf32> to vector<16xf32>
      %parallel_loop3A_138 = arith.addf %parallel_loop3A_133, %parallel_loop3A_137 : vector<16xf32>
      %parallel_loop3A_139 = arith.constant 0.000000e+00 : f32
      %parallel_loop3A_140 = vector.broadcast %parallel_loop3A_139 : f32 to vector<16xf32>
      %parallel_loop3A_141 = arith.maximumf %parallel_loop3A_138, %parallel_loop3A_140 : vector<16xf32>
      %parallel_loop3A_142 = arith.index_cast %parallel_loop3A_78 : i32 to index
      %parallel_loop3A_143 = arith.constant 48 : index
      %parallel_loop3A_144 = tpu.vector_load %arg17[%parallel_loop3A_142, %parallel_loop3A_143] {strides = array<i32>} : memref<16x128xf32, #tpu.memory_space<vmem>>, vector<1x16xf32>,
      %parallel_loop3A_145 = vector.shape_cast %parallel_loop3A_144 : vector<1x16xf32> to vector<16xf32>
      %parallel_loop3A_146 = vector.shape_cast %parallel_loop3A_141 : vector<16xf32> to vector<1x16xf32>
      tpu.vector_store %arg17[%parallel_loop3A_142, %parallel_loop3A_143], %parallel_loop3A_146 {strides = array<i32>} : memref<16x128xf32, #tpu.memory_space<vmem>>, vector<1x16xf32>,
      %parallel_loop3A_147 = arith.index_cast %parallel_loop3A_78 : i32 to index
      %parallel_loop3A_148 = arith.constant 64 : index
      %parallel_loop3A_149 = tpu.vector_load %arg17[%parallel_loop3A_147, %parallel_loop3A_148] {strides = array<i32>} : memref<16x128xf32, #tpu.memory_space<vmem>>, vector<1x16xf32>,
      %parallel_loop3A_150 = vector.shape_cast %parallel_loop3A_149 : vector<1x16xf32> to vector<16xf32>
      %parallel_loop3A_151 = arith.index_cast %parallel_loop3A_78 : i32 to index
      %parallel_loop3A_152 = arith.constant 64 : index
      %parallel_loop3A_153 = tpu.vector_load %arg18[%parallel_loop3A_151, %parallel_loop3A_152] {strides = array<i32>} : memref<16x128xf32, #tpu.memory_space<vmem>>, vector<1x16xf32>,
      %parallel_loop3A_154 = vector.shape_cast %parallel_loop3A_153 : vector<1x16xf32> to vector<16xf32>
      %parallel_loop3A_155 = arith.addf %parallel_loop3A_150, %parallel_loop3A_154 : vector<16xf32>
      %parallel_loop3A_156 = arith.constant 0.000000e+00 : f32
      %parallel_loop3A_157 = vector.broadcast %parallel_loop3A_156 : f32 to vector<16xf32>
      %parallel_loop3A_158 = arith.maximumf %parallel_loop3A_155, %parallel_loop3A_157 : vector<16xf32>
      %parallel_loop3A_159 = arith.index_cast %parallel_loop3A_78 : i32 to index
      %parallel_loop3A_160 = arith.constant 64 : index
      %parallel_loop3A_161 = tpu.vector_load %arg17[%parallel_loop3A_159, %parallel_loop3A_160] {strides = array<i32>} : memref<16x128xf32, #tpu.memory_space<vmem>>, vector<1x16xf32>,
      %parallel_loop3A_162 = vector.shape_cast %parallel_loop3A_161 : vector<1x16xf32> to vector<16xf32>
      %parallel_loop3A_163 = vector.shape_cast %parallel_loop3A_158 : vector<16xf32> to vector<1x16xf32>
      tpu.vector_store %arg17[%parallel_loop3A_159, %parallel_loop3A_160], %parallel_loop3A_163 {strides = array<i32>} : memref<16x128xf32, #tpu.memory_space<vmem>>, vector<1x16xf32>,
      %parallel_loop3A_164 = arith.index_cast %parallel_loop3A_78 : i32 to index
      %parallel_loop3A_165 = arith.constant 80 : index
      %parallel_loop3A_166 = tpu.vector_load %arg17[%parallel_loop3A_164, %parallel_loop3A_165] {strides = array<i32>} : memref<16x128xf32, #tpu.memory_space<vmem>>, vector<1x16xf32>,
      %parallel_loop3A_167 = vector.shape_cast %parallel_loop3A_166 : vector<1x16xf32> to vector<16xf32>
      %parallel_loop3A_168 = arith.index_cast %parallel_loop3A_78 : i32 to index
      %parallel_loop3A_169 = arith.constant 80 : index
      %parallel_loop3A_170 = tpu.vector_load %arg18[%parallel_loop3A_168, %parallel_loop3A_169] {strides = array<i32>} : memref<16x128xf32, #tpu.memory_space<vmem>>, vector<1x16xf32>,
      %parallel_loop3A_171 = vector.shape_cast %parallel_loop3A_170 : vector<1x16xf32> to vector<16xf32>
      %parallel_loop3A_172 = arith.addf %parallel_loop3A_167, %parallel_loop3A_171 : vector<16xf32>
      %parallel_loop3A_173 = arith.constant 0.000000e+00 : f32
      %parallel_loop3A_174 = vector.broadcast %parallel_loop3A_173 : f32 to vector<16xf32>
      %parallel_loop3A_175 = arith.maximumf %parallel_loop3A_172, %parallel_loop3A_174 : vector<16xf32>
      %parallel_loop3A_176 = arith.index_cast %parallel_loop3A_78 : i32 to index
      %parallel_loop3A_177 = arith.constant 80 : index
      %parallel_loop3A_178 = tpu.vector_load %arg17[%parallel_loop3A_176, %parallel_loop3A_177] {strides = array<i32>} : memref<16x128xf32, #tpu.memory_space<vmem>>, vector<1x16xf32>,
      %parallel_loop3A_179 = vector.shape_cast %parallel_loop3A_178 : vector<1x16xf32> to vector<16xf32>
      %parallel_loop3A_180 = vector.shape_cast %parallel_loop3A_175 : vector<16xf32> to vector<1x16xf32>
      tpu.vector_store %arg17[%parallel_loop3A_176, %parallel_loop3A_177], %parallel_loop3A_180 {strides = array<i32>} : memref<16x128xf32, #tpu.memory_space<vmem>>, vector<1x16xf32>,
      %parallel_loop3A_181 = arith.index_cast %parallel_loop3A_78 : i32 to index
      %parallel_loop3A_182 = arith.constant 96 : index
      %parallel_loop3A_183 = tpu.vector_load %arg17[%parallel_loop3A_181, %parallel_loop3A_182] {strides = array<i32>} : memref<16x128xf32, #tpu.memory_space<vmem>>, vector<1x16xf32>,
      %parallel_loop3A_184 = vector.shape_cast %parallel_loop3A_183 : vector<1x16xf32> to vector<16xf32>
      %parallel_loop3A_185 = arith.index_cast %parallel_loop3A_78 : i32 to index
      %parallel_loop3A_186 = arith.constant 96 : index
      %parallel_loop3A_187 = tpu.vector_load %arg18[%parallel_loop3A_185, %parallel_loop3A_186] {strides = array<i32>} : memref<16x128xf32, #tpu.memory_space<vmem>>, vector<1x16xf32>,
      %parallel_loop3A_188 = vector.shape_cast %parallel_loop3A_187 : vector<1x16xf32> to vector<16xf32>
      %parallel_loop3A_189 = arith.addf %parallel_loop3A_184, %parallel_loop3A_188 : vector<16xf32>
      %parallel_loop3A_190 = arith.constant 0.000000e+00 : f32
      %parallel_loop3A_191 = vector.broadcast %parallel_loop3A_190 : f32 to vector<16xf32>
      %parallel_loop3A_192 = arith.maximumf %parallel_loop3A_189, %parallel_loop3A_191 : vector<16xf32>
      %parallel_loop3A_193 = arith.index_cast %parallel_loop3A_78 : i32 to index
      %parallel_loop3A_194 = arith.constant 96 : index
      %parallel_loop3A_195 = tpu.vector_load %arg17[%parallel_loop3A_193, %parallel_loop3A_194] {strides = array<i32>} : memref<16x128xf32, #tpu.memory_space<vmem>>, vector<1x16xf32>,
      %parallel_loop3A_196 = vector.shape_cast %parallel_loop3A_195 : vector<1x16xf32> to vector<16xf32>
      %parallel_loop3A_197 = vector.shape_cast %parallel_loop3A_192 : vector<16xf32> to vector<1x16xf32>
      tpu.vector_store %arg17[%parallel_loop3A_193, %parallel_loop3A_194], %parallel_loop3A_197 {strides = array<i32>} : memref<16x128xf32, #tpu.memory_space<vmem>>, vector<1x16xf32>,
      %parallel_loop3A_198 = arith.index_cast %parallel_loop3A_78 : i32 to index
      %parallel_loop3A_199 = arith.constant 112 : index
      %parallel_loop3A_200 = tpu.vector_load %arg17[%parallel_loop3A_198, %parallel_loop3A_199] {strides = array<i32>} : memref<16x128xf32, #tpu.memory_space<vmem>>, vector<1x16xf32>,
      %parallel_loop3A_201 = vector.shape_cast %parallel_loop3A_200 : vector<1x16xf32> to vector<16xf32>
      %parallel_loop3A_202 = arith.index_cast %parallel_loop3A_78 : i32 to index
      %parallel_loop3A_203 = arith.constant 112 : index
      %parallel_loop3A_204 = tpu.vector_load %arg18[%parallel_loop3A_202, %parallel_loop3A_203] {strides = array<i32>} : memref<16x128xf32, #tpu.memory_space<vmem>>, vector<1x16xf32>,
      %parallel_loop3A_205 = vector.shape_cast %parallel_loop3A_204 : vector<1x16xf32> to vector<16xf32>
      %parallel_loop3A_206 = arith.addf %parallel_loop3A_201, %parallel_loop3A_205 : vector<16xf32>
      %parallel_loop3A_207 = arith.constant 0.000000e+00 : f32
      %parallel_loop3A_208 = vector.broadcast %parallel_loop3A_207 : f32 to vector<16xf32>
      %parallel_loop3A_209 = arith.maximumf %parallel_loop3A_206, %parallel_loop3A_208 : vector<16xf32>
      %parallel_loop3A_210 = arith.index_cast %parallel_loop3A_78 : i32 to index
      %parallel_loop3A_211 = arith.constant 112 : index
      %parallel_loop3A_212 = tpu.vector_load %arg17[%parallel_loop3A_210, %parallel_loop3A_211] {strides = array<i32>} : memref<16x128xf32, #tpu.memory_space<vmem>>, vector<1x16xf32>,
      %parallel_loop3A_213 = vector.shape_cast %parallel_loop3A_212 : vector<1x16xf32> to vector<16xf32>
      %parallel_loop3A_214 = vector.shape_cast %parallel_loop3A_209 : vector<16xf32> to vector<1x16xf32>
      tpu.vector_store %arg17[%parallel_loop3A_210, %parallel_loop3A_211], %parallel_loop3A_214 {strides = array<i32>} : memref<16x128xf32, #tpu.memory_space<vmem>>, vector<1x16xf32>,
    } {sc.loop_unroll_factor = 4 : i64, sc.parallel_access}
    "tpu.region"() ({
      %run_scoped3A = tpu.sem_alloc : memref<!tpu.dma_semaphore, #tpu.memory_space<semaphore_mem>>
      %dma_start3A_78 = arith.constant 0 : i32
      %dma_start3A_79 = arith.constant 0 : i32
      %dma_start3A_80 = tpu.memref_slice %arg8[%dma_start3A_78, %dma_start3A_79] : memref<10000x128xf32, #tpu.memory_space<vmem_shared>> -> memref<10000x128xf32, #tpu.memory_space<vmem_shared>>
      tpu.enqueue_indirect_dma source(%arg17 : memref<16x128xf32, #tpu.memory_space<vmem>>) target(%dma_start3A_80 : memref<10000x128xf32, #tpu.memory_space<vmem_shared>>) offsets(%arg20 : memref<16xi32, #tpu.memory_space<vmem>>) semaphore(%run_scoped3A : memref<!tpu.dma_semaphore, #tpu.memory_space<semaphore_mem>>) {add = true}
      %dma_wait3A_81 = arith.constant 0 : i32
      %dma_wait3A_82 = arith.constant 0 : i32
      %dma_wait3A_83 = tpu.memref_slice %arg8[%dma_wait3A_81, %dma_wait3A_82] : memref<10000x128xf32, #tpu.memory_space<vmem_shared>> -> memref<10000x128xf32, #tpu.memory_space<vmem_shared>>
      tpu.wait_indirect_dma semaphore(%run_scoped3A : memref<!tpu.dma_semaphore, #tpu.memory_space<semaphore_mem>>) src(%arg17 : memref<16x128xf32, #tpu.memory_space<vmem>>) dst(%dma_wait3A_83 : memref<10000x128xf32, #tpu.memory_space<vmem_shared>>)
      tpu.yield
    }) : () -> ()
    %barrier3A_66 = arith.constant 0 : index
    tpu.barrier barrier_id(%barrier3A_66)
    %add3A_67 = arith.addi %mul3A_2, %mul3A_0 : i32
    %lt3A_68 = arith.constant 15 : i32
    %lt3A_69 = arith.cmpi slt, %arg1, %lt3A_68 : i32
    %convert_element_type3A_70 = arith.extui %lt3A_69 : i1 to i32
    %cond3A_71 = arith.constant 0 : i32
    %cond3A_72 = arith.cmpi ne, %convert_element_type3A_70, %cond3A_71 : i32
    scf.if %cond3A_72 {
      "tpu.region"() ({
        %run_scoped3A = tpu.sem_alloc : memref<!tpu.dma_semaphore, #tpu.memory_space<semaphore_mem>>
        %dma_start3A_78 = arith.constant 0 : i32
        %dma_start3A_79 = tpu.memref_slice %arg7[%add3A_67, %dma_start3A_78] : memref<20000x128xf32, #tpu.memory_space<hbm>> -> memref<640x128xf32, #tpu.memory_space<hbm>>
        %dma_start3A_80 = arith.constant 0 : i32
        %dma_start3A_81 = tpu.memref_slice %arg8[%mul3A_0, %dma_start3A_80] : memref<10000x128xf32, #tpu.memory_space<vmem_shared>> -> memref<640x128xf32, #tpu.memory_space<vmem_shared>>
        tpu.enqueue_dma source(%dma_start3A_81 : memref<640x128xf32, #tpu.memory_space<vmem_shared>>) target(%dma_start3A_79 : memref<640x128xf32, #tpu.memory_space<hbm>>) target_semaphore(%run_scoped3A : memref<!tpu.dma_semaphore, #tpu.memory_space<semaphore_mem>>)
        %dma_wait3A_82 = arith.constant 0 : i32
        %dma_wait3A_83 = tpu.memref_slice %arg7[%add3A_67, %dma_wait3A_82] : memref<20000x128xf32, #tpu.memory_space<hbm>> -> memref<640x128xf32, #tpu.memory_space<hbm>>
        %dma_wait3A_84 = arith.constant 0 : i32
        %dma_wait3A_85 = tpu.memref_slice %arg8[%mul3A_0, %dma_wait3A_84] : memref<10000x128xf32, #tpu.memory_space<vmem_shared>> -> memref<640x128xf32, #tpu.memory_space<vmem_shared>>
        tpu.wait_dma2 semaphore(%run_scoped3A : memref<!tpu.dma_semaphore, #tpu.memory_space<semaphore_mem>>) src(%dma_wait3A_85 : memref<640x128xf32, #tpu.memory_space<vmem_shared>>) dst(%dma_wait3A_83 : memref<640x128xf32, #tpu.memory_space<hbm>>)
        tpu.yield
      }) : () -> ()
    } else {
    }
    %eq3A_73 = arith.constant 15 : i32
    %eq3A_74 = arith.cmpi eq, %arg1, %eq3A_73 : i32
    %convert_element_type3A_75 = arith.extui %eq3A_74 : i1 to i32
    %cond3A_76 = arith.constant 0 : i32
    %cond3A_77 = arith.cmpi ne, %convert_element_type3A_75, %cond3A_76 : i32
    scf.if %cond3A_77 {
      "tpu.region"() ({
        %run_scoped3A = tpu.sem_alloc : memref<!tpu.dma_semaphore, #tpu.memory_space<semaphore_mem>>
        %dma_start3A_78 = arith.constant 0 : i32
        %dma_start3A_79 = tpu.memref_slice %arg7[%add3A_67, %dma_start3A_78] : memref<20000x128xf32, #tpu.memory_space<hbm>> -> memref<400x128xf32, #tpu.memory_space<hbm>>
        %dma_start3A_80 = arith.constant 0 : i32
        %dma_start3A_81 = tpu.memref_slice %arg8[%mul3A_0, %dma_start3A_80] : memref<10000x128xf32, #tpu.memory_space<vmem_shared>> -> memref<400x128xf32, #tpu.memory_space<vmem_shared>>
        tpu.enqueue_dma source(%dma_start3A_81 : memref<400x128xf32, #tpu.memory_space<vmem_shared>>) target(%dma_start3A_79 : memref<400x128xf32, #tpu.memory_space<hbm>>) target_semaphore(%run_scoped3A : memref<!tpu.dma_semaphore, #tpu.memory_space<semaphore_mem>>)
        %dma_wait3A_82 = arith.constant 0 : i32
        %dma_wait3A_83 = tpu.memref_slice %arg7[%add3A_67, %dma_wait3A_82] : memref<20000x128xf32, #tpu.memory_space<hbm>> -> memref<400x128xf32, #tpu.memory_space<hbm>>
        %dma_wait3A_84 = arith.constant 0 : i32
        %dma_wait3A_85 = tpu.memref_slice %arg8[%mul3A_0, %dma_wait3A_84] : memref<10000x128xf32, #tpu.memory_space<vmem_shared>> -> memref<400x128xf32, #tpu.memory_space<vmem_shared>>
        tpu.wait_dma2 semaphore(%run_scoped3A : memref<!tpu.dma_semaphore, #tpu.memory_space<semaphore_mem>>) src(%dma_wait3A_85 : memref<400x128xf32, #tpu.memory_space<vmem_shared>>) dst(%dma_wait3A_83 : memref<400x128xf32, #tpu.memory_space<hbm>>)
        tpu.yield
      }) : () -> ()
    } else {
    }
    return
  }
}

module attributes {stable_mosaic.version = 14 : i64} {
  func.func @_p1_body(%arg0: i32, %arg1: memref<1000x256xf32, #tpu.memory_space<vmem>>, %arg2: memref<1000x256xf32, #tpu.memory_space<vmem>>, %arg3: memref<256x256xf32, #tpu.memory_space<vmem>>, %arg4: memref<1x256xf32, #tpu.memory_space<vmem>>, %arg5: memref<2x1000x128xf32, #tpu.memory_space<vmem>>, %arg6: memref<2x1000x128xf32, #tpu.memory_space<vmem>>, %arg7: memref<2x1000x128xf32, #tpu.memory_space<vmem>>) attributes {dimension_semantics = [#tpu.dimension_semantics<arbitrary>], iteration_bounds = array<i64: 10>, scalar_prefetch = 0 : i64, scratch_operands = 0 : i64, tpu.core_type = #tpu.core_type<tc>, window_params = [{transform_indices = @transform_0, window_bounds = array<i64: 1000, 256>}, {transform_indices = @transform_1, window_bounds = array<i64: 1000, 256>}, {pipeline_mode = #tpu.pipeline_mode<synchronous>, transform_indices = @transform_2, window_bounds = array<i64: 256, 256>}, {pipeline_mode = #tpu.pipeline_mode<synchronous>, transform_indices = @transform_3, window_bounds = array<i64: 1, 256>}, {transform_indices = @transform_4, window_bounds = array<i64: 2, 1000, 128>}, {transform_indices = @transform_5, window_bounds = array<i64: 2, 1000, 128>}, {transform_indices = @transform_6, window_bounds = array<i64: 2, 1000, 128>}]} {
    %get3A = arith.constant 0 : index
    %get3A_0 = arith.constant 0 : index
    %get3A_1 = vector.load %arg1[%get3A, %get3A_0] : memref<1000x256xf32, #tpu.memory_space<vmem>>, vector<1000x256xf32>
    %get3A_2 = arith.constant 0 : index
    %get3A_3 = arith.constant 0 : index
    %get3A_4 = vector.load %arg3[%get3A_2, %get3A_3] : memref<256x256xf32, #tpu.memory_space<vmem>>, vector<256x256xf32>
    %dot_general3A = arith.constant dense<0.000000e+00> : vector<1000x256xf32>
    %dot_general3A_5 = tpu.matmul %get3A_1, %get3A_4, %dot_general3A {dimension_numbers = #tpu.dot_dimension_numbers<[1], [0], [0], [1], [0, 0, 1, 1], [], []>, transpose_lhs_hint = false} : vector<1000x256xf32>, vector<256x256xf32>, vector<1000x256xf32> -> vector<1000x256xf32>
    %get3A_6 = arith.constant 0 : index
    %get3A_7 = arith.constant 0 : index
    %get3A_8 = vector.load %arg4[%get3A_6, %get3A_7] : memref<1x256xf32, #tpu.memory_space<vmem>>, vector<1x256xf32>
    %add3A = vector.broadcast %get3A_8 : vector<1x256xf32> to vector<1000x256xf32>
    %add3A_9 = arith.addf %dot_general3A_5, %add3A : vector<1000x256xf32>
    %slice3A = vector.extract_strided_slice %add3A_9 {offsets = [0, 0], sizes = [1000, 128], strides = [1, 1]} : vector<1000x256xf32> to vector<1000x128xf32>
    %swap3A = arith.constant 0 : index
    %swap3A_10 = arith.constant 0 : index
    %swap3A_11 = arith.constant 0 : index
    %swap3A_12 = vector.load %arg5[%swap3A, %swap3A_10, %swap3A_11] : memref<2x1000x128xf32, #tpu.memory_space<vmem>>, vector<1x1000x128xf32>
    %swap3A_13 = vector.shape_cast %swap3A_12 : vector<1x1000x128xf32> to vector<1000x128xf32>
    %swap3A_14 = vector.shape_cast %slice3A : vector<1000x128xf32> to vector<1x1000x128xf32>
    tpu.vector_store %arg5[%swap3A, %swap3A_10, %swap3A_11], %swap3A_14 {strides = array<i32>} : memref<2x1000x128xf32, #tpu.memory_space<vmem>>, vector<1x1000x128xf32>,
    %slice3A_15 = vector.extract_strided_slice %add3A_9 {offsets = [0, 128], sizes = [1000, 128], strides = [1, 1]} : vector<1000x256xf32> to vector<1000x128xf32>
    %swap3A_16 = arith.constant 1 : index
    %swap3A_17 = arith.constant 0 : index
    %swap3A_18 = arith.constant 0 : index
    %swap3A_19 = vector.load %arg5[%swap3A_16, %swap3A_17, %swap3A_18] : memref<2x1000x128xf32, #tpu.memory_space<vmem>>, vector<1x1000x128xf32>
    %swap3A_20 = vector.shape_cast %swap3A_19 : vector<1x1000x128xf32> to vector<1000x128xf32>
    %swap3A_21 = vector.shape_cast %slice3A_15 : vector<1000x128xf32> to vector<1x1000x128xf32>
    tpu.vector_store %arg5[%swap3A_16, %swap3A_17, %swap3A_18], %swap3A_21 {strides = array<i32>} : memref<2x1000x128xf32, #tpu.memory_space<vmem>>, vector<1x1000x128xf32>,
    %get3A_22 = arith.constant 0 : index
    %get3A_23 = arith.constant 0 : index
    %get3A_24 = vector.load %arg1[%get3A_22, %get3A_23] : memref<1000x256xf32, #tpu.memory_space<vmem>>, vector<1000x128xf32>
    %swap3A_25 = arith.constant 0 : index
    %swap3A_26 = arith.constant 0 : index
    %swap3A_27 = arith.constant 0 : index
    %swap3A_28 = vector.load %arg6[%swap3A_25, %swap3A_26, %swap3A_27] : memref<2x1000x128xf32, #tpu.memory_space<vmem>>, vector<1x1000x128xf32>
    %swap3A_29 = vector.shape_cast %swap3A_28 : vector<1x1000x128xf32> to vector<1000x128xf32>
    %swap3A_30 = vector.shape_cast %get3A_24 : vector<1000x128xf32> to vector<1x1000x128xf32>
    tpu.vector_store %arg6[%swap3A_25, %swap3A_26, %swap3A_27], %swap3A_30 {strides = array<i32>} : memref<2x1000x128xf32, #tpu.memory_space<vmem>>, vector<1x1000x128xf32>,
    %get3A_31 = arith.constant 0 : index
    %get3A_32 = arith.constant 128 : index
    %get3A_33 = vector.load %arg1[%get3A_31, %get3A_32] : memref<1000x256xf32, #tpu.memory_space<vmem>>, vector<1000x128xf32>
    %swap3A_34 = arith.constant 1 : index
    %swap3A_35 = arith.constant 0 : index
    %swap3A_36 = arith.constant 0 : index
    %swap3A_37 = vector.load %arg6[%swap3A_34, %swap3A_35, %swap3A_36] : memref<2x1000x128xf32, #tpu.memory_space<vmem>>, vector<1x1000x128xf32>
    %swap3A_38 = vector.shape_cast %swap3A_37 : vector<1x1000x128xf32> to vector<1000x128xf32>
    %swap3A_39 = vector.shape_cast %get3A_33 : vector<1000x128xf32> to vector<1x1000x128xf32>
    tpu.vector_store %arg6[%swap3A_34, %swap3A_35, %swap3A_36], %swap3A_39 {strides = array<i32>} : memref<2x1000x128xf32, #tpu.memory_space<vmem>>, vector<1x1000x128xf32>,
    %get3A_40 = arith.constant 0 : index
    %get3A_41 = arith.constant 0 : index
    %get3A_42 = vector.load %arg2[%get3A_40, %get3A_41] : memref<1000x256xf32, #tpu.memory_space<vmem>>, vector<1000x128xf32>
    %swap3A_43 = arith.constant 0 : index
    %swap3A_44 = arith.constant 0 : index
    %swap3A_45 = arith.constant 0 : index
    %swap3A_46 = vector.load %arg7[%swap3A_43, %swap3A_44, %swap3A_45] : memref<2x1000x128xf32, #tpu.memory_space<vmem>>, vector<1x1000x128xf32>
    %swap3A_47 = vector.shape_cast %swap3A_46 : vector<1x1000x128xf32> to vector<1000x128xf32>
    %swap3A_48 = vector.shape_cast %get3A_42 : vector<1000x128xf32> to vector<1x1000x128xf32>
    tpu.vector_store %arg7[%swap3A_43, %swap3A_44, %swap3A_45], %swap3A_48 {strides = array<i32>} : memref<2x1000x128xf32, #tpu.memory_space<vmem>>, vector<1x1000x128xf32>,
    %get3A_49 = arith.constant 0 : index
    %get3A_50 = arith.constant 128 : index
    %get3A_51 = vector.load %arg2[%get3A_49, %get3A_50] : memref<1000x256xf32, #tpu.memory_space<vmem>>, vector<1000x128xf32>
    %swap3A_52 = arith.constant 1 : index
    %swap3A_53 = arith.constant 0 : index
    %swap3A_54 = arith.constant 0 : index
    %swap3A_55 = vector.load %arg7[%swap3A_52, %swap3A_53, %swap3A_54] : memref<2x1000x128xf32, #tpu.memory_space<vmem>>, vector<1x1000x128xf32>
    %swap3A_56 = vector.shape_cast %swap3A_55 : vector<1x1000x128xf32> to vector<1000x128xf32>
    %swap3A_57 = vector.shape_cast %get3A_51 : vector<1000x128xf32> to vector<1x1000x128xf32>
    tpu.vector_store %arg7[%swap3A_52, %swap3A_53, %swap3A_54], %swap3A_57 {strides = array<i32>} : memref<2x1000x128xf32, #tpu.memory_space<vmem>>, vector<1x1000x128xf32>,
    return
  }
  func.func @transform_0(%arg0: i32) -> (i32, i32) {
    %c0_i32 = arith.constant 0 : i32
    %c0_i32_0 = arith.constant 0 : i32
    return %arg0, %c0_i32 : i32, i32
  }
  func.func @transform_1(%arg0: i32) -> (i32, i32) {
    %c0_i32 = arith.constant 0 : i32
    %c0_i32_0 = arith.constant 0 : i32
    return %arg0, %c0_i32 : i32, i32
  }
  func.func @transform_2(%arg0: i32) -> (i32, i32) {
    %c0_i32 = arith.constant 0 : i32
    %c0_i32_0 = arith.constant 0 : i32
    %c0_i32_1 = arith.constant 0 : i32
    return %c0_i32, %c0_i32_0 : i32, i32
  }
  func.func @transform_3(%arg0: i32) -> (i32, i32) {
    %c0_i32 = arith.constant 0 : i32
    %c0_i32_0 = arith.constant 0 : i32
    %c0_i32_1 = arith.constant 0 : i32
    return %c0_i32, %c0_i32_0 : i32, i32
  }
  func.func @transform_4(%arg0: i32) -> (i32, i32, i32) {
    %c0_i32 = arith.constant 0 : i32
    %c0_i32_0 = arith.constant 0 : i32
    %c0_i32_1 = arith.constant 0 : i32
    return %c0_i32, %arg0, %c0_i32_0 : i32, i32, i32
  }
  func.func @transform_5(%arg0: i32) -> (i32, i32, i32) {
    %c0_i32 = arith.constant 0 : i32
    %c0_i32_0 = arith.constant 0 : i32
    %c0_i32_1 = arith.constant 0 : i32
    return %c0_i32, %arg0, %c0_i32_0 : i32, i32, i32
  }
  func.func @transform_6(%arg0: i32) -> (i32, i32, i32) {
    %c0_i32 = arith.constant 0 : i32
    %c0_i32_0 = arith.constant 0 : i32
    %c0_i32_1 = arith.constant 0 : i32
    return %c0_i32, %arg0, %c0_i32_0 : i32, i32, i32
  }
}

module attributes {stable_mosaic.version = 14 : i64} {
  func.func @_p2_body(%arg0: i32, %arg1: memref<2000x256xf32, #tpu.memory_space<vmem>>, %arg2: memref<256x256xf32, #tpu.memory_space<vmem>>, %arg3: memref<2x2000x128xf32, #tpu.memory_space<vmem>>) attributes {dimension_semantics = [#tpu.dimension_semantics<arbitrary>], iteration_bounds = array<i64: 80>, scalar_prefetch = 0 : i64, scratch_operands = 0 : i64, tpu.core_type = #tpu.core_type<tc>, window_params = [{transform_indices = @transform_0, window_bounds = array<i64: 2000, 256>}, {transform_indices = @transform_1, window_bounds = array<i64: 256, 256>}, {transform_indices = @transform_2, window_bounds = array<i64: 2, 2000, 128>}]} {
    %get3A = arith.constant 0 : index
    %get3A_0 = arith.constant 0 : index
    %get3A_1 = vector.load %arg1[%get3A, %get3A_0] : memref<2000x256xf32, #tpu.memory_space<vmem>>, vector<2000x256xf32>
    %convert_element_type3A = arith.truncf %get3A_1 : vector<2000x256xf32> to vector<2000x256xbf16>
    %get3A_2 = arith.constant 0 : index
    %get3A_3 = arith.constant 0 : index
    %get3A_4 = vector.load %arg2[%get3A_2, %get3A_3] : memref<256x256xf32, #tpu.memory_space<vmem>>, vector<256x256xf32>
    %convert_element_type3A_5 = arith.truncf %get3A_4 : vector<256x256xf32> to vector<256x256xbf16>
    %dot_general3A = arith.constant dense<0.000000e+00> : vector<2000x256xf32>
    %dot_general3A_6 = tpu.matmul %convert_element_type3A, %convert_element_type3A_5, %dot_general3A {dimension_numbers = #tpu.dot_dimension_numbers<[1], [0], [0], [1], [0, 0, 1, 1], [], []>, transpose_lhs_hint = false} : vector<2000x256xbf16>, vector<256x256xbf16>, vector<2000x256xf32> -> vector<2000x256xf32>
    %slice3A = vector.extract_strided_slice %dot_general3A_6 {offsets = [0, 0], sizes = [2000, 128], strides = [1, 1]} : vector<2000x256xf32> to vector<2000x128xf32>
    %swap3A = arith.constant 0 : index
    %swap3A_7 = arith.constant 0 : index
    %swap3A_8 = arith.constant 0 : index
    %swap3A_9 = vector.load %arg3[%swap3A, %swap3A_7, %swap3A_8] : memref<2x2000x128xf32, #tpu.memory_space<vmem>>, vector<1x2000x128xf32>
    %swap3A_10 = vector.shape_cast %swap3A_9 : vector<1x2000x128xf32> to vector<2000x128xf32>
    %swap3A_11 = vector.shape_cast %slice3A : vector<2000x128xf32> to vector<1x2000x128xf32>
    tpu.vector_store %arg3[%swap3A, %swap3A_7, %swap3A_8], %swap3A_11 {strides = array<i32>} : memref<2x2000x128xf32, #tpu.memory_space<vmem>>, vector<1x2000x128xf32>,
    %slice3A_12 = vector.extract_strided_slice %dot_general3A_6 {offsets = [0, 128], sizes = [2000, 128], strides = [1, 1]} : vector<2000x256xf32> to vector<2000x128xf32>
    %swap3A_13 = arith.constant 1 : index
    %swap3A_14 = arith.constant 0 : index
    %swap3A_15 = arith.constant 0 : index
    %swap3A_16 = vector.load %arg3[%swap3A_13, %swap3A_14, %swap3A_15] : memref<2x2000x128xf32, #tpu.memory_space<vmem>>, vector<1x2000x128xf32>
    %swap3A_17 = vector.shape_cast %swap3A_16 : vector<1x2000x128xf32> to vector<2000x128xf32>
    %swap3A_18 = vector.shape_cast %slice3A_12 : vector<2000x128xf32> to vector<1x2000x128xf32>
    tpu.vector_store %arg3[%swap3A_13, %swap3A_14, %swap3A_15], %swap3A_18 {strides = array<i32>} : memref<2x2000x128xf32, #tpu.memory_space<vmem>>, vector<1x2000x128xf32>,
    return
  }
  func.func @transform_0(%arg0: i32) -> (i32, i32) {
    %c0_i32 = arith.constant 0 : i32
    %c0_i32_0 = arith.constant 0 : i32
    return %arg0, %c0_i32 : i32, i32
  }
  func.func @transform_1(%arg0: i32) -> (i32, i32) {
    %c1_i32 = arith.constant 1 : i32
    %c0_i32 = arith.constant 0 : i32
    %c0_i32_0 = arith.constant 0 : i32
    return %c1_i32, %c0_i32 : i32, i32
  }
  func.func @transform_2(%arg0: i32) -> (i32, i32, i32) {
    %c0_i32 = arith.constant 0 : i32
    %c0_i32_0 = arith.constant 0 : i32
    %c0_i32_1 = arith.constant 0 : i32
    return %c0_i32, %arg0, %c0_i32_0 : i32, i32, i32
  }
}

module attributes {stable_mosaic.version = 14 : i64} {
  func.func @_mlp_body(%arg0: memref<20000x128xf32, #tpu.memory_space<vmem>>, %arg1: memref<20000x128xf32, #tpu.memory_space<vmem>>, %arg2: memref<256x256xf32, #tpu.memory_space<vmem>>, %arg3: memref<1x256xf32, #tpu.memory_space<vmem>>, %arg4: memref<256x256xf32, #tpu.memory_space<vmem>>, %arg5: memref<1x256xf32, #tpu.memory_space<vmem>>, %arg6: memref<256x256xf32, #tpu.memory_space<vmem>>, %arg7: memref<1x256xf32, #tpu.memory_space<vmem>>, %arg8: memref<256x256xf32, #tpu.memory_space<vmem>>, %arg9: memref<1x256xf32, #tpu.memory_space<vmem>>, %arg10: memref<512x256xf32, #tpu.memory_space<vmem>>, %arg11: memref<1x256xf32, #tpu.memory_space<vmem>>, %arg12: memref<1x256xf32, #tpu.memory_space<vmem>>, %arg13: memref<1x256xf32, #tpu.memory_space<vmem>>, %arg14: memref<1x256xf32, #tpu.memory_space<vmem>>, %arg15: memref<1x256xf32, #tpu.memory_space<vmem>>, %arg16: memref<1x256xf32, #tpu.memory_space<vmem>>, %arg17: memref<1x256xf32, #tpu.memory_space<vmem>>, %arg18: memref<1x256xf32, #tpu.memory_space<vmem>>, %arg19: memref<1x256xf32, #tpu.memory_space<vmem>>, %arg20: memref<1x256xf32, #tpu.memory_space<vmem>>, %arg21: memref<1x256xf32, #tpu.memory_space<vmem>>, %arg22: memref<10000x256xf32, #tpu.memory_space<vmem>>) attributes {dimension_semantics = [], scalar_prefetch = 0 : i64, scratch_operands = 0 : i64, tpu.core_type = #tpu.core_type<tc>} {
    %get3A = arith.constant 0 : index
    %get3A_0 = arith.constant 0 : index
    %get3A_1 = vector.load %arg0[%get3A, %get3A_0] : memref<20000x128xf32, #tpu.memory_space<vmem>>, vector<10000x128xf32>
    %get3A_2 = arith.constant 0 : index
    %get3A_3 = arith.constant 0 : index
    %get3A_4 = vector.load %arg2[%get3A_2, %get3A_3] : memref<256x256xf32, #tpu.memory_space<vmem>>, vector<128x256xf32>
    %dot_general3A = arith.constant dense<0.000000e+00> : vector<10000x256xf32>
    %dot_general3A_5 = tpu.matmul %get3A_1, %get3A_4, %dot_general3A {dimension_numbers = #tpu.dot_dimension_numbers<[1], [0], [0], [1], [0, 0, 1, 1], [], []>, transpose_lhs_hint = false} : vector<10000x128xf32>, vector<128x256xf32>, vector<10000x256xf32> -> vector<10000x256xf32>
    %get3A_6 = arith.constant 10000 : index
    %get3A_7 = arith.constant 0 : index
    %get3A_8 = vector.load %arg0[%get3A_6, %get3A_7] : memref<20000x128xf32, #tpu.memory_space<vmem>>, vector<10000x128xf32>
    %get3A_9 = arith.constant 128 : index
    %get3A_10 = arith.constant 0 : index
    %get3A_11 = vector.load %arg2[%get3A_9, %get3A_10] : memref<256x256xf32, #tpu.memory_space<vmem>>, vector<128x256xf32>
    %dot_general3A_12 = arith.constant dense<0.000000e+00> : vector<10000x256xf32>
    %dot_general3A_13 = tpu.matmul %get3A_8, %get3A_11, %dot_general3A_12 {dimension_numbers = #tpu.dot_dimension_numbers<[1], [0], [0], [1], [0, 0, 1, 1], [], []>, transpose_lhs_hint = false} : vector<10000x128xf32>, vector<128x256xf32>, vector<10000x256xf32> -> vector<10000x256xf32>
    %add3A = arith.addf %dot_general3A_5, %dot_general3A_13 : vector<10000x256xf32>
    %get3A_14 = arith.constant 0 : index
    %get3A_15 = arith.constant 0 : index
    %get3A_16 = vector.load %arg3[%get3A_14, %get3A_15] : memref<1x256xf32, #tpu.memory_space<vmem>>, vector<1x256xf32>
    %add3A_17 = vector.broadcast %get3A_16 : vector<1x256xf32> to vector<10000x256xf32>
    %add3A_18 = arith.addf %add3A, %add3A_17 : vector<10000x256xf32>
    %get3A_19 = arith.constant 0 : index
    %get3A_20 = arith.constant 0 : index
    %get3A_21 = vector.load %arg12[%get3A_19, %get3A_20] : memref<1x256xf32, #tpu.memory_space<vmem>>, vector<1x256xf32>
    %get3A_22 = arith.constant 0 : index
    %get3A_23 = arith.constant 0 : index
    %get3A_24 = vector.load %arg13[%get3A_22, %get3A_23] : memref<1x256xf32, #tpu.memory_space<vmem>>, vector<1x256xf32>
    %reduce_sum3A = arith.constant dense<0.000000e+00> : vector<256xf32>
    %reduce_sum3A_25 = vector.multi_reduction <add>, %add3A_18, %reduce_sum3A [0] : vector<10000x256xf32> to vector<256xf32>
    %broadcast_in_dim3A = vector.shape_cast %reduce_sum3A_25 : vector<256xf32> to vector<1x256xf32>
    %div3A = arith.constant 1.000000e+04 : f32
    %div3A_26 = vector.broadcast %div3A : f32 to vector<1x256xf32>
    %div3A_27 = arith.divf %broadcast_in_dim3A, %div3A_26 : vector<1x256xf32>
    %sub3A = vector.broadcast %div3A_27 : vector<1x256xf32> to vector<10000x256xf32>
    %sub3A_28 = arith.subf %add3A_18, %sub3A : vector<10000x256xf32>
    %mul3A = arith.mulf %sub3A_28, %sub3A_28 : vector<10000x256xf32>
    %reduce_sum3A_29 = arith.constant dense<0.000000e+00> : vector<256xf32>
    %reduce_sum3A_30 = vector.multi_reduction <add>, %mul3A, %reduce_sum3A_29 [0] : vector<10000x256xf32> to vector<256xf32>
    %broadcast_in_dim3A_31 = vector.shape_cast %reduce_sum3A_30 : vector<256xf32> to vector<1x256xf32>
    %div3A_32 = arith.constant 1.000000e+04 : f32
    %div3A_33 = vector.broadcast %div3A_32 : f32 to vector<1x256xf32>
    %div3A_34 = arith.divf %broadcast_in_dim3A_31, %div3A_33 : vector<1x256xf32>
    %mul3A_35 = vector.broadcast %get3A_21 : vector<1x256xf32> to vector<10000x256xf32>
    %mul3A_36 = arith.mulf %mul3A_35, %sub3A_28 : vector<10000x256xf32>
    %add3A_37 = arith.constant 9.99999974E-6 : f32
    %add3A_38 = vector.broadcast %add3A_37 : f32 to vector<1x256xf32>
    %add3A_39 = arith.addf %div3A_34, %add3A_38 : vector<1x256xf32>
    %rsqrt3A = math.rsqrt %add3A_39 : vector<1x256xf32>
    %mul3A_40 = vector.broadcast %rsqrt3A : vector<1x256xf32> to vector<10000x256xf32>
    %mul3A_41 = arith.mulf %mul3A_36, %mul3A_40 : vector<10000x256xf32>
    %add3A_42 = vector.broadcast %get3A_24 : vector<1x256xf32> to vector<10000x256xf32>
    %add3A_43 = arith.addf %mul3A_41, %add3A_42 : vector<10000x256xf32>
    %max3A = arith.constant 0.000000e+00 : f32
    %max3A_44 = vector.broadcast %max3A : f32 to vector<10000x256xf32>
    %max3A_45 = arith.maximumf %add3A_43, %max3A_44 : vector<10000x256xf32>
    %get3A_46 = arith.constant 0 : index
    %get3A_47 = arith.constant 0 : index
    %get3A_48 = vector.load %arg4[%get3A_46, %get3A_47] : memref<256x256xf32, #tpu.memory_space<vmem>>, vector<256x256xf32>
    %dot_general3A_49 = arith.constant dense<0.000000e+00> : vector<10000x256xf32>
    %dot_general3A_50 = tpu.matmul %max3A_45, %get3A_48, %dot_general3A_49 {dimension_numbers = #tpu.dot_dimension_numbers<[1], [0], [0], [1], [0, 0, 1, 1], [], []>, transpose_lhs_hint = false} : vector<10000x256xf32>, vector<256x256xf32>, vector<10000x256xf32> -> vector<10000x256xf32>
    %get3A_51 = arith.constant 0 : index
    %get3A_52 = arith.constant 0 : index
    %get3A_53 = vector.load %arg5[%get3A_51, %get3A_52] : memref<1x256xf32, #tpu.memory_space<vmem>>, vector<1x256xf32>
    %add3A_54 = vector.broadcast %get3A_53 : vector<1x256xf32> to vector<10000x256xf32>
    %add3A_55 = arith.addf %dot_general3A_50, %add3A_54 : vector<10000x256xf32>
    %get3A_56 = arith.constant 0 : index
    %get3A_57 = arith.constant 0 : index
    %get3A_58 = vector.load %arg14[%get3A_56, %get3A_57] : memref<1x256xf32, #tpu.memory_space<vmem>>, vector<1x256xf32>
    %get3A_59 = arith.constant 0 : index
    %get3A_60 = arith.constant 0 : index
    %get3A_61 = vector.load %arg15[%get3A_59, %get3A_60] : memref<1x256xf32, #tpu.memory_space<vmem>>, vector<1x256xf32>
    %reduce_sum3A_62 = arith.constant dense<0.000000e+00> : vector<256xf32>
    %reduce_sum3A_63 = vector.multi_reduction <add>, %add3A_55, %reduce_sum3A_62 [0] : vector<10000x256xf32> to vector<256xf32>
    %broadcast_in_dim3A_64 = vector.shape_cast %reduce_sum3A_63 : vector<256xf32> to vector<1x256xf32>
    %div3A_65 = arith.constant 1.000000e+04 : f32
    %div3A_66 = vector.broadcast %div3A_65 : f32 to vector<1x256xf32>
    %div3A_67 = arith.divf %broadcast_in_dim3A_64, %div3A_66 : vector<1x256xf32>
    %sub3A_68 = vector.broadcast %div3A_67 : vector<1x256xf32> to vector<10000x256xf32>
    %sub3A_69 = arith.subf %add3A_55, %sub3A_68 : vector<10000x256xf32>
    %mul3A_70 = arith.mulf %sub3A_69, %sub3A_69 : vector<10000x256xf32>
    %reduce_sum3A_71 = arith.constant dense<0.000000e+00> : vector<256xf32>
    %reduce_sum3A_72 = vector.multi_reduction <add>, %mul3A_70, %reduce_sum3A_71 [0] : vector<10000x256xf32> to vector<256xf32>
    %broadcast_in_dim3A_73 = vector.shape_cast %reduce_sum3A_72 : vector<256xf32> to vector<1x256xf32>
    %div3A_74 = arith.constant 1.000000e+04 : f32
    %div3A_75 = vector.broadcast %div3A_74 : f32 to vector<1x256xf32>
    %div3A_76 = arith.divf %broadcast_in_dim3A_73, %div3A_75 : vector<1x256xf32>
    %mul3A_77 = vector.broadcast %get3A_58 : vector<1x256xf32> to vector<10000x256xf32>
    %mul3A_78 = arith.mulf %mul3A_77, %sub3A_69 : vector<10000x256xf32>
    %add3A_79 = arith.constant 9.99999974E-6 : f32
    %add3A_80 = vector.broadcast %add3A_79 : f32 to vector<1x256xf32>
    %add3A_81 = arith.addf %div3A_76, %add3A_80 : vector<1x256xf32>
    %rsqrt3A_82 = math.rsqrt %add3A_81 : vector<1x256xf32>
    %mul3A_83 = vector.broadcast %rsqrt3A_82 : vector<1x256xf32> to vector<10000x256xf32>
    %mul3A_84 = arith.mulf %mul3A_78, %mul3A_83 : vector<10000x256xf32>
    %add3A_85 = vector.broadcast %get3A_61 : vector<1x256xf32> to vector<10000x256xf32>
    %add3A_86 = arith.addf %mul3A_84, %add3A_85 : vector<10000x256xf32>
    %max3A_87 = arith.constant 0.000000e+00 : f32
    %max3A_88 = vector.broadcast %max3A_87 : f32 to vector<10000x256xf32>
    %max3A_89 = arith.maximumf %add3A_86, %max3A_88 : vector<10000x256xf32>
    %get3A_90 = arith.constant 0 : index
    %get3A_91 = arith.constant 0 : index
    %get3A_92 = vector.load %arg1[%get3A_90, %get3A_91] : memref<20000x128xf32, #tpu.memory_space<vmem>>, vector<10000x128xf32>
    %get3A_93 = arith.constant 0 : index
    %get3A_94 = arith.constant 0 : index
    %get3A_95 = vector.load %arg6[%get3A_93, %get3A_94] : memref<256x256xf32, #tpu.memory_space<vmem>>, vector<128x256xf32>
    %dot_general3A_96 = arith.constant dense<0.000000e+00> : vector<10000x256xf32>
    %dot_general3A_97 = tpu.matmul %get3A_92, %get3A_95, %dot_general3A_96 {dimension_numbers = #tpu.dot_dimension_numbers<[1], [0], [0], [1], [0, 0, 1, 1], [], []>, transpose_lhs_hint = false} : vector<10000x128xf32>, vector<128x256xf32>, vector<10000x256xf32> -> vector<10000x256xf32>
    %get3A_98 = arith.constant 10000 : index
    %get3A_99 = arith.constant 0 : index
    %get3A_100 = vector.load %arg1[%get3A_98, %get3A_99] : memref<20000x128xf32, #tpu.memory_space<vmem>>, vector<10000x128xf32>
    %get3A_101 = arith.constant 128 : index
    %get3A_102 = arith.constant 0 : index
    %get3A_103 = vector.load %arg6[%get3A_101, %get3A_102] : memref<256x256xf32, #tpu.memory_space<vmem>>, vector<128x256xf32>
    %dot_general3A_104 = arith.constant dense<0.000000e+00> : vector<10000x256xf32>
    %dot_general3A_105 = tpu.matmul %get3A_100, %get3A_103, %dot_general3A_104 {dimension_numbers = #tpu.dot_dimension_numbers<[1], [0], [0], [1], [0, 0, 1, 1], [], []>, transpose_lhs_hint = false} : vector<10000x128xf32>, vector<128x256xf32>, vector<10000x256xf32> -> vector<10000x256xf32>
    %add3A_106 = arith.addf %dot_general3A_97, %dot_general3A_105 : vector<10000x256xf32>
    %get3A_107 = arith.constant 0 : index
    %get3A_108 = arith.constant 0 : index
    %get3A_109 = vector.load %arg7[%get3A_107, %get3A_108] : memref<1x256xf32, #tpu.memory_space<vmem>>, vector<1x256xf32>
    %add3A_110 = vector.broadcast %get3A_109 : vector<1x256xf32> to vector<10000x256xf32>
    %add3A_111 = arith.addf %add3A_106, %add3A_110 : vector<10000x256xf32>
    %get3A_112 = arith.constant 0 : index
    %get3A_113 = arith.constant 0 : index
    %get3A_114 = vector.load %arg16[%get3A_112, %get3A_113] : memref<1x256xf32, #tpu.memory_space<vmem>>, vector<1x256xf32>
    %get3A_115 = arith.constant 0 : index
    %get3A_116 = arith.constant 0 : index
    %get3A_117 = vector.load %arg17[%get3A_115, %get3A_116] : memref<1x256xf32, #tpu.memory_space<vmem>>, vector<1x256xf32>
    %reduce_sum3A_118 = arith.constant dense<0.000000e+00> : vector<256xf32>
    %reduce_sum3A_119 = vector.multi_reduction <add>, %add3A_111, %reduce_sum3A_118 [0] : vector<10000x256xf32> to vector<256xf32>
    %broadcast_in_dim3A_120 = vector.shape_cast %reduce_sum3A_119 : vector<256xf32> to vector<1x256xf32>
    %div3A_121 = arith.constant 1.000000e+04 : f32
    %div3A_122 = vector.broadcast %div3A_121 : f32 to vector<1x256xf32>
    %div3A_123 = arith.divf %broadcast_in_dim3A_120, %div3A_122 : vector<1x256xf32>
    %sub3A_124 = vector.broadcast %div3A_123 : vector<1x256xf32> to vector<10000x256xf32>
    %sub3A_125 = arith.subf %add3A_111, %sub3A_124 : vector<10000x256xf32>
    %mul3A_126 = arith.mulf %sub3A_125, %sub3A_125 : vector<10000x256xf32>
    %reduce_sum3A_127 = arith.constant dense<0.000000e+00> : vector<256xf32>
    %reduce_sum3A_128 = vector.multi_reduction <add>, %mul3A_126, %reduce_sum3A_127 [0] : vector<10000x256xf32> to vector<256xf32>
    %broadcast_in_dim3A_129 = vector.shape_cast %reduce_sum3A_128 : vector<256xf32> to vector<1x256xf32>
    %div3A_130 = arith.constant 1.000000e+04 : f32
    %div3A_131 = vector.broadcast %div3A_130 : f32 to vector<1x256xf32>
    %div3A_132 = arith.divf %broadcast_in_dim3A_129, %div3A_131 : vector<1x256xf32>
    %mul3A_133 = vector.broadcast %get3A_114 : vector<1x256xf32> to vector<10000x256xf32>
    %mul3A_134 = arith.mulf %mul3A_133, %sub3A_125 : vector<10000x256xf32>
    %add3A_135 = arith.constant 9.99999974E-6 : f32
    %add3A_136 = vector.broadcast %add3A_135 : f32 to vector<1x256xf32>
    %add3A_137 = arith.addf %div3A_132, %add3A_136 : vector<1x256xf32>
    %rsqrt3A_138 = math.rsqrt %add3A_137 : vector<1x256xf32>
    %mul3A_139 = vector.broadcast %rsqrt3A_138 : vector<1x256xf32> to vector<10000x256xf32>
    %mul3A_140 = arith.mulf %mul3A_134, %mul3A_139 : vector<10000x256xf32>
    %add3A_141 = vector.broadcast %get3A_117 : vector<1x256xf32> to vector<10000x256xf32>
    %add3A_142 = arith.addf %mul3A_140, %add3A_141 : vector<10000x256xf32>
    %max3A_143 = arith.constant 0.000000e+00 : f32
    %max3A_144 = vector.broadcast %max3A_143 : f32 to vector<10000x256xf32>
    %max3A_145 = arith.maximumf %add3A_142, %max3A_144 : vector<10000x256xf32>
    %get3A_146 = arith.constant 0 : index
    %get3A_147 = arith.constant 0 : index
    %get3A_148 = vector.load %arg8[%get3A_146, %get3A_147] : memref<256x256xf32, #tpu.memory_space<vmem>>, vector<256x256xf32>
    %dot_general3A_149 = arith.constant dense<0.000000e+00> : vector<10000x256xf32>
    %dot_general3A_150 = tpu.matmul %max3A_145, %get3A_148, %dot_general3A_149 {dimension_numbers = #tpu.dot_dimension_numbers<[1], [0], [0], [1], [0, 0, 1, 1], [], []>, transpose_lhs_hint = false} : vector<10000x256xf32>, vector<256x256xf32>, vector<10000x256xf32> -> vector<10000x256xf32>
    %get3A_151 = arith.constant 0 : index
    %get3A_152 = arith.constant 0 : index
    %get3A_153 = vector.load %arg9[%get3A_151, %get3A_152] : memref<1x256xf32, #tpu.memory_space<vmem>>, vector<1x256xf32>
    %add3A_154 = vector.broadcast %get3A_153 : vector<1x256xf32> to vector<10000x256xf32>
    %add3A_155 = arith.addf %dot_general3A_150, %add3A_154 : vector<10000x256xf32>
    %get3A_156 = arith.constant 0 : index
    %get3A_157 = arith.constant 0 : index
    %get3A_158 = vector.load %arg18[%get3A_156, %get3A_157] : memref<1x256xf32, #tpu.memory_space<vmem>>, vector<1x256xf32>
    %get3A_159 = arith.constant 0 : index
    %get3A_160 = arith.constant 0 : index
    %get3A_161 = vector.load %arg19[%get3A_159, %get3A_160] : memref<1x256xf32, #tpu.memory_space<vmem>>, vector<1x256xf32>
    %reduce_sum3A_162 = arith.constant dense<0.000000e+00> : vector<256xf32>
    %reduce_sum3A_163 = vector.multi_reduction <add>, %add3A_155, %reduce_sum3A_162 [0] : vector<10000x256xf32> to vector<256xf32>
    %broadcast_in_dim3A_164 = vector.shape_cast %reduce_sum3A_163 : vector<256xf32> to vector<1x256xf32>
    %div3A_165 = arith.constant 1.000000e+04 : f32
    %div3A_166 = vector.broadcast %div3A_165 : f32 to vector<1x256xf32>
    %div3A_167 = arith.divf %broadcast_in_dim3A_164, %div3A_166 : vector<1x256xf32>
    %sub3A_168 = vector.broadcast %div3A_167 : vector<1x256xf32> to vector<10000x256xf32>
    %sub3A_169 = arith.subf %add3A_155, %sub3A_168 : vector<10000x256xf32>
    %mul3A_170 = arith.mulf %sub3A_169, %sub3A_169 : vector<10000x256xf32>
    %reduce_sum3A_171 = arith.constant dense<0.000000e+00> : vector<256xf32>
    %reduce_sum3A_172 = vector.multi_reduction <add>, %mul3A_170, %reduce_sum3A_171 [0] : vector<10000x256xf32> to vector<256xf32>
    %broadcast_in_dim3A_173 = vector.shape_cast %reduce_sum3A_172 : vector<256xf32> to vector<1x256xf32>
    %div3A_174 = arith.constant 1.000000e+04 : f32
    %div3A_175 = vector.broadcast %div3A_174 : f32 to vector<1x256xf32>
    %div3A_176 = arith.divf %broadcast_in_dim3A_173, %div3A_175 : vector<1x256xf32>
    %mul3A_177 = vector.broadcast %get3A_158 : vector<1x256xf32> to vector<10000x256xf32>
    %mul3A_178 = arith.mulf %mul3A_177, %sub3A_169 : vector<10000x256xf32>
    %add3A_179 = arith.constant 9.99999974E-6 : f32
    %add3A_180 = vector.broadcast %add3A_179 : f32 to vector<1x256xf32>
    %add3A_181 = arith.addf %div3A_176, %add3A_180 : vector<1x256xf32>
    %rsqrt3A_182 = math.rsqrt %add3A_181 : vector<1x256xf32>
    %mul3A_183 = vector.broadcast %rsqrt3A_182 : vector<1x256xf32> to vector<10000x256xf32>
    %mul3A_184 = arith.mulf %mul3A_178, %mul3A_183 : vector<10000x256xf32>
    %add3A_185 = vector.broadcast %get3A_161 : vector<1x256xf32> to vector<10000x256xf32>
    %add3A_186 = arith.addf %mul3A_184, %add3A_185 : vector<10000x256xf32>
    %max3A_187 = arith.constant 0.000000e+00 : f32
    %max3A_188 = vector.broadcast %max3A_187 : f32 to vector<10000x256xf32>
    %max3A_189 = arith.maximumf %add3A_186, %max3A_188 : vector<10000x256xf32>
    %get3A_190 = arith.constant 0 : index
    %get3A_191 = arith.constant 0 : index
    %get3A_192 = vector.load %arg10[%get3A_190, %get3A_191] : memref<512x256xf32, #tpu.memory_space<vmem>>, vector<256x256xf32>
    %dot_general3A_193 = arith.constant dense<0.000000e+00> : vector<10000x256xf32>
    %dot_general3A_194 = tpu.matmul %max3A_89, %get3A_192, %dot_general3A_193 {dimension_numbers = #tpu.dot_dimension_numbers<[1], [0], [0], [1], [0, 0, 1, 1], [], []>, transpose_lhs_hint = false} : vector<10000x256xf32>, vector<256x256xf32>, vector<10000x256xf32> -> vector<10000x256xf32>
    %get3A_195 = arith.constant 256 : index
    %get3A_196 = arith.constant 0 : index
    %get3A_197 = vector.load %arg10[%get3A_195, %get3A_196] : memref<512x256xf32, #tpu.memory_space<vmem>>, vector<256x256xf32>
    %dot_general3A_198 = arith.constant dense<0.000000e+00> : vector<10000x256xf32>
    %dot_general3A_199 = tpu.matmul %max3A_189, %get3A_197, %dot_general3A_198 {dimension_numbers = #tpu.dot_dimension_numbers<[1], [0], [0], [1], [0, 0, 1, 1], [], []>, transpose_lhs_hint = false} : vector<10000x256xf32>, vector<256x256xf32>, vector<10000x256xf32> -> vector<10000x256xf32>
    %add3A_200 = arith.addf %dot_general3A_194, %dot_general3A_199 : vector<10000x256xf32>
    %get3A_201 = arith.constant 0 : index
    %get3A_202 = arith.constant 0 : index
    %get3A_203 = vector.load %arg11[%get3A_201, %get3A_202] : memref<1x256xf32, #tpu.memory_space<vmem>>, vector<1x256xf32>
    %add3A_204 = vector.broadcast %get3A_203 : vector<1x256xf32> to vector<10000x256xf32>
    %add3A_205 = arith.addf %add3A_200, %add3A_204 : vector<10000x256xf32>
    %get3A_206 = arith.constant 0 : index
    %get3A_207 = arith.constant 0 : index
    %get3A_208 = vector.load %arg20[%get3A_206, %get3A_207] : memref<1x256xf32, #tpu.memory_space<vmem>>, vector<1x256xf32>
    %get3A_209 = arith.constant 0 : index
    %get3A_210 = arith.constant 0 : index
    %get3A_211 = vector.load %arg21[%get3A_209, %get3A_210] : memref<1x256xf32, #tpu.memory_space<vmem>>, vector<1x256xf32>
    %reduce_sum3A_212 = arith.constant dense<0.000000e+00> : vector<256xf32>
    %reduce_sum3A_213 = vector.multi_reduction <add>, %add3A_205, %reduce_sum3A_212 [0] : vector<10000x256xf32> to vector<256xf32>
    %broadcast_in_dim3A_214 = vector.shape_cast %reduce_sum3A_213 : vector<256xf32> to vector<1x256xf32>
    %div3A_215 = arith.constant 1.000000e+04 : f32
    %div3A_216 = vector.broadcast %div3A_215 : f32 to vector<1x256xf32>
    %div3A_217 = arith.divf %broadcast_in_dim3A_214, %div3A_216 : vector<1x256xf32>
    %sub3A_218 = vector.broadcast %div3A_217 : vector<1x256xf32> to vector<10000x256xf32>
    %sub3A_219 = arith.subf %add3A_205, %sub3A_218 : vector<10000x256xf32>
    %mul3A_220 = arith.mulf %sub3A_219, %sub3A_219 : vector<10000x256xf32>
    %reduce_sum3A_221 = arith.constant dense<0.000000e+00> : vector<256xf32>
    %reduce_sum3A_222 = vector.multi_reduction <add>, %mul3A_220, %reduce_sum3A_221 [0] : vector<10000x256xf32> to vector<256xf32>
    %broadcast_in_dim3A_223 = vector.shape_cast %reduce_sum3A_222 : vector<256xf32> to vector<1x256xf32>
    %div3A_224 = arith.constant 1.000000e+04 : f32
    %div3A_225 = vector.broadcast %div3A_224 : f32 to vector<1x256xf32>
    %div3A_226 = arith.divf %broadcast_in_dim3A_223, %div3A_225 : vector<1x256xf32>
    %mul3A_227 = vector.broadcast %get3A_208 : vector<1x256xf32> to vector<10000x256xf32>
    %mul3A_228 = arith.mulf %mul3A_227, %sub3A_219 : vector<10000x256xf32>
    %add3A_229 = arith.constant 9.99999974E-6 : f32
    %add3A_230 = vector.broadcast %add3A_229 : f32 to vector<1x256xf32>
    %add3A_231 = arith.addf %div3A_226, %add3A_230 : vector<1x256xf32>
    %rsqrt3A_232 = math.rsqrt %add3A_231 : vector<1x256xf32>
    %mul3A_233 = vector.broadcast %rsqrt3A_232 : vector<1x256xf32> to vector<10000x256xf32>
    %mul3A_234 = arith.mulf %mul3A_228, %mul3A_233 : vector<10000x256xf32>
    %add3A_235 = vector.broadcast %get3A_211 : vector<1x256xf32> to vector<10000x256xf32>
    %add3A_236 = arith.addf %mul3A_234, %add3A_235 : vector<10000x256xf32>
    %max3A_237 = arith.constant 0.000000e+00 : f32
    %max3A_238 = vector.broadcast %max3A_237 : f32 to vector<10000x256xf32>
    %max3A_239 = arith.maximumf %add3A_236, %max3A_238 : vector<10000x256xf32>
    %swap3A = arith.constant 0 : index
    %swap3A_240 = arith.constant 0 : index
    %swap3A_241 = vector.load %arg22[%swap3A, %swap3A_240] : memref<10000x256xf32, #tpu.memory_space<vmem>>, vector<10000x256xf32>
    tpu.vector_store %arg22[%swap3A, %swap3A_240], %max3A_239 {strides = array<i32>} : memref<10000x256xf32, #tpu.memory_space<vmem>>, vector<10000x256xf32>,
    return
  }
}

</mosaic_0001>

<sc_bundles>
// kernel: kernel.10.cloned.1.call-start
scs
__scs_entry_jumppad:
0x0: {  	(pc) =	sbr.rel $0x88, $3  }
0x1: {  	(tag) =	ssettag $0x0;
	lr =	simm.s32 $0x1  }
0x2: {  	[smem:$0x3F86] =	sst lr;
	_ =	strace $0xD0000000  }
0x3: {  	_ = 	snop  }
0x4: {  	_ = 	snop  }
0x5: {  	_ = 	snop  }
0x6: {  	_ = 	snop  }
0x7: {  	_ = 	snop  }
__scs_overlays_trampoline_lowered:
0x8: {  	[smem:$0x3F95] =	sst s0  }
0x9: {  	[smem:$0x3F96] =	sst s1  }
0xa: {  	[smem:$0x3F97] =	sst s2  }
0xb: {  	[smem:$0x3F98] =	sst s3  }
0xc: {  	[smem:$0x3F99] =	sst s4  }
0xd: {  	[smem:$0x3F9A] =	sst s5  }
0xe: {  	[smem:$0x3F9B] =	sst s6  }
0xf: {  	[smem:$0x3F9C] =	sst s7  }
0x10: {  	[smem:$0x3F9D] =	sst s8  }
0x11: {  	[smem:$0x3F9E] =	sst s9;
	s0 =	simm.s32 @!p0 $0x0  }
0x12: {  	s1 =	sld [smem:$0x3F84];
	s0 =	simm.s32 @p0 $0x1  }
0x13: {  	[smem:$0x3F9F] =	sst s0;
	s0 =	simm.s32 @!p1 $0x0  }
0x14: {  	s2 =	sld [smem:$0x3F83];
	s0 =	simm.s32 @p1 $0x1  }
0x15: {  	[smem:$0x3FA0] =	sst s0;
	s0 =	simm.s32 @!p2 $0x0  }
0x16: {  	s3 =	sld [smem:$0x3FDB];
	s0 =	simm.s32 @p2 $0x1  }
0x17: {  	s4 =	simm.s32 $0x1BF5;
	[smem:$0x3FA2] =	sst s0  }
0x18: {  	s0 =	sld [smem:$0x3F85];
	_ =	swait.ge [sflag:s4], $0x0  }
0x19: {  	s7 =	sld [smem:$0x3F86]  }
0x1a: {  	s8 =	sadd.s32 $0xFFFFE003, lr  }
0x1b: {  	s9 =	sadd.s32 $0xFFFFFEF7, lr;
	s5 =	simm.s32 $0xFFFFFFFF;
	p2 =	slt.u32 s8, $0xFFFFF086  }
0x1c: {  	p1 =	slt.u32 s9, $0xF7A;
	s5 =	simm.s32 @!p2 $0x0  }
0x1d: {  	s5 =	simm.s32 @p1 $0x1;
	p0 =	seq.s32 s7, s2  }
0x1e: {  	s7 =	smul.u32 @!p0 $0xF7A, s2;
	p2 =	seq.s32 @!p0 s5, $0x0  }
0x1f: {  	s9 =	smul.u32 $0xF7A, s1;
	s8 =	simm.s32 @!p0 $0x1BF5;
	p2 =	por !p2, p0  }
0x20: {  	[sflag:s8] =	ssyncset.s32 @!p0 $0xFFFFF086;
	s6 =	sadd.s32 @!p0 s3, s7;
	s7 =	simm.s32 @!p0 $0x108  }
0x21: {  	s3 =	sadd.s32 s3, s9;
	s6 =	sadd.s32 @!p0 $0x88, s6;
	s7 =	simm.s32 @p2 $0x1082  }
0x22: {  	[simem:s7], [sflag:s8] =	dma.local @!p0 [hbm:s6], $0xF7A  }
0x23: {  	s9 =	sor.u32 $0xD0000000, s2;
	s6 =	simm.s32 $0x108;
	_ =	swait.ge @!p0 [sflag:s8], $0x0  }
0x24: {  	s3 =	sadd.s32 $0x88, s3;
	s6 =	simm.s32 @!p1 $0x1082;
	[sflag:s4] =	ssyncset.s32 $0xFFFFF086  }
0x25: {  	[simem:s6], [sflag:s4] =	dma.local [hbm:s3], $0xF7A  }
0x26: {  	[smem:$0x3F86] =	sst s1;
	(tag) =	ssettag s2;
	_ =	strace s9  }
0x27: {  	s1 =	sld [smem:$0x3F96]  }
0x28: {  	s2 =	sld [smem:$0x3F97]  }
0x29: {  	s4 =	sld [smem:$0x3F99]  }
0x2a: {  	p0 =	seq.s32 s5, $0x0;
	s5 =	sld [smem:$0x3F9A]  }
0x2b: {  	s6 =	sld [smem:$0x3F9B]  }
0x2c: {  	s7 =	sld [smem:$0x3F9C]  }
0x2d: {  	s3 =	simm.s32 $0x108;
	s8 =	sld [smem:$0x3F9D]  }
0x2e: {  	s3 =	simm.s32 @!p0 $0x1082;
	s9 =	sld [smem:$0x3F9E]  }
0x2f: {  	lr =	sadd.s32 s0, s3;
	s0 =	sld [smem:$0x3F95]  }
0x30: {  	s3 =	sld [smem:$0x3F98]  }
0x31: {  	[smem:$0x3FA1] =	sst s10  }
0x32: {  	s10 =	sld [smem:$0x3F9F];
	_ =	sdelay $0x3  }
0x33: {  	p0 =	seq.s32 s10, $0x1;
	s10 =	sld [smem:$0x3FA1];
	_ =	sdelay $0x3  }
0x34: {  	[smem:$0x3FA1] =	sst s10  }
0x35: {  	s10 =	sld [smem:$0x3FA0];
	_ =	sdelay $0x3  }
0x36: {  	p1 =	seq.s32 s10, $0x1;
	s10 =	sld [smem:$0x3FA1];
	_ =	sdelay $0x3  }
0x37: {  	[smem:$0x3FA1] =	sst s10  }
0x38: {  	s10 =	sld [smem:$0x3FA2]  }
0x39: {  	_ = 	snop;
	(pc) =	sbr.ind lr, $3  }
0x3a: {  	_ = 	snop  }
0x3b: {  	_ = 	snop  }
0x3c: {  	p2 =	seq.s32 s10, $0x1;
	s10 =	sld [smem:$0x3FA1]  }
0x3d: {  	_ =	shalt  }
0x3e: {  	_ =	shalt  }
0x3f: {  	_ =	shalt  }
0x40: {  	_ =	shalt  }
0x41: {  	_ =	shalt  }
0x42: {  	_ =	shalt  }
0x43: {  	_ =	shalt  }
0x44: {  	_ =	shalt  }
0x45: {  	_ =	shalt  }
0x46: {  	_ =	shalt  }
0x47: {  	_ =	shalt  }
0x48: {  	_ =	shalt  }
0x49: {  	_ =	shalt  }
0x4a: {  	_ =	shalt  }
0x4b: {  	_ =	shalt  }
0x4c: {  	_ =	shalt  }
0x4d: {  	_ =	shalt  }
0x4e: {  	_ =	shalt  }
0x4f: {  	_ =	shalt  }
0x50: {  	_ =	shalt  }
0x51: {  	_ =	shalt  }
0x52: {  	_ =	shalt  }
0x53: {  	_ =	shalt  }
0x54: {  	_ =	shalt  }
0x55: {  	_ =	shalt  }
0x56: {  	_ =	shalt  }
0x57: {  	_ =	shalt  }
0x58: {  	_ =	shalt  }
0x59: {  	_ =	shalt  }
0x5a: {  	_ =	shalt  }
0x5b: {  	_ =	shalt  }
0x5c: {  	_ =	shalt  }
0x5d: {  	_ =	shalt  }
0x5e: {  	_ =	shalt  }
0x5f: {  	_ =	shalt  }
0x60: {  	_ =	shalt  }
0x61: {  	_ =	shalt  }
0x62: {  	_ =	shalt  }
0x63: {  	_ =	shalt  }
0x64: {  	_ =	shalt  }
0x65: {  	_ =	shalt  }
0x66: {  	_ =	shalt  }
0x67: {  	_ =	shalt  }
0x68: {  	_ =	shalt  }
0x69: {  	_ =	shalt  }
0x6a: {  	_ =	shalt  }
0x6b: {  	_ =	shalt  }
0x6c: {  	_ =	shalt  }
0x6d: {  	_ =	shalt  }
0x6e: {  	_ =	shalt  }
0x6f: {  	_ =	shalt  }
0x70: {  	_ =	shalt  }
0x71: {  	_ =	shalt  }
0x72: {  	_ =	shalt  }
0x73: {  	_ =	shalt  }
0x74: {  	_ =	shalt  }
0x75: {  	_ =	shalt  }
0x76: {  	_ =	shalt  }
0x77: {  	_ =	shalt  }
0x78: {  	_ =	shalt  }
0x79: {  	_ =	shalt  }
0x7a: {  	_ =	shalt  }
0x7b: {  	_ =	shalt  }
0x7c: {  	_ =	shalt  }
0x7d: {  	_ =	shalt  }
0x7e: {  	_ =	shalt  }
0x7f: {  	_ =	shalt  }
0x80: {  	_ =	shalt  }
0x81: {  	_ =	shalt  }
0x82: {  	_ =	shalt  }
0x83: {  	_ =	shalt  }
0x84: {  	_ =	shalt  }
0x85: {  	_ =	shalt  }
0x86: {  	_ =	shalt  }
0x87: {  	_ =	shalt  }
.Lfunc_end0:
.L_simem_size_0:
called_computation.1_lowered:
.L_overlay_start_0:
0x88: {  	s2 =	sld [smem:$0x3FD9]  }
0x89: {  	s3 =	sld [smem:$0x3FFE];
	_ =	sdelay $0x1  }
0x8a: {  	s1 =	srdreg.scid  }
0x8b: {  	s0 =	sand.u32 $0x1, s1  }
0x8c: {  	s17 =	sshll.u32 s0, $0xA;
	s2 =	sadd.s32 s3, s2  }
0x8d: {  	s2 =	sadd.s32 s2, s17  }
0x8e: {  	[smem:$0x3FAD] =	sst s2  }
0x8f: {  	_ = 	snop  }
0x90: {  	(tm) =	ssettm $0x1  }
0x91: {  	s18 =	sld [smem:$0x3FFB];
	_ =	sdelay $0x3  }
0x92: {  	_ =	strace s18  }
0x93: {  	s2 =	sld [smem:$0x3FFC];
	_ =	sdelay $0x3  }
0x94: {  	_ =	strace s2  }
0x95: {  	s2 =	sld [smem:$0x3FFD];
	_ =	sdelay $0x3  }
0x96: {  	_ =	strace s2  }
0x97: {  	_ =	strace $0x8FFFFFFF  }
0x98: {  	s19 =	sld [smem:$0x3FDB];
	_ =	sdelay $0x1  }
0x99: {  	s20 =	simm.s32 $_scs_section_size  }
0x9a: {  	s4 =	simm.s32 $_size__tile_overlayer_lowered;
	s5 =	simm.s32 $_tile_overlayer_lowered  }
0x9b: {  	s6 =	simm.s32 $0x1BFF;
	s21 =	sshll.u32 s5, $0x1;
	s3 =	sadd.s32 s20, s19  }
0x9c: {  	s22 =	simm.s32 $0x0;
	s4 =	sshll.u32 s4, $0x1;
	s5 =	sadd.s32 s21, s3  }
0x9d: {  	[timem:s22], [sflag:s6] =	dma.local [hbm:s5], s4  }
0x9e: {  	_ =	swait.ge [sflag:s6], s4  }
0x9f: {  	s4 =	ssub.s32 $0x0, s4;
	[sflag:s6] =	ssyncset.done $0x0  }
0xa0: {  	[sflag:s6] =	ssyncadd.s32 s4;
	_ =	sdelay $0x1  }
0xa1: {  	s23 =	simm.s32 $0x1B8B  }
0xa2: {  	_ =	swait.ge [sflag:s23], $0x1  }
0xa3: {  	[sflag:s23] =	ssyncset.done $0x0  }
0xa4: {  	[sflag:s23] =	ssyncadd.s32 $0xFFFFFFFF  }
0xa5: {  	s4 =	sld [smem:$0x0]  }
0xa6: {  	s5 =	sand.u32 $0xFFFFFFFE, s1  }
0xa7: {  	p0 =	sne.s32 s1, s5  }
0xa8: {  	s5 =	sshll.u32 @p0 s5, $0xE  }
0xa9: {  	s5 =	sadd.s32 @p0 $0x11B8D, s5;
	s6 =	sshll.u32 @p0 s4, $0x11  }
0xaa: {  	s5 =	sor.u32 @p0 s6, s5  }
0xab: {  	[sflag:s5] =	ssyncadd.remote.s32 @p0 $0x1;
	_ =	sdelay $0x1  }
0xac: {  	s5 =	simm.s32 @p0 $0x1B8D  }
0xad: {  	_ =	swait.eq @p0 [sflag:s5], $0x1  }
0xae: {  	[sflag:s5] =	ssyncadd.s32 @p0 $0xFFFFFFFF  }
0xaf: {  	s6 =	sshll.u32 @!p0 s1, $0xE  }
0xb0: {  	s6 =	sor.u32 @!p0 $0x4000, s6;
	s5 =	simm.s32 @!p0 $0x1B8D  }
0xb1: {  	s4 =	sshll.u32 @!p0 s4, $0x11;
	s6 =	sadd.s32 @!p0 $0x11B8D, s6;
	_ =	swait.eq @!p0 [sflag:s5], $0x1  }
0xb2: {  	s4 =	sor.u32 @!p0 s4, s6;
	[sflag:s5] =	ssyncadd.s32 @!p0 $0xFFFFFFFF  }
0xb3: {  	s25 =	simm.s32 $0x1B8E;
	s24 =	sld [smem:$0x3FFE];
	[sflag:s4] =	ssyncadd.remote.s32 @!p0 $0x1  }
0xb4: {  	s26 =	simm.s32 $execute0_lowered;
	[smem:$0x3FD2] =	sst s25  }
0xb5: {  	s5 =	sshll.u32 s26, $0x1;
	_ =	strace $0x80000049;
	[dreg:$0x1] =	wrdreg $0xFFFFFFFF  }
0xb6: {  	s28 =	simm.s32 $_size_execute0_lowered;
	s3 =	sadd.s32 s3, s5;
	[dreg:$0x0] =	wrdreg $0x0  }
0xb7: {  	s5 =	sshll.u32 s28, $0x1;
	[dreg:$0x2] =	wrdreg s3  }
0xb8: {  	[dreg:$0x3] =	wrdreg s5  }
0xb9: {  	[dreg:$0x4] =	wrdreg $0xC0  }
0xba: {  	_ =	task [dreg:s22], $0x5FFFF  }
0xbb: {  	[dreg:$0x1] =	wrdreg $0xFFFFFFFF  }
0xbc: {  	[dreg:$0x0] =	wrdreg $0x60  }
0xbd: {  	[dreg:$0x2] =	wrdreg s24  }
0xbe: {  	[dreg:$0x3] =	wrdreg $0x0  }
0xbf: {  	[dreg:$0x4] =	wrdreg $0xA  }
0xc0: {  	_ =	task.clear_ibuf [dreg:s22], $0x5FFFF;
	_ =	strace $0x90000049  }
0xc1: {  	s29 =	simm.s32 $0xA;
	_ =	strace $0x8000004B  }
0xc2: {  	_ =	swait.ge [sflag:s29], $0x1  }
0xc3: {  	[sflag:s29] =	ssyncadd.s32 $0xFFFFFFFF  }
0xc4: {  	_ =	strace $0x9000004B  }
0xc5: {  	_ =	sfence  }
0xc6: {  	s30 =	sld [smem:$0x0];
	_ =	sdelay $0x2  }
0xc7: {  	s31 =	sshll.u32 s1, $0xD;
	s1 =	sshrl.u32 s1, $0x2  }
0xc8: {  	s4 =	sand.u32 $0x4000, s31;
	s1 =	sadd.s32 s1, s30  }
0xc9: {  	s0 =	sor.u32 s4, s0;
	s1 =	sshll.u32 s1, $0x11  }
0xca: {  	s0 =	sor.u32 s1, s0  }
0xcb: {  	s0 =	sadd.s32 $0x8F2B, s0  }
0xcc: {  	[sflag:s0] =	ssyncadd.remote.s32 $0x1  }
0xcd: {  	_ =	sfence.sel $0xFFFF  }
0xce: {  	[dreg:$0x0] =	wrdreg $0xFFFFFFFF;
	(pc) =	sbr.abs _section_cstart, $3  }
0xcf: {  	[dreg:$0x1] =	wrdreg $0xFFFFFFFF  }
0xd0: {  	_ =	task.clear_ibuf [dreg:s22], $0x2FFFF;
	_ =	strace $0x9FFFFFFF  }
0xd1: {  	(tm) =	ssettm $0x7FFFFFFF  }
tec
execute0_lowered:
.L_overlay_start_1:
0x0: {  	(tag) =	ssettag $0x1  }
0x1: {  	s0 =	rddreg [dreg:$0x0]  }
0x2: {  	s2 =	rddreg [dreg:$0x1];
	s3 =	simm.s32 $0x0  }
0x3: {  	s1 =	srdreg.scid;
	s14 =	stileid.u32;
	s28 =	simm.s32 $0x1B980  }
0x4: {  	s29 =	simm.s32 $0x1;
	s30 =	simm.s32 $0x40;
	s8 =	smul.u32 $0x280, s14  }
0x5: {  	s31 =	simm.s32 $0x17880;
	[smem:$0x7FF] =	sst s3;
	s25 =	smul.u32 $0x2710, s14  }
0x6: {  	s1 =	sand.u32 $0x1, s1;
	s4 =	sadd.s32 $0x52E00, s0;
	s11 =	smul.u32 $0x50000, s14  }
0x7: {  	s5 =	sadd.s32 $0xEF200, s0;
	s7 =	sadd.s32 $0x5D6200, s0;
	s9 =	smul.u32 $0x2710, s1  }
0x8: {  	p0 =	seq.s32 s14, $0xF;
	s6 =	smul.u32 $0x27100, s1;
	s1 =	ssub.s32 $0x2, s1  }
0x9: {  	s14 =	simm.s32 $0x6;
	_ =	strace $0x8000004A;
	s26 =	sshrl.u32 s1, $0x1  }
0xa: {  	s12 =	sshrl.u32 s11, $0x2;
	s17 =	sadd.s32 $0x40, s25;
	s18 =	sshrl.u32 s25, $0x3  }
0xb: {  	s22 =	sadd.s32 $0x2700, s25;
	s8 =	sadd.s32 s8, s9;
	s1 =	ssub.s32 s1, s26  }
0xc: {  	s13 =	sadd.s32 s25, s6;
	s23 =	sadd.s32 s6, s22;
	s10 =	sshll.u32 s8, $0x4  }
0xd: {  	s8 =	sadd.s32 $0x5D1200, s0;
	s16 =	sshll.u32 s13, $0x4;
	s11 =	sshrl.u32 s13, $0x3  }
0xe: {  	s13 =	sadd.s32 s6, s17;
	s24 =	sshll.u32 s23, $0x4;
	s9 =	sshrl.u32 s23, $0x3  }
0xf: {  	s26 =	smax.u32 s1, $0x1;
	s1 =	simm.s32 $0x1B900;
	s0 =	sadd.s32 s10, s0  }
0x10: {  	s10 =	sadd.s32 s12, s2;
	s12 =	sadd.s32 $0x12C000, s2;
	[dreg:$0x10] =	wrdreg s26  }
0x11: {  	s11 =	sadd.s32 s7, s11;
	s19 =	sadd.s32 s8, s18;
	[dreg:$0x3] =	wrdreg s10  }
0x12: {  	s20 =	sshll.u32 s13, $0x4;
	s21 =	sshrl.u32 s13, $0x3;
	[dreg:$0x5] =	wrdreg s12  }
0x13: {  	s18 =	sadd.s32 $0x80, s25;
	s9 =	sadd.s32 s7, s9;
	[dreg:$0x7] =	wrdreg s11  }
0x14: {  	s26 =	simm.s32 $0x1B880;
	s13 =	simm.s32 $0x19880;
	[dreg:$0x8] =	wrdreg s19  }
0x15: {  	s15 =	sadd.s32 $0x4C00, s0;
	s10 =	sadd.s32 s5, s16;
	[dreg:$0xd] =	wrdreg s9  }
0x16: {  	s11 =	sadd.s32 s5, s20;
	s19 =	sadd.s32 $0xC0, s25;
	[dreg:$0x4] =	wrdreg s15  }
0x17: {  	s0 =	sadd.s32 $0x5E0000, s0;
	s9 =	simm.s32 $0x1BA00;
	[dreg:$0x6] =	wrdreg s10  }
0x18: {  	s12 =	simm.s32 $0x2;
	s16 =	simm.s32 $0x0;
	[dreg:$0x9] =	wrdreg s11  }
0x19: {  	s10 =	sshrl.u32 s17, $0x3;
	s11 =	sadd.s32 s7, s21;
	[dreg:$0xf] =	wrdreg s0  }
0x1a: {  	s0 =	simm.s32 $0x15880;
	[dreg:$0xa] =	wrdreg s11;
	s10 =	sadd.s32 s8, s10  }
0x1b: {  	s11 =	sadd.s32 s5, s24;
	[dreg:$0xb] =	wrdreg s10;
	s10 =	sshrl.u32 s22, $0x3  }
0x1c: {  	s15 =	simm.s32 $0x4;
	[dreg:$0xc] =	wrdreg s11;
	s25 =	sadd.s32 s8, s10  }
0x1d: {  	s11 =	simm.s32 $0x3;
	[dreg:$0xe] =	wrdreg s25;
	s25 =	simm.s32 $0x13880  }
.LBB2_1:
0x1e: {  	s10 =	rddreg [dreg:$0x5]  }
0x1f: {  	s20 =	rddreg [dreg:$0x4];
	s17 =	sshrl.u32 @p0 s10, $0x3  }
0x20: {  	s10 =	simm.s32 @p0 $0x1FC6;
	[dreg:$0x11] =	wrdreg s17  }
0x21: {  	[spmem:s17], [sflag:s10] =	dma.local @p0 [hbm:s20], $0x1900  }
0x22: {  	s10 =	simm.s32 @p0 $0x6  }
0x23: {  	s17 =	stileid.u32;
	_ =	swait.ge @p0 [sflag:s10], $0x1900  }
0x24: {  	s17 =	sshll.u32 @!p0 s17, $0x6;
	[sflag:s10] =	ssyncset.done @p0 $0x0  }
0x25: {  	s17 =	sor.u32 @!p0 $0x1C06, s17;
	[sflag:s10] =	ssyncadd.s32 @p0 $0xFFFFE700;
	s10 =	rddreg [dreg:$0x3]  }
0x26: {  	[dreg:$0x12] =	wrdreg s17;
	s22 =	sshrl.u32 @!p0 s10, $0x3;
	s10 =	simm.s32 @!p0 $0x6  }
0x27: {  	[spmem:s22], [sflag:s17] =	dma.local @!p0 [hbm:s20], $0x2800  }
0x28: {  	_ =	swait.ge @!p0 [sflag:s10], $0x2800  }
0x29: {  	[sflag:s10] =	ssyncset.done @!p0 $0x0  }
0x2a: {  	[sflag:s10] =	ssyncadd.s32 @!p0 $0xFFFFD800  }
0x2b: {  	[bflag:$0x0] =	sbarrier.arrive $0xFFFF  }
0x2c: {  	s24 =	rddreg [dreg:$0x6]  }
0x2d: {  	[tilespmem:s25], [sflag:$0x1] =	stream.linear.gather [hbm4b:s24+s3], $0x2000, $0x38;
	[tilespmem:$0x1CB80] =	vst v63  }
0x2e: {  	s17 =	rddreg [dreg:$0x7]  }
0x2f: {  	[tilespmem:s26], [sflag:$0x1] =	stream.linear.gather [hbm4b:s17+s3], $0x40, $0x38;
	[tilespmem:$0x1CB80] =	vst v63  }
0x30: {  	s20 =	rddreg [dreg:$0x8]  }
0x31: {  	[tilespmem:s28], [sflag:$0x1] =	stream.linear.gather [hbm4b:s20+s3], $0x40, $0x38;
	[tilespmem:$0x1CB80] =	vst v63  }
0x32: {  	_ =	swait.ge [sflag:s29], $0x2000  }
0x33: {  	[sflag:s29] =	ssyncset.done $0x0  }
0x34: {  	[sflag:s29] =	ssyncadd.s32 $0xFFFFE000  }
0x35: {  	_ =	swait.ge [sflag:s29], $0x40  }
0x36: {  	[sflag:s29] =	ssyncset.done $0x0  }
0x37: {  	[sflag:s29] =	ssyncadd.s32 $0xFFFFFFC0  }
0x38: {  	_ =	swait.ge [sflag:s29], $0x40  }
0x39: {  	[sflag:s29] =	ssyncset.done $0x0  }
0x3a: {  	[sflag:s29] =	ssyncadd.s32 $0xFFFFFFC0  }
0x3b: {  	[tilespmem:s31], [sflag:$0x3] =	stream.indirect.gather [hbm4b:s4+s30], $0x80, s26, s30, $0xb8;
	[tilespmem:$0x1CB80] =	vst v63  }
0x3c: {  	s21 =	rddreg [dreg:$0x9]  }
0x3d: {  	[tilespmem:s0], [sflag:$0x2] =	stream.linear.gather [hbm4b:s21+s3], $0x2000, $0x38;
	[tilespmem:$0x1CB80] =	vst v63  }
0x3e: {  	s23 =	rddreg [dreg:$0xa]  }
0x3f: {  	[tilespmem:s1], [sflag:$0x2] =	stream.linear.gather [hbm4b:s23+s3], $0x40, $0x38;
	[tilespmem:$0x1CB80] =	vst v63  }
0x40: {  	s24 =	rddreg [dreg:$0xb]  }
0x41: {  	[tilespmem:s9], [sflag:$0x2] =	stream.linear.gather [hbm4b:s24+s3], $0x40, $0x38;
	[tilespmem:$0x1CB80] =	vst v63  }
0x42: {  	s24 =	simm.s32 $0x0  }
.LBB2_2:
0x43: {  	_ =	swait.ge [sflag:s11], $0x2000  }
0x44: {  	[sflag:s11] =	ssyncset.done $0x0  }
0x45: {  	[sflag:s11] =	ssyncadd.s32 $0xFFFFE000  }
0x46: {  	_ =	swait.ge [sflag:s12], $0x2000  }
0x47: {  	[sflag:s12] =	ssyncset.done $0x0  }
0x48: {  	[sflag:s12] =	ssyncadd.s32 $0xFFFFE000  }
0x49: {  	_ =	swait.ge [sflag:s12], $0x40  }
0x4a: {  	[sflag:s12] =	ssyncset.done $0x0  }
0x4b: {  	[sflag:s12] =	ssyncadd.s32 $0xFFFFFFC0  }
0x4c: {  	_ =	swait.ge [sflag:s12], $0x40  }
0x4d: {  	[sflag:s12] =	ssyncset.done $0x0  }
0x4e: {  	s20 =	simm.s32 $0x13980;
	[sflag:s12] =	ssyncadd.s32 $0xFFFFFFC0  }
0x4f: {  	[tilespmem:s13], [sflag:$0x4] =	stream.indirect.gather [hbm4b:s4+s30], $0x80, s1, s30, $0xb8;
	[tilespmem:$0x1CB80] =	vst v63  }
0x50: {  	s10 =	simm.s32 $0x17980;
	v0 =	vld [tilespmem:s20+$0x80]  }
0x51: {  	v1 =	vld [tilespmem:s10+$0x80]  }
0x52: {  	v2 =	vld [tilespmem:s10+$0xFFFFFF00]  }
0x53: {  	v3 =	vld [tilespmem:s20+$0xFFFFFF80]  }
0x54: {  	v4 =	vld [tilespmem:s10+$0xFFFFFF80]  }
0x55: {  	v5 =	vld [tilespmem:s10+$0x0]  }
0x56: {  	v0 =	vadd.f32 v1, v0;
	v1 =	vld [tilespmem:s20+$0x0]  }
0x57: {  	v6 =	vld [tilespmem:s20+$0xFFFFFF00]  }
0x58: {  	v0 =	vmax.f32 v0, $0.0e+00  }
0x59: {  	v3 =	vadd.f32 v4, v3;
	[tilespmem:s20+$0x80] =	vst v0;
	v0 =	vld [tilespmem:s20+$0x90]  }
0x5a: {  	v7 =	vld [tilespmem:s10+$0x90]  }
0x5b: {  	v8 =	vld [tilespmem:s20+$0xFFFFFF90];
	v3 =	vmax.f32 v3, $0.0e+00;
	v1 =	vadd.f32 v5, v1  }
0x5c: {  	v4 =	vld [tilespmem:s20+$0xFFFFFF10];
	v2 =	vadd.f32 v2, v6;
	[tilespmem:s20+$0xFFFFFF80] =	vst v3  }
0x5d: {  	v5 =	vld [tilespmem:s10+$0xFFFFFF90];
	v1 =	vmax.f32 v1, $0.0e+00  }
0x5e: {  	v2 =	vmax.f32 v2, $0.0e+00;
	v3 =	vld [tilespmem:s20+$0x10];
	[tilespmem:s20+$0x0] =	vst v1  }
0x5f: {  	[tilespmem:s20+$0xFFFFFF00] =	vst v2;
	v0 =	vadd.f32 v7, v0;
	v1 =	vld [tilespmem:s10+$0x10]  }
0x60: {  	v2 =	vld [tilespmem:s10+$0xFFFFFF10]  }
0x61: {  	v0 =	vmax.f32 v0, $0.0e+00  }
0x62: {  	v5 =	vadd.f32 v5, v8;
	[tilespmem:s20+$0x90] =	vst v0;
	v0 =	vld [tilespmem:s20+$0xA0]  }
0x63: {  	v7 =	vld [tilespmem:s10+$0xA0]  }
0x64: {  	v6 =	vld [tilespmem:s20+$0xFFFFFF20];
	v5 =	vmax.f32 v5, $0.0e+00;
	v1 =	vadd.f32 v1, v3  }
0x65: {  	v2 =	vadd.f32 v2, v4;
	v8 =	vld [tilespmem:s20+$0xFFFFFFA0];
	[tilespmem:s20+$0xFFFFFF90] =	vst v5  }
0x66: {  	v4 =	vld [tilespmem:s10+$0xFFFFFFA0];
	v1 =	vmax.f32 v1, $0.0e+00  }
0x67: {  	v2 =	vmax.f32 v2, $0.0e+00;
	v3 =	vld [tilespmem:s20+$0x20];
	[tilespmem:s20+$0x10] =	vst v1  }
0x68: {  	[tilespmem:s20+$0xFFFFFF10] =	vst v2;
	v0 =	vadd.f32 v7, v0;
	v1 =	vld [tilespmem:s10+$0x20]  }
0x69: {  	v2 =	vld [tilespmem:s10+$0xFFFFFF20]  }
0x6a: {  	v0 =	vmax.f32 v0, $0.0e+00  }
0x6b: {  	v4 =	vadd.f32 v4, v8;
	[tilespmem:s20+$0xA0] =	vst v0;
	v0 =	vld [tilespmem:s20+$0xB0]  }
0x6c: {  	v7 =	vld [tilespmem:s10+$0xB0]  }
0x6d: {  	v9 =	vld [tilespmem:s20+$0x30];
	v4 =	vmax.f32 v4, $0.0e+00;
	v1 =	vadd.f32 v1, v3  }
0x6e: {  	v2 =	vadd.f32 v2, v6;
	v8 =	vld [tilespmem:s20+$0xFFFFFFB0];
	[tilespmem:s20+$0xFFFFFFA0] =	vst v4  }
0x6f: {  	v3 =	vld [tilespmem:s10+$0xFFFFFFB0];
	v1 =	vmax.f32 v1, $0.0e+00  }
0x70: {  	v5 =	vld [tilespmem:s20+$0xFFFFFF30];
	[tilespmem:s20+$0x20] =	vst v1;
	v1 =	vmax.f32 v2, $0.0e+00  }
0x71: {  	v0 =	vadd.f32 v7, v0;
	[tilespmem:s20+$0xFFFFFF20] =	vst v1;
	v1 =	vld [tilespmem:s10+$0x30]  }
0x72: {  	v6 =	vld [tilespmem:s10+$0xFFFFFF30]  }
0x73: {  	v10 =	vld [tilespmem:s20+$0xFFFFFF40];
	v0 =	vmax.f32 v0, $0.0e+00  }
0x74: {  	v3 =	vadd.f32 v3, v8;
	[tilespmem:s20+$0xB0] =	vst v0;
	v0 =	vld [tilespmem:s20+$0xC0]  }
0x75: {  	v7 =	vld [tilespmem:s10+$0xC0]  }
0x76: {  	v11 =	vld [tilespmem:s20+$0xFFFFFFD0];
	v3 =	vmax.f32 v3, $0.0e+00;
	v1 =	vadd.f32 v1, v9  }
0x77: {  	v4 =	vld [tilespmem:s20+$0xFFFFFFC0];
	[tilespmem:s20+$0xFFFFFFB0] =	vst v3;
	v5 =	vadd.f32 v6, v5  }
0x78: {  	v6 =	vld [tilespmem:s10+$0xFFFFFFC0];
	v1 =	vmax.f32 v1, $0.0e+00  }
0x79: {  	v2 =	vld [tilespmem:s20+$0x40];
	[tilespmem:s20+$0x30] =	vst v1;
	v1 =	vmax.f32 v5, $0.0e+00  }
0x7a: {  	v0 =	vadd.f32 v7, v0;
	v5 =	vld [tilespmem:s10+$0x40];
	[tilespmem:s20+$0xFFFFFF30] =	vst v1  }
0x7b: {  	v1 =	vld [tilespmem:s10+$0xFFFFFF40]  }
0x7c: {  	v8 =	vld [tilespmem:s20+$0xFFFFFF50];
	v0 =	vmax.f32 v0, $0.0e+00  }
0x7d: {  	[tilespmem:s20+$0xC0] =	vst v0;
	v0 =	vadd.f32 v6, v4;
	v6 =	vld [tilespmem:s20+$0xD0]  }
0x7e: {  	v7 =	vld [tilespmem:s10+$0xD0]  }
0x7f: {  	v3 =	vld [tilespmem:s20+$0xFFFFFF60];
	v0 =	vmax.f32 v0, $0.0e+00;
	v2 =	vadd.f32 v5, v2  }
0x80: {  	v9 =	vld [tilespmem:s20+$0x50];
	[tilespmem:s20+$0xFFFFFFC0] =	vst v0;
	v0 =	vadd.f32 v1, v10  }
0x81: {  	v1 =	vld [tilespmem:s10+$0xFFFFFFD0];
	v2 =	vmax.f32 v2, $0.0e+00  }
0x82: {  	v4 =	vld [tilespmem:s20+$0xFFFFFFE0];
	[tilespmem:s20+$0x40] =	vst v2;
	v0 =	vmax.f32 v0, $0.0e+00  }
0x83: {  	v2 =	vld [tilespmem:s10+$0x50];
	v6 =	vadd.f32 v7, v6;
	[tilespmem:s20+$0xFFFFFF40] =	vst v0  }
0x84: {  	v0 =	vld [tilespmem:s10+$0xFFFFFF50]  }
0x85: {  	v5 =	vld [tilespmem:s20+$0x60];
	v6 =	vmax.f32 v6, $0.0e+00  }
0x86: {  	v1 =	vadd.f32 v1, v11;
	[tilespmem:s20+$0xD0] =	vst v6;
	v6 =	vld [tilespmem:s20+$0xE0]  }
0x87: {  	v10 =	vld [tilespmem:s10+$0xE0]  }
0x88: {  	v1 =	vmax.f32 v1, $0.0e+00;
	v7 =	vadd.f32 v2, v9;
	v2 =	vld [tilespmem:s20+$0xFFFFFF70]  }
0x89: {  	[tilespmem:s20+$0xFFFFFFD0] =	vst v1;
	v0 =	vadd.f32 v0, v8;
	v1 =	vld [tilespmem:s20+$0xFFFFFFF0]  }
0x8a: {  	v8 =	vmax.f32 v7, $0.0e+00;
	v7 =	vld [tilespmem:s10+$0xFFFFFFE0]  }
0x8b: {  	[tilespmem:s20+$0x50] =	vst v8;
	v8 =	vmax.f32 v0, $0.0e+00;
	v0 =	vld [tilespmem:s20+$0x70]  }
0x8c: {  	[tilespmem:s20+$0xFFFFFF50] =	vst v8;
	v8 =	vld [tilespmem:s10+$0x60];
	v6 =	vadd.f32 v10, v6  }
0x8d: {  	v9 =	vld [tilespmem:s10+$0xFFFFFF60]  }
0x8e: {  	s23 =	simm.s32 $0x0;
	s21 =	simm.s32 $0x13B80;
	s17 =	simm.s32 $0x17980;
	v10 =	vmax.f32 v6, $0.0e+00;
	v6 =	vld [tilespmem:s20+$0xF0]  }
.LBB2_3:
0x8f: {  	v11 =	vld [tilespmem:s21+$0x80];
	v4 =	vadd.f32 v7, v4;
	[tilespmem:s20+$0xE0] =	vst v10  }
0x90: {  	s17 =	sadd.s32 $0x200, s17;
	v7 =	vld [tilespmem:s10+$0xF0]  }
0x91: {  	s23 =	sadd.s32 $0x4, s23;
	v10 =	vld [tilespmem:s17+$0x80];
	v4 =	vmax.f32 v4, $0.0e+00;
	v5 =	vadd.f32 v8, v5  }
0x92: {  	p1 =	slt.u32 s23, $0x3C;
	v8 =	vld [tilespmem:s17+$0xFFFFFF00];
	v3 =	vadd.f32 v9, v3;
	[tilespmem:s20+$0xFFFFFFE0] =	vst v4  }
0x93: {  	v4 =	vld [tilespmem:s21+$0xFFFFFF80];
	v5 =	vmax.f32 v5, $0.0e+00  }
0x94: {  	v9 =	vld [tilespmem:s17+$0xFFFFFF80];
	v3 =	vmax.f32 v3, $0.0e+00;
	[tilespmem:s20+$0x60] =	vst v5  }
0x95: {  	v5 =	vld [tilespmem:s21+$0x0];
	[tilespmem:s20+$0xFFFFFF60] =	vst v3;
	v3 =	vadd.f32 v7, v6  }
0x96: {  	v6 =	vld [tilespmem:s17+$0x0];
	v7 =	vadd.f32 v10, v11  }
0x97: {  	v10 =	vld [tilespmem:s21+$0xFFFFFF00];
	v3 =	vmax.f32 v3, $0.0e+00  }
0x98: {  	v11 =	vld [tilespmem:s21+$0xFFFFFF10];
	v7 =	vmax.f32 v7, $0.0e+00;
	[tilespmem:s20+$0xF0] =	vst v3  }
0x99: {  	v3 =	vadd.f32 v9, v4;
	[tilespmem:s21+$0x80] =	vst v7;
	v4 =	vld [tilespmem:s21+$0x90]  }
0x9a: {  	v7 =	vld [tilespmem:s17+$0x90]  }
0x9b: {  	v3 =	vmax.f32 v3, $0.0e+00;
	v9 =	vld [tilespmem:s21+$0xFFFFFF90];
	v5 =	vadd.f32 v6, v5  }
0x9c: {  	v6 =	vadd.f32 v8, v10;
	[tilespmem:s21+$0xFFFFFF80] =	vst v3;
	v3 =	vld [tilespmem:s21+$0x10]  }
0x9d: {  	v8 =	vld [tilespmem:s17+$0xFFFFFF90];
	v5 =	vmax.f32 v5, $0.0e+00  }
0x9e: {  	v6 =	vmax.f32 v6, $0.0e+00;
	v10 =	vld [tilespmem:s21+$0xFFFFFF20];
	[tilespmem:s21+$0x0] =	vst v5  }
0x9f: {  	[tilespmem:s21+$0xFFFFFF00] =	vst v6;
	v5 =	vld [tilespmem:s17+$0x10];
	v4 =	vadd.f32 v7, v4  }
0xa0: {  	v6 =	vld [tilespmem:s17+$0xFFFFFF10]  }
0xa1: {  	v7 =	vld [tilespmem:s21+$0xFFFFFFA0];
	v4 =	vmax.f32 v4, $0.0e+00  }
0xa2: {  	v8 =	vadd.f32 v8, v9;
	[tilespmem:s21+$0x90] =	vst v4;
	v4 =	vld [tilespmem:s21+$0xA0]  }
0xa3: {  	v9 =	vld [tilespmem:s17+$0xA0]  }
0xa4: {  	v8 =	vmax.f32 v8, $0.0e+00;
	v3 =	vadd.f32 v5, v3;
	v5 =	vld [tilespmem:s21+$0x20]  }
0xa5: {  	v6 =	vadd.f32 v6, v11;
	v11 =	vld [tilespmem:s21+$0xFFFFFF30];
	[tilespmem:s21+$0xFFFFFF90] =	vst v8  }
0xa6: {  	v8 =	vld [tilespmem:s17+$0xFFFFFFA0];
	v3 =	vmax.f32 v3, $0.0e+00  }
0xa7: {  	v6 =	vmax.f32 v6, $0.0e+00;
	v12 =	vld [tilespmem:s21+$0xFFFFFFB0];
	[tilespmem:s21+$0x10] =	vst v3  }
0xa8: {  	[tilespmem:s21+$0xFFFFFF10] =	vst v6;
	v3 =	vld [tilespmem:s17+$0x20];
	v4 =	vadd.f32 v9, v4  }
0xa9: {  	v6 =	vld [tilespmem:s17+$0xFFFFFF20]  }
0xaa: {  	v9 =	vld [tilespmem:s21+$0x30];
	v4 =	vmax.f32 v4, $0.0e+00  }
0xab: {  	v7 =	vadd.f32 v8, v7;
	[tilespmem:s21+$0xA0] =	vst v4;
	v4 =	vld [tilespmem:s21+$0xB0]  }
0xac: {  	v8 =	vld [tilespmem:s17+$0xB0]  }
0xad: {  	v13 =	vld [tilespmem:s21+$0xFFFFFF40];
	v7 =	vmax.f32 v7, $0.0e+00;
	v3 =	vadd.f32 v3, v5  }
0xae: {  	v5 =	vadd.f32 v6, v10;
	[tilespmem:s21+$0xFFFFFFA0] =	vst v7;
	v6 =	vld [tilespmem:s21+$0xFFFFFFC0]  }
0xaf: {  	v7 =	vld [tilespmem:s17+$0xFFFFFFB0];
	v3 =	vmax.f32 v3, $0.0e+00  }
0xb0: {  	v5 =	vmax.f32 v5, $0.0e+00;
	[tilespmem:s21+$0x20] =	vst v3;
	v10 =	vld [tilespmem:s21+$0x40]  }
0xb1: {  	[tilespmem:s21+$0xFFFFFF20] =	vst v5;
	v3 =	vld [tilespmem:s17+$0x30];
	v4 =	vadd.f32 v8, v4  }
0xb2: {  	v5 =	vld [tilespmem:s17+$0xFFFFFF30]  }
0xb3: {  	v8 =	vld [tilespmem:s21+$0xFFFFFF50];
	v4 =	vmax.f32 v4, $0.0e+00  }
0xb4: {  	v7 =	vadd.f32 v7, v12;
	[tilespmem:s21+$0xB0] =	vst v4;
	v4 =	vld [tilespmem:s21+$0xC0]  }
0xb5: {  	v12 =	vld [tilespmem:s17+$0xC0]  }
0xb6: {  	v7 =	vmax.f32 v7, $0.0e+00;
	v14 =	vld [tilespmem:s21+$0xFFFFFFD0];
	v3 =	vadd.f32 v3, v9  }
0xb7: {  	v5 =	vadd.f32 v5, v11;
	[tilespmem:s21+$0xFFFFFFB0] =	vst v7;
	v7 =	vld [tilespmem:s21+$0x50]  }
0xb8: {  	v9 =	vld [tilespmem:s17+$0xFFFFFFC0];
	v11 =	vmax.f32 v3, $0.0e+00  }
0xb9: {  	v5 =	vmax.f32 v5, $0.0e+00;
	v3 =	vld [tilespmem:s21+$0xFFFFFF60];
	[tilespmem:s21+$0x30] =	vst v11  }
0xba: {  	[tilespmem:s21+$0xFFFFFF30] =	vst v5;
	v5 =	vld [tilespmem:s17+$0x40];
	v11 =	vadd.f32 v12, v4  }
0xbb: {  	v12 =	vld [tilespmem:s17+$0xFFFFFF40]  }
0xbc: {  	v4 =	vld [tilespmem:s21+$0xFFFFFFE0];
	v11 =	vmax.f32 v11, $0.0e+00  }
0xbd: {  	v6 =	vadd.f32 v9, v6;
	[tilespmem:s21+$0xC0] =	vst v11;
	v9 =	vld [tilespmem:s21+$0xD0]  }
0xbe: {  	v11 =	vld [tilespmem:s17+$0xD0]  }
0xbf: {  	v6 =	vmax.f32 v6, $0.0e+00;
	v10 =	vadd.f32 v5, v10;
	v5 =	vld [tilespmem:s21+$0x60]  }
0xc0: {  	v12 =	vadd.f32 v12, v13;
	[tilespmem:s21+$0xFFFFFFC0] =	vst v6;
	v6 =	vld [tilespmem:s10+$0xFFFFFF70]  }
0xc1: {  	v13 =	vld [tilespmem:s17+$0xFFFFFFD0];
	v10 =	vmax.f32 v10, $0.0e+00  }
0xc2: {  	v12 =	vmax.f32 v12, $0.0e+00;
	[tilespmem:s21+$0x40] =	vst v10;
	v10 =	vld [tilespmem:s10+$0xFFFFFFF0]  }
0xc3: {  	[tilespmem:s21+$0xFFFFFF40] =	vst v12;
	v12 =	vld [tilespmem:s17+$0x50];
	v9 =	vadd.f32 v11, v9  }
0xc4: {  	v11 =	vld [tilespmem:s17+$0xFFFFFF50]  }
0xc5: {  	v9 =	vmax.f32 v9, $0.0e+00;
	v2 =	vadd.f32 v6, v2;
	v6 =	vld [tilespmem:s10+$0x70];
	s10 =	smov.u32 s17  }
0xc6: {  	v13 =	vadd.f32 v13, v14;
	[tilespmem:s21+$0xD0] =	vst v9;
	v9 =	vld [tilespmem:s21+$0xE0]  }
0xc7: {  	v14 =	vld [tilespmem:s17+$0xE0];
	v15 =	vmax.f32 v2, $0.0e+00;
	v10 =	vadd.f32 v10, v1  }
0xc8: {  	v2 =	vld [tilespmem:s21+$0xFFFFFF70];
	v1 =	vmax.f32 v13, $0.0e+00;
	v12 =	vadd.f32 v12, v7;
	[tilespmem:s20+$0xFFFFFF70] =	vst v15  }
0xc9: {  	v8 =	vadd.f32 v11, v8;
	[tilespmem:s21+$0xFFFFFFD0] =	vst v1;
	v1 =	vld [tilespmem:s21+$0xFFFFFFF0];
	v10 =	vmax.f32 v10, $0.0e+00  }
.Ltmp0:
0xca: {  	v7 =	vld [tilespmem:s17+$0xFFFFFFE0];
	v11 =	vmax.f32 v12, $0.0e+00;
	[tilespmem:s20+$0xFFFFFFF0] =	vst v10;
	v6 =	vadd.f32 v6, v0;
	(pc) =	sbr.rel @p1 .LBB2_3-.Ltmp0, $4  }
0xcb: {  	v8 =	vmax.f32 v8, $0.0e+00;
	[tilespmem:s21+$0x50] =	vst v11;
	v0 =	vld [tilespmem:s21+$0x70]  }
0xcc: {  	[tilespmem:s21+$0xFFFFFF50] =	vst v8;
	v8 =	vld [tilespmem:s17+$0x60];
	v10 =	vadd.f32 v14, v9;
	v6 =	vmax.f32 v6, $0.0e+00  }
0xcd: {  	v9 =	vld [tilespmem:s17+$0xFFFFFF60];
	[tilespmem:s20+$0x70] =	vst v6;
	s20 =	smov.u32 s21  }
0xce: {  	s21 =	sadd.s32 $0x200, s21;
	v10 =	vmax.f32 v10, $0.0e+00;
	v6 =	vld [tilespmem:s20+$0xF0]  }
0xcf: {  	_ =	sdelay $0x2  }
0xd0: {  	v3 =	vadd.f32 v9, v3  }
0xd1: {  	v4 =	vadd.f32 v7, v4  }
0xd2: {  	[tilespmem:s20+$0xE0] =	vst v10;
	v5 =	vadd.f32 v8, v5;
	v3 =	vmax.f32 v3, $0.0e+00  }
0xd3: {  	v7 =	vld [tilespmem:s10+$0xF0];
	v4 =	vmax.f32 v4, $0.0e+00;
	[tilespmem:s20+$0xFFFFFF60] =	vst v3  }
0xd4: {  	[tilespmem:s20+$0xFFFFFFE0] =	vst v4;
	v3 =	vmax.f32 v5, $0.0e+00;
	v4 =	vld [tilespmem:s10+$0xFFFFFF70]  }
0xd5: {  	[tilespmem:s20+$0x60] =	vst v3;
	v3 =	vld [tilespmem:s10+$0xFFFFFFF0]  }
0xd6: {  	v5 =	vld [tilespmem:s10+$0x70];
	_ =	sdelay $0x1  }
0xd7: {  	v6 =	vadd.f32 v7, v6  }
0xd8: {  	v2 =	vadd.f32 v4, v2  }
0xd9: {  	v4 =	vmax.f32 v6, $0.0e+00;
	v1 =	vadd.f32 v3, v1  }
0xda: {  	[tilespmem:s20+$0xF0] =	vst v4;
	v0 =	vadd.f32 v5, v0;
	v2 =	vmax.f32 v2, $0.0e+00  }
0xdb: {  	p1 =	seq.s32 s24, $0x4D;
	v1 =	vmax.f32 v1, $0.0e+00;
	[tilespmem:s20+$0xFFFFFF70] =	vst v2  }
0xdc: {  	s10 =	sshll.u32 @!p1 s24, $0x7;
	[tilespmem:s20+$0xFFFFFFF0] =	vst v1;
	v0 =	vmax.f32 v0, $0.0e+00  }
0xdd: {  	s10 =	sadd.s32 @!p1 s10, s18;
	[tilespmem:s20+$0x70] =	vst v0  }
0xde: {  	[spmem:s2] =	stream.indirect.scatter.add.f32 [tilespmem:s25], [sflag:$0x6], $0x80, s28, s30, $0xb8;
	[tilespmem:$0x1CB80] =	vst v63  }
0xdf: {  	s21 =	simm.s32 @!p1 $0x0;
	s17 =	sadd.s32 @!p1 s6, s10;
	_ =	swait.ge [sflag:s14], $0x2000  }
0xe0: {  	s23 =	simm.s32 @!p1 $0x13880;
	s20 =	sshll.u32 @!p1 s17, $0x4;
	[sflag:s14] =	ssyncset.done $0x0  }
0xe1: {  	s17 =	sshrl.u32 @!p1 s17, $0x3;
	s20 =	sadd.s32 @!p1 s5, s20;
	[sflag:s14] =	ssyncadd.s32 $0xFFFFE000  }
0xe2: {  	[tilespmem:s23], [sflag:$0x1] =	stream.linear.gather @!p1 [hbm4b:s20+s21], $0x2000, $0x38;
	[tilespmem:$0x1CB80] =	vst v63  }
0xe3: {  	s10 =	sshrl.u32 @!p1 s10, $0x3;
	s17 =	sadd.s32 @!p1 s7, s17;
	s20 =	simm.s32 @!p1 $0x1B880  }
0xe4: {  	[tilespmem:s20], [sflag:$0x1] =	stream.linear.gather @!p1 [hbm4b:s17+s21], $0x40, $0x38;
	[tilespmem:$0x1CB80] =	vst v63  }
0xe5: {  	s10 =	sadd.s32 @!p1 s8, s10;
	s17 =	simm.s32 @!p1 $0x1B980  }
0xe6: {  	[tilespmem:s17], [sflag:$0x1] =	stream.linear.gather @!p1 [hbm4b:s10+s21], $0x40, $0x38;
	[tilespmem:$0x1CB80] =	vst v63  }
0xe7: {  	_ =	swait.ge [sflag:s15], $0x2000  }
0xe8: {  	[sflag:s15] =	ssyncset.done $0x0  }
0xe9: {  	s20 =	simm.s32 $0x15980;
	[sflag:s15] =	ssyncadd.s32 $0xFFFFE000  }
0xea: {  	s10 =	simm.s32 $0x19980;
	v0 =	vld [tilespmem:s20+$0x80]  }
0xeb: {  	v1 =	vld [tilespmem:s10+$0x80]  }
0xec: {  	v2 =	vld [tilespmem:s10+$0xFFFFFF00]  }
0xed: {  	v3 =	vld [tilespmem:s20+$0xFFFFFF80]  }
0xee: {  	v4 =	vld [tilespmem:s10+$0xFFFFFF80]  }
0xef: {  	v5 =	vld [tilespmem:s10+$0x0]  }
0xf0: {  	v0 =	vadd.f32 v1, v0;
	v1 =	vld [tilespmem:s20+$0x0]  }
0xf1: {  	v6 =	vld [tilespmem:s20+$0xFFFFFF00]  }
0xf2: {  	v0 =	vmax.f32 v0, $0.0e+00  }
0xf3: {  	v3 =	vadd.f32 v4, v3;
	[tilespmem:s20+$0x80] =	vst v0;
	v0 =	vld [tilespmem:s20+$0x90]  }
0xf4: {  	v7 =	vld [tilespmem:s10+$0x90]  }
0xf5: {  	v8 =	vld [tilespmem:s20+$0xFFFFFF90];
	v3 =	vmax.f32 v3, $0.0e+00;
	v1 =	vadd.f32 v5, v1  }
0xf6: {  	v4 =	vld [tilespmem:s20+$0xFFFFFF10];
	v2 =	vadd.f32 v2, v6;
	[tilespmem:s20+$0xFFFFFF80] =	vst v3  }
0xf7: {  	v5 =	vld [tilespmem:s10+$0xFFFFFF90];
	v1 =	vmax.f32 v1, $0.0e+00  }
0xf8: {  	v2 =	vmax.f32 v2, $0.0e+00;
	v3 =	vld [tilespmem:s20+$0x10];
	[tilespmem:s20+$0x0] =	vst v1  }
0xf9: {  	[tilespmem:s20+$0xFFFFFF00] =	vst v2;
	v0 =	vadd.f32 v7, v0;
	v1 =	vld [tilespmem:s10+$0x10]  }
0xfa: {  	v2 =	vld [tilespmem:s10+$0xFFFFFF10]  }
0xfb: {  	v0 =	vmax.f32 v0, $0.0e+00  }
0xfc: {  	v5 =	vadd.f32 v5, v8;
	[tilespmem:s20+$0x90] =	vst v0;
	v0 =	vld [tilespmem:s20+$0xA0]  }
0xfd: {  	v7 =	vld [tilespmem:s10+$0xA0]  }
0xfe: {  	v6 =	vld [tilespmem:s20+$0xFFFFFF20];
	v5 =	vmax.f32 v5, $0.0e+00;
	v1 =	vadd.f32 v1, v3  }
0xff: {  	v2 =	vadd.f32 v2, v4;
	v8 =	vld [tilespmem:s20+$0xFFFFFFA0];
	[tilespmem:s20+$0xFFFFFF90] =	vst v5  }
0x100: {  	v4 =	vld [tilespmem:s10+$0xFFFFFFA0];
	v1 =	vmax.f32 v1, $0.0e+00  }
0x101: {  	v2 =	vmax.f32 v2, $0.0e+00;
	v3 =	vld [tilespmem:s20+$0x20];
	[tilespmem:s20+$0x10] =	vst v1  }
0x102: {  	[tilespmem:s20+$0xFFFFFF10] =	vst v2;
	v0 =	vadd.f32 v7, v0;
	v1 =	vld [tilespmem:s10+$0x20]  }
0x103: {  	v2 =	vld [tilespmem:s10+$0xFFFFFF20]  }
0x104: {  	v0 =	vmax.f32 v0, $0.0e+00  }
0x105: {  	v4 =	vadd.f32 v4, v8;
	[tilespmem:s20+$0xA0] =	vst v0;
	v0 =	vld [tilespmem:s20+$0xB0]  }
0x106: {  	v7 =	vld [tilespmem:s10+$0xB0]  }
0x107: {  	v9 =	vld [tilespmem:s20+$0x30];
	v4 =	vmax.f32 v4, $0.0e+00;
	v1 =	vadd.f32 v1, v3  }
0x108: {  	v2 =	vadd.f32 v2, v6;
	v8 =	vld [tilespmem:s20+$0xFFFFFFB0];
	[tilespmem:s20+$0xFFFFFFA0] =	vst v4  }
0x109: {  	v3 =	vld [tilespmem:s10+$0xFFFFFFB0];
	v1 =	vmax.f32 v1, $0.0e+00  }
0x10a: {  	v5 =	vld [tilespmem:s20+$0xFFFFFF30];
	[tilespmem:s20+$0x20] =	vst v1;
	v1 =	vmax.f32 v2, $0.0e+00  }
0x10b: {  	v0 =	vadd.f32 v7, v0;
	[tilespmem:s20+$0xFFFFFF20] =	vst v1;
	v1 =	vld [tilespmem:s10+$0x30]  }
0x10c: {  	v6 =	vld [tilespmem:s10+$0xFFFFFF30]  }
0x10d: {  	v10 =	vld [tilespmem:s20+$0xFFFFFF40];
	v0 =	vmax.f32 v0, $0.0e+00  }
0x10e: {  	v3 =	vadd.f32 v3, v8;
	[tilespmem:s20+$0xB0] =	vst v0;
	v0 =	vld [tilespmem:s20+$0xC0]  }
0x10f: {  	v7 =	vld [tilespmem:s10+$0xC0]  }
0x110: {  	v11 =	vld [tilespmem:s20+$0xFFFFFFD0];
	v3 =	vmax.f32 v3, $0.0e+00;
	v1 =	vadd.f32 v1, v9  }
0x111: {  	v4 =	vld [tilespmem:s20+$0xFFFFFFC0];
	[tilespmem:s20+$0xFFFFFFB0] =	vst v3;
	v5 =	vadd.f32 v6, v5  }
0x112: {  	v6 =	vld [tilespmem:s10+$0xFFFFFFC0];
	v1 =	vmax.f32 v1, $0.0e+00  }
0x113: {  	v2 =	vld [tilespmem:s20+$0x40];
	[tilespmem:s20+$0x30] =	vst v1;
	v1 =	vmax.f32 v5, $0.0e+00  }
0x114: {  	v0 =	vadd.f32 v7, v0;
	v5 =	vld [tilespmem:s10+$0x40];
	[tilespmem:s20+$0xFFFFFF30] =	vst v1  }
0x115: {  	v1 =	vld [tilespmem:s10+$0xFFFFFF40]  }
0x116: {  	v8 =	vld [tilespmem:s20+$0xFFFFFF50];
	v0 =	vmax.f32 v0, $0.0e+00  }
0x117: {  	[tilespmem:s20+$0xC0] =	vst v0;
	v0 =	vadd.f32 v6, v4;
	v6 =	vld [tilespmem:s20+$0xD0]  }
0x118: {  	v7 =	vld [tilespmem:s10+$0xD0]  }
0x119: {  	v3 =	vld [tilespmem:s20+$0xFFFFFF60];
	v0 =	vmax.f32 v0, $0.0e+00;
	v2 =	vadd.f32 v5, v2  }
0x11a: {  	v9 =	vld [tilespmem:s20+$0x50];
	[tilespmem:s20+$0xFFFFFFC0] =	vst v0;
	v0 =	vadd.f32 v1, v10  }
0x11b: {  	v1 =	vld [tilespmem:s10+$0xFFFFFFD0];
	v2 =	vmax.f32 v2, $0.0e+00  }
0x11c: {  	v4 =	vld [tilespmem:s20+$0xFFFFFFE0];
	[tilespmem:s20+$0x40] =	vst v2;
	v0 =	vmax.f32 v0, $0.0e+00  }
0x11d: {  	v2 =	vld [tilespmem:s10+$0x50];
	v6 =	vadd.f32 v7, v6;
	[tilespmem:s20+$0xFFFFFF40] =	vst v0  }
0x11e: {  	v0 =	vld [tilespmem:s10+$0xFFFFFF50]  }
0x11f: {  	v5 =	vld [tilespmem:s20+$0x60];
	v6 =	vmax.f32 v6, $0.0e+00  }
0x120: {  	v1 =	vadd.f32 v1, v11;
	[tilespmem:s20+$0xD0] =	vst v6;
	v6 =	vld [tilespmem:s20+$0xE0]  }
0x121: {  	v10 =	vld [tilespmem:s10+$0xE0]  }
0x122: {  	v1 =	vmax.f32 v1, $0.0e+00;
	v7 =	vadd.f32 v2, v9;
	v2 =	vld [tilespmem:s20+$0xFFFFFF70]  }
0x123: {  	[tilespmem:s20+$0xFFFFFFD0] =	vst v1;
	v0 =	vadd.f32 v0, v8;
	v1 =	vld [tilespmem:s20+$0xFFFFFFF0]  }
0x124: {  	v8 =	vmax.f32 v7, $0.0e+00;
	v7 =	vld [tilespmem:s10+$0xFFFFFFE0]  }
0x125: {  	[tilespmem:s20+$0x50] =	vst v8;
	v8 =	vmax.f32 v0, $0.0e+00;
	v0 =	vld [tilespmem:s20+$0x70]  }
0x126: {  	[tilespmem:s20+$0xFFFFFF50] =	vst v8;
	v8 =	vld [tilespmem:s10+$0x60];
	v6 =	vadd.f32 v10, v6  }
0x127: {  	v9 =	vld [tilespmem:s10+$0xFFFFFF60]  }
0x128: {  	s23 =	simm.s32 $0x0;
	s21 =	simm.s32 $0x15B80;
	s17 =	simm.s32 $0x19980;
	v10 =	vmax.f32 v6, $0.0e+00;
	v6 =	vld [tilespmem:s20+$0xF0]  }
.LBB2_5:
0x129: {  	v11 =	vld [tilespmem:s21+$0x80];
	v4 =	vadd.f32 v7, v4;
	[tilespmem:s20+$0xE0] =	vst v10  }
0x12a: {  	s17 =	sadd.s32 $0x200, s17;
	v7 =	vld [tilespmem:s10+$0xF0]  }
0x12b: {  	s23 =	sadd.s32 $0x4, s23;
	v10 =	vld [tilespmem:s17+$0x80];
	v4 =	vmax.f32 v4, $0.0e+00;
	v5 =	vadd.f32 v8, v5  }
0x12c: {  	p2 =	slt.u32 s23, $0x3C;
	v8 =	vld [tilespmem:s17+$0xFFFFFF00];
	v3 =	vadd.f32 v9, v3;
	[tilespmem:s20+$0xFFFFFFE0] =	vst v4  }
0x12d: {  	v4 =	vld [tilespmem:s21+$0xFFFFFF80];
	v5 =	vmax.f32 v5, $0.0e+00  }
0x12e: {  	v9 =	vld [tilespmem:s17+$0xFFFFFF80];
	v3 =	vmax.f32 v3, $0.0e+00;
	[tilespmem:s20+$0x60] =	vst v5  }
0x12f: {  	v5 =	vld [tilespmem:s21+$0x0];
	[tilespmem:s20+$0xFFFFFF60] =	vst v3;
	v3 =	vadd.f32 v7, v6  }
0x130: {  	v6 =	vld [tilespmem:s17+$0x0];
	v7 =	vadd.f32 v10, v11  }
0x131: {  	v10 =	vld [tilespmem:s21+$0xFFFFFF00];
	v3 =	vmax.f32 v3, $0.0e+00  }
0x132: {  	v11 =	vld [tilespmem:s21+$0xFFFFFF10];
	v7 =	vmax.f32 v7, $0.0e+00;
	[tilespmem:s20+$0xF0] =	vst v3  }
0x133: {  	v3 =	vadd.f32 v9, v4;
	[tilespmem:s21+$0x80] =	vst v7;
	v4 =	vld [tilespmem:s21+$0x90]  }
0x134: {  	v7 =	vld [tilespmem:s17+$0x90]  }
0x135: {  	v3 =	vmax.f32 v3, $0.0e+00;
	v9 =	vld [tilespmem:s21+$0xFFFFFF90];
	v5 =	vadd.f32 v6, v5  }
0x136: {  	v6 =	vadd.f32 v8, v10;
	[tilespmem:s21+$0xFFFFFF80] =	vst v3;
	v3 =	vld [tilespmem:s21+$0x10]  }
0x137: {  	v8 =	vld [tilespmem:s17+$0xFFFFFF90];
	v5 =	vmax.f32 v5, $0.0e+00  }
0x138: {  	v6 =	vmax.f32 v6, $0.0e+00;
	v10 =	vld [tilespmem:s21+$0xFFFFFF20];
	[tilespmem:s21+$0x0] =	vst v5  }
0x139: {  	[tilespmem:s21+$0xFFFFFF00] =	vst v6;
	v5 =	vld [tilespmem:s17+$0x10];
	v4 =	vadd.f32 v7, v4  }
0x13a: {  	v6 =	vld [tilespmem:s17+$0xFFFFFF10]  }
0x13b: {  	v7 =	vld [tilespmem:s21+$0xFFFFFFA0];
	v4 =	vmax.f32 v4, $0.0e+00  }
0x13c: {  	v8 =	vadd.f32 v8, v9;
	[tilespmem:s21+$0x90] =	vst v4;
	v4 =	vld [tilespmem:s21+$0xA0]  }
0x13d: {  	v9 =	vld [tilespmem:s17+$0xA0]  }
0x13e: {  	v8 =	vmax.f32 v8, $0.0e+00;
	v3 =	vadd.f32 v5, v3;
	v5 =	vld [tilespmem:s21+$0x20]  }
0x13f: {  	v6 =	vadd.f32 v6, v11;
	v11 =	vld [tilespmem:s21+$0xFFFFFF30];
	[tilespmem:s21+$0xFFFFFF90] =	vst v8  }
0x140: {  	v8 =	vld [tilespmem:s17+$0xFFFFFFA0];
	v3 =	vmax.f32 v3, $0.0e+00  }
0x141: {  	v6 =	vmax.f32 v6, $0.0e+00;
	v12 =	vld [tilespmem:s21+$0xFFFFFFB0];
	[tilespmem:s21+$0x10] =	vst v3  }
0x142: {  	[tilespmem:s21+$0xFFFFFF10] =	vst v6;
	v3 =	vld [tilespmem:s17+$0x20];
	v4 =	vadd.f32 v9, v4  }
0x143: {  	v6 =	vld [tilespmem:s17+$0xFFFFFF20]  }
0x144: {  	v9 =	vld [tilespmem:s21+$0x30];
	v4 =	vmax.f32 v4, $0.0e+00  }
0x145: {  	v7 =	vadd.f32 v8, v7;
	[tilespmem:s21+$0xA0] =	vst v4;
	v4 =	vld [tilespmem:s21+$0xB0]  }
0x146: {  	v8 =	vld [tilespmem:s17+$0xB0]  }
0x147: {  	v13 =	vld [tilespmem:s21+$0xFFFFFF40];
	v7 =	vmax.f32 v7, $0.0e+00;
	v3 =	vadd.f32 v3, v5  }
0x148: {  	v5 =	vadd.f32 v6, v10;
	[tilespmem:s21+$0xFFFFFFA0] =	vst v7;
	v6 =	vld [tilespmem:s21+$0xFFFFFFC0]  }
0x149: {  	v7 =	vld [tilespmem:s17+$0xFFFFFFB0];
	v3 =	vmax.f32 v3, $0.0e+00  }
0x14a: {  	v5 =	vmax.f32 v5, $0.0e+00;
	[tilespmem:s21+$0x20] =	vst v3;
	v10 =	vld [tilespmem:s21+$0x40]  }
0x14b: {  	[tilespmem:s21+$0xFFFFFF20] =	vst v5;
	v3 =	vld [tilespmem:s17+$0x30];
	v4 =	vadd.f32 v8, v4  }
0x14c: {  	v5 =	vld [tilespmem:s17+$0xFFFFFF30]  }
0x14d: {  	v8 =	vld [tilespmem:s21+$0xFFFFFF50];
	v4 =	vmax.f32 v4, $0.0e+00  }
0x14e: {  	v7 =	vadd.f32 v7, v12;
	[tilespmem:s21+$0xB0] =	vst v4;
	v4 =	vld [tilespmem:s21+$0xC0]  }
0x14f: {  	v12 =	vld [tilespmem:s17+$0xC0]  }
0x150: {  	v7 =	vmax.f32 v7, $0.0e+00;
	v14 =	vld [tilespmem:s21+$0xFFFFFFD0];
	v3 =	vadd.f32 v3, v9  }
0x151: {  	v5 =	vadd.f32 v5, v11;
	[tilespmem:s21+$0xFFFFFFB0] =	vst v7;
	v7 =	vld [tilespmem:s21+$0x50]  }
0x152: {  	v9 =	vld [tilespmem:s17+$0xFFFFFFC0];
	v11 =	vmax.f32 v3, $0.0e+00  }
0x153: {  	v5 =	vmax.f32 v5, $0.0e+00;
	v3 =	vld [tilespmem:s21+$0xFFFFFF60];
	[tilespmem:s21+$0x30] =	vst v11  }
0x154: {  	[tilespmem:s21+$0xFFFFFF30] =	vst v5;
	v5 =	vld [tilespmem:s17+$0x40];
	v11 =	vadd.f32 v12, v4  }
0x155: {  	v12 =	vld [tilespmem:s17+$0xFFFFFF40]  }
0x156: {  	v4 =	vld [tilespmem:s21+$0xFFFFFFE0];
	v11 =	vmax.f32 v11, $0.0e+00  }
0x157: {  	v6 =	vadd.f32 v9, v6;
	[tilespmem:s21+$0xC0] =	vst v11;
	v9 =	vld [tilespmem:s21+$0xD0]  }
0x158: {  	v11 =	vld [tilespmem:s17+$0xD0]  }
0x159: {  	v6 =	vmax.f32 v6, $0.0e+00;
	v10 =	vadd.f32 v5, v10;
	v5 =	vld [tilespmem:s21+$0x60]  }
0x15a: {  	v12 =	vadd.f32 v12, v13;
	[tilespmem:s21+$0xFFFFFFC0] =	vst v6;
	v6 =	vld [tilespmem:s10+$0xFFFFFF70]  }
0x15b: {  	v13 =	vld [tilespmem:s17+$0xFFFFFFD0];
	v10 =	vmax.f32 v10, $0.0e+00  }
0x15c: {  	v12 =	vmax.f32 v12, $0.0e+00;
	[tilespmem:s21+$0x40] =	vst v10;
	v10 =	vld [tilespmem:s10+$0xFFFFFFF0]  }
0x15d: {  	[tilespmem:s21+$0xFFFFFF40] =	vst v12;
	v12 =	vld [tilespmem:s17+$0x50];
	v9 =	vadd.f32 v11, v9  }
0x15e: {  	v11 =	vld [tilespmem:s17+$0xFFFFFF50]  }
0x15f: {  	v9 =	vmax.f32 v9, $0.0e+00;
	v2 =	vadd.f32 v6, v2;
	v6 =	vld [tilespmem:s10+$0x70];
	s10 =	smov.u32 s17  }
0x160: {  	v13 =	vadd.f32 v13, v14;
	[tilespmem:s21+$0xD0] =	vst v9;
	v9 =	vld [tilespmem:s21+$0xE0]  }
0x161: {  	v14 =	vld [tilespmem:s17+$0xE0];
	v15 =	vmax.f32 v2, $0.0e+00;
	v10 =	vadd.f32 v10, v1  }
0x162: {  	v2 =	vld [tilespmem:s21+$0xFFFFFF70];
	v1 =	vmax.f32 v13, $0.0e+00;
	v12 =	vadd.f32 v12, v7;
	[tilespmem:s20+$0xFFFFFF70] =	vst v15  }
0x163: {  	v8 =	vadd.f32 v11, v8;
	[tilespmem:s21+$0xFFFFFFD0] =	vst v1;
	v1 =	vld [tilespmem:s21+$0xFFFFFFF0];
	v10 =	vmax.f32 v10, $0.0e+00  }
.Ltmp1:
0x164: {  	v7 =	vld [tilespmem:s17+$0xFFFFFFE0];
	v11 =	vmax.f32 v12, $0.0e+00;
	[tilespmem:s20+$0xFFFFFFF0] =	vst v10;
	v6 =	vadd.f32 v6, v0;
	(pc) =	sbr.rel @p2 .LBB2_5-.Ltmp1, $4  }
0x165: {  	v8 =	vmax.f32 v8, $0.0e+00;
	[tilespmem:s21+$0x50] =	vst v11;
	v0 =	vld [tilespmem:s21+$0x70]  }
0x166: {  	[tilespmem:s21+$0xFFFFFF50] =	vst v8;
	v8 =	vld [tilespmem:s17+$0x60];
	v10 =	vadd.f32 v14, v9;
	v6 =	vmax.f32 v6, $0.0e+00  }
0x167: {  	v9 =	vld [tilespmem:s17+$0xFFFFFF60];
	[tilespmem:s20+$0x70] =	vst v6;
	s20 =	smov.u32 s21  }
0x168: {  	s21 =	sadd.s32 $0x200, s21;
	v10 =	vmax.f32 v10, $0.0e+00;
	v6 =	vld [tilespmem:s20+$0xF0]  }
0x169: {  	_ = 	snop  }
0x16a: {  	v4 =	vadd.f32 v7, v4  }
0x16b: {  	v5 =	vadd.f32 v8, v5  }
0x16c: {  	[tilespmem:s20+$0xE0] =	vst v10;
	v4 =	vmax.f32 v4, $0.0e+00;
	v3 =	vadd.f32 v9, v3  }
0x16d: {  	v58 =	vld [tilespmem:s10+$0xF0];
	[tilespmem:s20+$0xFFFFFFE0] =	vst v4;
	v59 =	vmax.f32 v5, $0.0e+00  }
0x16e: {  	v61 =	vld [tilespmem:s10+$0xFFFFFFF0];
	v3 =	vmax.f32 v3, $0.0e+00;
	[tilespmem:s20+$0x60] =	vst v59  }
0x16f: {  	[tilespmem:s20+$0xFFFFFF60] =	vst v3;
	v62 =	vld [tilespmem:s10+$0x70]  }
0x170: {  	v60 =	vld [tilespmem:s10+$0xFFFFFF70];
	_ =	sdelay $0x1  }
0x171: {  	v6 =	vadd.f32 v58, v6  }
0x172: {  	v1 =	vadd.f32 v61, v1  }
0x173: {  	v63 =	vmax.f32 v6, $0.0e+00;
	v0 =	vadd.f32 v62, v0  }
0x174: {  	[tilespmem:s20+$0xF0] =	vst v63;
	v1 =	vmax.f32 v1, $0.0e+00;
	v2 =	vadd.f32 v60, v2  }
0x175: {  	[tilespmem:s20+$0xFFFFFFF0] =	vst v1;
	v0 =	vmax.f32 v0, $0.0e+00  }
0x176: {  	v2 =	vmax.f32 v2, $0.0e+00;
	[tilespmem:s20+$0x70] =	vst v0  }
.Ltmp2:
0x177: {  	[tilespmem:s20+$0xFFFFFF70] =	vst v2;
	(pc) =	sbr.rel @p1 .LBB2_8-.Ltmp2, $4  }
0x178: {  	[spmem:s2] =	stream.indirect.scatter.add.f32 [tilespmem:s0], [sflag:$0x6], $0x80, s9, s30, $0xb8;
	[tilespmem:$0x1CB80] =	vst v63  }
0x179: {  	_ =	swait.ge [sflag:s14], $0x2000  }
0x17a: {  	[sflag:s14] =	ssyncset.done $0x0  }
0x17b: {  	[sflag:s14] =	ssyncadd.s32 $0xFFFFE000  }
0x17c: {  	_ =	swait.ge [sflag:s29], $0x2000  }
0x17d: {  	[sflag:s29] =	ssyncset.done $0x0  }
0x17e: {  	[sflag:s29] =	ssyncadd.s32 $0xFFFFE000  }
0x17f: {  	_ =	swait.ge [sflag:s29], $0x40  }
0x180: {  	[sflag:s29] =	ssyncset.done $0x0  }
0x181: {  	s10 =	sshll.u32 s24, $0x7;
	[sflag:s29] =	ssyncadd.s32 $0xFFFFFFC0  }
0x182: {  	s10 =	sadd.s32 s10, s19;
	_ =	swait.ge [sflag:s29], $0x40  }
0x183: {  	s17 =	sadd.s32 s6, s10;
	[sflag:s29] =	ssyncset.done $0x0  }
0x184: {  	s20 =	sshll.u32 s17, $0x4;
	[sflag:s29] =	ssyncadd.s32 $0xFFFFFFC0  }
0x185: {  	[tilespmem:s31], [sflag:$0x3] =	stream.indirect.gather [hbm4b:s4+s30], $0x80, s26, s30, $0xb8;
	[tilespmem:$0x1CB80] =	vst v63  }
0x186: {  	s20 =	sadd.s32 s5, s20  }
0x187: {  	[tilespmem:s0], [sflag:$0x2] =	stream.linear.gather [hbm4b:s20+s3], $0x2000, $0x38;
	[tilespmem:$0x1CB80] =	vst v63  }
.Ltmp3:
0x188: {  	s17 =	sshrl.u32 s17, $0x3;
	(pc) =	sbr.rel .LBB2_2-.Ltmp3, $4  }
0x189: {  	s10 =	sshrl.u32 s10, $0x3;
	s17 =	sadd.s32 s7, s17  }
0x18a: {  	[tilespmem:s1], [sflag:$0x2] =	stream.linear.gather [hbm4b:s17+s3], $0x40, $0x38;
	[tilespmem:$0x1CB80] =	vst v63  }
0x18b: {  	s24 =	sadd.s32 $0x1, s24;
	s10 =	sadd.s32 s8, s10  }
0x18c: {  	[tilespmem:s9], [sflag:$0x2] =	stream.linear.gather [hbm4b:s10+s3], $0x40, $0x38;
	[tilespmem:$0x1CB80] =	vst v63  }
.LBB2_8:
0x18d: {  	s10 =	rddreg [dreg:$0xc];
	s24 =	simm.s32 $0x1BA80  }
0x18e: {  	[tilespmem:s24], [sflag:$0x6] =	stream.linear.gather [hbm4b:s10+s3], $0x800, $0x38;
	[tilespmem:$0x1CB80] =	vst v63  }
0x18f: {  	_ =	swait.ge [sflag:s14], $0x800  }
0x190: {  	[sflag:s14] =	ssyncset.done $0x0  }
0x191: {  	s17 =	simm.s32 $0x1CA80;
	s21 =	rddreg [dreg:$0xd];
	[sflag:s14] =	ssyncadd.s32 $0xFFFFF800  }
0x192: {  	[tilespmem:s17], [sflag:$0x6] =	stream.linear.gather [hbm4b:s21+s3], $0x10, $0x38;
	[tilespmem:$0x1CB80] =	vst v63  }
0x193: {  	_ =	swait.ge [sflag:s14], $0x10  }
0x194: {  	[sflag:s14] =	ssyncset.done $0x0  }
0x195: {  	s20 =	simm.s32 $0x1CB00;
	s23 =	rddreg [dreg:$0xe];
	[sflag:s14] =	ssyncadd.s32 $0xFFFFFFF0  }
0x196: {  	[tilespmem:s20], [sflag:$0x6] =	stream.linear.gather [hbm4b:s23+s3], $0x10, $0x38;
	[tilespmem:$0x1CB80] =	vst v63  }
0x197: {  	_ =	swait.ge [sflag:s14], $0x10  }
0x198: {  	s21 =	simm.s32 $0x1C280;
	[sflag:s14] =	ssyncset.done $0x0  }
0x199: {  	s20 =	simm.s32 $0x10;
	s23 =	simm.s32 $0x5;
	[sflag:s14] =	ssyncadd.s32 $0xFFFFFFF0  }
0x19a: {  	[tilespmem:s21], [sflag:$0x5] =	stream.indirect.gather [hbm4b:s4+s20], $0x80, s17, s20, $0xb8;
	[tilespmem:$0x1CB80] =	vst v63  }
0x19b: {  	_ =	swait.ge [sflag:s23], $0x800  }
0x19c: {  	[sflag:s23] =	ssyncset.done $0x0  }
0x19d: {  	s20 =	simm.s32 $0x1BB80;
	[sflag:s23] =	ssyncadd.s32 $0xFFFFF800  }
0x19e: {  	s10 =	simm.s32 $0x1C380;
	v0 =	vld [tilespmem:s20+$0x80]  }
0x19f: {  	v1 =	vld [tilespmem:s10+$0x80]  }
0x1a0: {  	v2 =	vld [tilespmem:s10+$0xFFFFFF00]  }
0x1a1: {  	v3 =	vld [tilespmem:s20+$0xFFFFFF80]  }
0x1a2: {  	v4 =	vld [tilespmem:s10+$0xFFFFFF80]  }
0x1a3: {  	v5 =	vld [tilespmem:s10+$0x0]  }
0x1a4: {  	v0 =	vadd.f32 v1, v0;
	v1 =	vld [tilespmem:s20+$0x0]  }
0x1a5: {  	v6 =	vld [tilespmem:s20+$0xFFFFFF00]  }
0x1a6: {  	v0 =	vmax.f32 v0, $0.0e+00  }
0x1a7: {  	v3 =	vadd.f32 v4, v3;
	[tilespmem:s20+$0x80] =	vst v0;
	v0 =	vld [tilespmem:s20+$0x90]  }
0x1a8: {  	v7 =	vld [tilespmem:s10+$0x90]  }
0x1a9: {  	v8 =	vld [tilespmem:s20+$0xFFFFFF90];
	v3 =	vmax.f32 v3, $0.0e+00;
	v1 =	vadd.f32 v5, v1  }
0x1aa: {  	v4 =	vld [tilespmem:s20+$0xFFFFFF10];
	v2 =	vadd.f32 v2, v6;
	[tilespmem:s20+$0xFFFFFF80] =	vst v3  }
0x1ab: {  	v5 =	vld [tilespmem:s10+$0xFFFFFF90];
	v1 =	vmax.f32 v1, $0.0e+00  }
0x1ac: {  	v2 =	vmax.f32 v2, $0.0e+00;
	v3 =	vld [tilespmem:s20+$0x10];
	[tilespmem:s20+$0x0] =	vst v1  }
0x1ad: {  	[tilespmem:s20+$0xFFFFFF00] =	vst v2;
	v0 =	vadd.f32 v7, v0;
	v1 =	vld [tilespmem:s10+$0x10]  }
0x1ae: {  	v2 =	vld [tilespmem:s10+$0xFFFFFF10]  }
0x1af: {  	v0 =	vmax.f32 v0, $0.0e+00  }
0x1b0: {  	v5 =	vadd.f32 v5, v8;
	[tilespmem:s20+$0x90] =	vst v0;
	v0 =	vld [tilespmem:s20+$0xA0]  }
0x1b1: {  	v7 =	vld [tilespmem:s10+$0xA0]  }
0x1b2: {  	v6 =	vld [tilespmem:s20+$0xFFFFFF20];
	v5 =	vmax.f32 v5, $0.0e+00;
	v1 =	vadd.f32 v1, v3  }
0x1b3: {  	v2 =	vadd.f32 v2, v4;
	v8 =	vld [tilespmem:s20+$0xFFFFFFA0];
	[tilespmem:s20+$0xFFFFFF90] =	vst v5  }
0x1b4: {  	v4 =	vld [tilespmem:s10+$0xFFFFFFA0];
	v1 =	vmax.f32 v1, $0.0e+00  }
0x1b5: {  	v2 =	vmax.f32 v2, $0.0e+00;
	v3 =	vld [tilespmem:s20+$0x20];
	[tilespmem:s20+$0x10] =	vst v1  }
0x1b6: {  	[tilespmem:s20+$0xFFFFFF10] =	vst v2;
	v0 =	vadd.f32 v7, v0;
	v1 =	vld [tilespmem:s10+$0x20]  }
0x1b7: {  	v2 =	vld [tilespmem:s10+$0xFFFFFF20]  }
0x1b8: {  	v0 =	vmax.f32 v0, $0.0e+00  }
0x1b9: {  	v4 =	vadd.f32 v4, v8;
	[tilespmem:s20+$0xA0] =	vst v0;
	v0 =	vld [tilespmem:s20+$0xB0]  }
0x1ba: {  	v7 =	vld [tilespmem:s10+$0xB0]  }
0x1bb: {  	v9 =	vld [tilespmem:s20+$0x30];
	v4 =	vmax.f32 v4, $0.0e+00;
	v1 =	vadd.f32 v1, v3  }
0x1bc: {  	v2 =	vadd.f32 v2, v6;
	v8 =	vld [tilespmem:s20+$0xFFFFFFB0];
	[tilespmem:s20+$0xFFFFFFA0] =	vst v4  }
0x1bd: {  	v3 =	vld [tilespmem:s10+$0xFFFFFFB0];
	v1 =	vmax.f32 v1, $0.0e+00  }
0x1be: {  	v5 =	vld [tilespmem:s20+$0xFFFFFF30];
	[tilespmem:s20+$0x20] =	vst v1;
	v1 =	vmax.f32 v2, $0.0e+00  }
0x1bf: {  	v0 =	vadd.f32 v7, v0;
	[tilespmem:s20+$0xFFFFFF20] =	vst v1;
	v1 =	vld [tilespmem:s10+$0x30]  }
0x1c0: {  	v6 =	vld [tilespmem:s10+$0xFFFFFF30]  }
0x1c1: {  	v10 =	vld [tilespmem:s20+$0xFFFFFF40];
	v0 =	vmax.f32 v0, $0.0e+00  }
0x1c2: {  	v3 =	vadd.f32 v3, v8;
	[tilespmem:s20+$0xB0] =	vst v0;
	v0 =	vld [tilespmem:s20+$0xC0]  }
0x1c3: {  	v7 =	vld [tilespmem:s10+$0xC0]  }
0x1c4: {  	v11 =	vld [tilespmem:s20+$0xFFFFFFD0];
	v3 =	vmax.f32 v3, $0.0e+00;
	v1 =	vadd.f32 v1, v9  }
0x1c5: {  	v4 =	vld [tilespmem:s20+$0xFFFFFFC0];
	[tilespmem:s20+$0xFFFFFFB0] =	vst v3;
	v5 =	vadd.f32 v6, v5  }
0x1c6: {  	v6 =	vld [tilespmem:s10+$0xFFFFFFC0];
	v1 =	vmax.f32 v1, $0.0e+00  }
0x1c7: {  	v2 =	vld [tilespmem:s20+$0x40];
	[tilespmem:s20+$0x30] =	vst v1;
	v1 =	vmax.f32 v5, $0.0e+00  }
0x1c8: {  	v0 =	vadd.f32 v7, v0;
	v5 =	vld [tilespmem:s10+$0x40];
	[tilespmem:s20+$0xFFFFFF30] =	vst v1  }
0x1c9: {  	v1 =	vld [tilespmem:s10+$0xFFFFFF40]  }
0x1ca: {  	v8 =	vld [tilespmem:s20+$0xFFFFFF50];
	v0 =	vmax.f32 v0, $0.0e+00  }
0x1cb: {  	[tilespmem:s20+$0xC0] =	vst v0;
	v0 =	vadd.f32 v6, v4;
	v6 =	vld [tilespmem:s20+$0xD0]  }
0x1cc: {  	v7 =	vld [tilespmem:s10+$0xD0]  }
0x1cd: {  	v3 =	vld [tilespmem:s20+$0xFFFFFF60];
	v0 =	vmax.f32 v0, $0.0e+00;
	v2 =	vadd.f32 v5, v2  }
0x1ce: {  	v9 =	vld [tilespmem:s20+$0x50];
	[tilespmem:s20+$0xFFFFFFC0] =	vst v0;
	v0 =	vadd.f32 v1, v10  }
0x1cf: {  	v1 =	vld [tilespmem:s10+$0xFFFFFFD0];
	v2 =	vmax.f32 v2, $0.0e+00  }
0x1d0: {  	v4 =	vld [tilespmem:s20+$0xFFFFFFE0];
	[tilespmem:s20+$0x40] =	vst v2;
	v0 =	vmax.f32 v0, $0.0e+00  }
0x1d1: {  	v2 =	vld [tilespmem:s10+$0x50];
	v6 =	vadd.f32 v7, v6;
	[tilespmem:s20+$0xFFFFFF40] =	vst v0  }
0x1d2: {  	v0 =	vld [tilespmem:s10+$0xFFFFFF50]  }
0x1d3: {  	v5 =	vld [tilespmem:s20+$0x60];
	v6 =	vmax.f32 v6, $0.0e+00  }
0x1d4: {  	v1 =	vadd.f32 v1, v11;
	[tilespmem:s20+$0xD0] =	vst v6;
	v6 =	vld [tilespmem:s20+$0xE0]  }
0x1d5: {  	v10 =	vld [tilespmem:s10+$0xE0]  }
0x1d6: {  	v1 =	vmax.f32 v1, $0.0e+00;
	v7 =	vadd.f32 v2, v9;
	v2 =	vld [tilespmem:s20+$0xFFFFFF70]  }
0x1d7: {  	[tilespmem:s20+$0xFFFFFFD0] =	vst v1;
	v0 =	vadd.f32 v0, v8;
	v1 =	vld [tilespmem:s20+$0xFFFFFFF0]  }
0x1d8: {  	v8 =	vmax.f32 v7, $0.0e+00;
	v7 =	vld [tilespmem:s10+$0xFFFFFFE0]  }
0x1d9: {  	[tilespmem:s20+$0x50] =	vst v8;
	v8 =	vmax.f32 v0, $0.0e+00;
	v0 =	vld [tilespmem:s20+$0x70]  }
0x1da: {  	[tilespmem:s20+$0xFFFFFF50] =	vst v8;
	v8 =	vld [tilespmem:s10+$0x60];
	v6 =	vadd.f32 v10, v6  }
0x1db: {  	v9 =	vld [tilespmem:s10+$0xFFFFFF60]  }
0x1dc: {  	s21 =	simm.s32 $0x1BD80;
	s17 =	simm.s32 $0x1C380;
	s23 =	simm.s32 $0x0;
	v10 =	vmax.f32 v6, $0.0e+00;
	v6 =	vld [tilespmem:s20+$0xF0]  }
.LBB2_9:
0x1dd: {  	v11 =	vld [tilespmem:s21+$0x80];
	v4 =	vadd.f32 v7, v4;
	[tilespmem:s20+$0xE0] =	vst v10  }
0x1de: {  	s17 =	sadd.s32 $0x200, s17;
	v7 =	vld [tilespmem:s10+$0xF0]  }
0x1df: {  	s23 =	sadd.s32 $0x4, s23;
	v10 =	vld [tilespmem:s17+$0x80];
	v4 =	vmax.f32 v4, $0.0e+00;
	v5 =	vadd.f32 v8, v5  }
0x1e0: {  	p1 =	slt.u32 s23, $0xC;
	v8 =	vld [tilespmem:s17+$0xFFFFFF00];
	v3 =	vadd.f32 v9, v3;
	[tilespmem:s20+$0xFFFFFFE0] =	vst v4  }
0x1e1: {  	v4 =	vld [tilespmem:s21+$0xFFFFFF80];
	v5 =	vmax.f32 v5, $0.0e+00  }
0x1e2: {  	v9 =	vld [tilespmem:s17+$0xFFFFFF80];
	v3 =	vmax.f32 v3, $0.0e+00;
	[tilespmem:s20+$0x60] =	vst v5  }
0x1e3: {  	v5 =	vld [tilespmem:s21+$0x0];
	[tilespmem:s20+$0xFFFFFF60] =	vst v3;
	v3 =	vadd.f32 v7, v6  }
0x1e4: {  	v6 =	vld [tilespmem:s17+$0x0];
	v7 =	vadd.f32 v10, v11  }
0x1e5: {  	v10 =	vld [tilespmem:s21+$0xFFFFFF00];
	v3 =	vmax.f32 v3, $0.0e+00  }
0x1e6: {  	v11 =	vld [tilespmem:s21+$0xFFFFFF10];
	v7 =	vmax.f32 v7, $0.0e+00;
	[tilespmem:s20+$0xF0] =	vst v3  }
0x1e7: {  	v3 =	vadd.f32 v9, v4;
	[tilespmem:s21+$0x80] =	vst v7;
	v4 =	vld [tilespmem:s21+$0x90]  }
0x1e8: {  	v7 =	vld [tilespmem:s17+$0x90]  }
0x1e9: {  	v3 =	vmax.f32 v3, $0.0e+00;
	v9 =	vld [tilespmem:s21+$0xFFFFFF90];
	v5 =	vadd.f32 v6, v5  }
0x1ea: {  	v6 =	vadd.f32 v8, v10;
	[tilespmem:s21+$0xFFFFFF80] =	vst v3;
	v3 =	vld [tilespmem:s21+$0x10]  }
0x1eb: {  	v8 =	vld [tilespmem:s17+$0xFFFFFF90];
	v5 =	vmax.f32 v5, $0.0e+00  }
0x1ec: {  	v6 =	vmax.f32 v6, $0.0e+00;
	v10 =	vld [tilespmem:s21+$0xFFFFFF20];
	[tilespmem:s21+$0x0] =	vst v5  }
0x1ed: {  	[tilespmem:s21+$0xFFFFFF00] =	vst v6;
	v5 =	vld [tilespmem:s17+$0x10];
	v4 =	vadd.f32 v7, v4  }
0x1ee: {  	v6 =	vld [tilespmem:s17+$0xFFFFFF10]  }
0x1ef: {  	v7 =	vld [tilespmem:s21+$0xFFFFFFA0];
	v4 =	vmax.f32 v4, $0.0e+00  }
0x1f0: {  	v8 =	vadd.f32 v8, v9;
	[tilespmem:s21+$0x90] =	vst v4;
	v4 =	vld [tilespmem:s21+$0xA0]  }
0x1f1: {  	v9 =	vld [tilespmem:s17+$0xA0]  }
0x1f2: {  	v8 =	vmax.f32 v8, $0.0e+00;
	v3 =	vadd.f32 v5, v3;
	v5 =	vld [tilespmem:s21+$0x20]  }
0x1f3: {  	v6 =	vadd.f32 v6, v11;
	v11 =	vld [tilespmem:s21+$0xFFFFFF30];
	[tilespmem:s21+$0xFFFFFF90] =	vst v8  }
0x1f4: {  	v8 =	vld [tilespmem:s17+$0xFFFFFFA0];
	v3 =	vmax.f32 v3, $0.0e+00  }
0x1f5: {  	v6 =	vmax.f32 v6, $0.0e+00;
	v12 =	vld [tilespmem:s21+$0xFFFFFFB0];
	[tilespmem:s21+$0x10] =	vst v3  }
0x1f6: {  	[tilespmem:s21+$0xFFFFFF10] =	vst v6;
	v3 =	vld [tilespmem:s17+$0x20];
	v4 =	vadd.f32 v9, v4  }
0x1f7: {  	v6 =	vld [tilespmem:s17+$0xFFFFFF20]  }
0x1f8: {  	v9 =	vld [tilespmem:s21+$0x30];
	v4 =	vmax.f32 v4, $0.0e+00  }
0x1f9: {  	v7 =	vadd.f32 v8, v7;
	[tilespmem:s21+$0xA0] =	vst v4;
	v4 =	vld [tilespmem:s21+$0xB0]  }
0x1fa: {  	v8 =	vld [tilespmem:s17+$0xB0]  }
0x1fb: {  	v13 =	vld [tilespmem:s21+$0xFFFFFF40];
	v7 =	vmax.f32 v7, $0.0e+00;
	v3 =	vadd.f32 v3, v5  }
0x1fc: {  	v5 =	vadd.f32 v6, v10;
	[tilespmem:s21+$0xFFFFFFA0] =	vst v7;
	v6 =	vld [tilespmem:s21+$0xFFFFFFC0]  }
0x1fd: {  	v7 =	vld [tilespmem:s17+$0xFFFFFFB0];
	v3 =	vmax.f32 v3, $0.0e+00  }
0x1fe: {  	v5 =	vmax.f32 v5, $0.0e+00;
	[tilespmem:s21+$0x20] =	vst v3;
	v10 =	vld [tilespmem:s21+$0x40]  }
0x1ff: {  	[tilespmem:s21+$0xFFFFFF20] =	vst v5;
	v3 =	vld [tilespmem:s17+$0x30];
	v4 =	vadd.f32 v8, v4  }
0x200: {  	v5 =	vld [tilespmem:s17+$0xFFFFFF30]  }
0x201: {  	v8 =	vld [tilespmem:s21+$0xFFFFFF50];
	v4 =	vmax.f32 v4, $0.0e+00  }
0x202: {  	v7 =	vadd.f32 v7, v12;
	[tilespmem:s21+$0xB0] =	vst v4;
	v4 =	vld [tilespmem:s21+$0xC0]  }
0x203: {  	v12 =	vld [tilespmem:s17+$0xC0]  }
0x204: {  	v7 =	vmax.f32 v7, $0.0e+00;
	v14 =	vld [tilespmem:s21+$0xFFFFFFD0];
	v3 =	vadd.f32 v3, v9  }
0x205: {  	v5 =	vadd.f32 v5, v11;
	[tilespmem:s21+$0xFFFFFFB0] =	vst v7;
	v7 =	vld [tilespmem:s21+$0x50]  }
0x206: {  	v9 =	vld [tilespmem:s17+$0xFFFFFFC0];
	v11 =	vmax.f32 v3, $0.0e+00  }
0x207: {  	v5 =	vmax.f32 v5, $0.0e+00;
	v3 =	vld [tilespmem:s21+$0xFFFFFF60];
	[tilespmem:s21+$0x30] =	vst v11  }
0x208: {  	[tilespmem:s21+$0xFFFFFF30] =	vst v5;
	v5 =	vld [tilespmem:s17+$0x40];
	v11 =	vadd.f32 v12, v4  }
0x209: {  	v12 =	vld [tilespmem:s17+$0xFFFFFF40]  }
0x20a: {  	v4 =	vld [tilespmem:s21+$0xFFFFFFE0];
	v11 =	vmax.f32 v11, $0.0e+00  }
0x20b: {  	v6 =	vadd.f32 v9, v6;
	[tilespmem:s21+$0xC0] =	vst v11;
	v9 =	vld [tilespmem:s21+$0xD0]  }
0x20c: {  	v11 =	vld [tilespmem:s17+$0xD0]  }
0x20d: {  	v6 =	vmax.f32 v6, $0.0e+00;
	v10 =	vadd.f32 v5, v10;
	v5 =	vld [tilespmem:s21+$0x60]  }
0x20e: {  	v12 =	vadd.f32 v12, v13;
	[tilespmem:s21+$0xFFFFFFC0] =	vst v6;
	v6 =	vld [tilespmem:s10+$0xFFFFFF70]  }
0x20f: {  	v13 =	vld [tilespmem:s17+$0xFFFFFFD0];
	v10 =	vmax.f32 v10, $0.0e+00  }
0x210: {  	v12 =	vmax.f32 v12, $0.0e+00;
	[tilespmem:s21+$0x40] =	vst v10;
	v10 =	vld [tilespmem:s10+$0xFFFFFFF0]  }
0x211: {  	[tilespmem:s21+$0xFFFFFF40] =	vst v12;
	v12 =	vld [tilespmem:s17+$0x50];
	v9 =	vadd.f32 v11, v9  }
0x212: {  	v11 =	vld [tilespmem:s17+$0xFFFFFF50]  }
0x213: {  	v9 =	vmax.f32 v9, $0.0e+00;
	v2 =	vadd.f32 v6, v2;
	v6 =	vld [tilespmem:s10+$0x70];
	s10 =	smov.u32 s17  }
0x214: {  	v13 =	vadd.f32 v13, v14;
	[tilespmem:s21+$0xD0] =	vst v9;
	v9 =	vld [tilespmem:s21+$0xE0]  }
0x215: {  	v14 =	vld [tilespmem:s17+$0xE0];
	v15 =	vmax.f32 v2, $0.0e+00;
	v10 =	vadd.f32 v10, v1  }
0x216: {  	v2 =	vld [tilespmem:s21+$0xFFFFFF70];
	v1 =	vmax.f32 v13, $0.0e+00;
	v12 =	vadd.f32 v12, v7;
	[tilespmem:s20+$0xFFFFFF70] =	vst v15  }
0x217: {  	v8 =	vadd.f32 v11, v8;
	[tilespmem:s21+$0xFFFFFFD0] =	vst v1;
	v1 =	vld [tilespmem:s21+$0xFFFFFFF0];
	v10 =	vmax.f32 v10, $0.0e+00  }
.Ltmp4:
0x218: {  	v7 =	vld [tilespmem:s17+$0xFFFFFFE0];
	v11 =	vmax.f32 v12, $0.0e+00;
	[tilespmem:s20+$0xFFFFFFF0] =	vst v10;
	v6 =	vadd.f32 v6, v0;
	(pc) =	sbr.rel @p1 .LBB2_9-.Ltmp4, $4  }
0x219: {  	v8 =	vmax.f32 v8, $0.0e+00;
	[tilespmem:s21+$0x50] =	vst v11;
	v0 =	vld [tilespmem:s21+$0x70]  }
0x21a: {  	[tilespmem:s21+$0xFFFFFF50] =	vst v8;
	v8 =	vld [tilespmem:s17+$0x60];
	v10 =	vadd.f32 v14, v9;
	v6 =	vmax.f32 v6, $0.0e+00  }
0x21b: {  	v9 =	vld [tilespmem:s17+$0xFFFFFF60];
	[tilespmem:s20+$0x70] =	vst v6;
	s20 =	smov.u32 s21  }
0x21c: {  	s21 =	sadd.s32 $0x200, s21;
	v10 =	vmax.f32 v10, $0.0e+00;
	v6 =	vld [tilespmem:s20+$0xF0]  }
0x21d: {  	_ = 	snop  }
0x21e: {  	v4 =	vadd.f32 v7, v4  }
0x21f: {  	v5 =	vadd.f32 v8, v5  }
0x220: {  	[tilespmem:s20+$0xE0] =	vst v10;
	v4 =	vmax.f32 v4, $0.0e+00;
	v3 =	vadd.f32 v9, v3  }
0x221: {  	v58 =	vld [tilespmem:s10+$0xF0];
	[tilespmem:s20+$0xFFFFFFE0] =	vst v4;
	v59 =	vmax.f32 v5, $0.0e+00  }
0x222: {  	v61 =	vld [tilespmem:s10+$0xFFFFFFF0];
	v3 =	vmax.f32 v3, $0.0e+00;
	[tilespmem:s20+$0x60] =	vst v59  }
0x223: {  	[tilespmem:s20+$0xFFFFFF60] =	vst v3;
	v62 =	vld [tilespmem:s10+$0x70]  }
0x224: {  	v60 =	vld [tilespmem:s10+$0xFFFFFF70];
	_ =	sdelay $0x1  }
0x225: {  	v6 =	vadd.f32 v58, v6  }
0x226: {  	v1 =	vadd.f32 v61, v1  }
0x227: {  	v63 =	vmax.f32 v6, $0.0e+00;
	v0 =	vadd.f32 v62, v0  }
0x228: {  	[tilespmem:s20+$0xF0] =	vst v63;
	v1 =	vmax.f32 v1, $0.0e+00;
	v2 =	vadd.f32 v60, v2  }
0x229: {  	[tilespmem:s20+$0xFFFFFFF0] =	vst v1;
	v0 =	vmax.f32 v0, $0.0e+00  }
0x22a: {  	v2 =	vmax.f32 v2, $0.0e+00;
	[tilespmem:s20+$0x70] =	vst v0  }
0x22b: {  	s23 =	simm.s32 $0x1CB00;
	s17 =	simm.s32 $0x10;
	[tilespmem:s20+$0xFFFFFF70] =	vst v2  }
0x22c: {  	[spmem:s2] =	stream.indirect.scatter.add.f32 [tilespmem:s24], [sflag:$0x6], $0x80, s23, s17, $0xb8;
	[tilespmem:$0x1CB80] =	vst v63  }
0x22d: {  	_ =	swait.ge [sflag:s14], $0x800  }
0x22e: {  	[sflag:s14] =	ssyncset.done $0x0  }
0x22f: {  	[sflag:s14] =	ssyncadd.s32 $0xFFFFF800  }
0x230: {  	[bflag:$0x0] =	sbarrier.arrive $0xFFFF  }
0x231: {  	s17 =	rddreg [dreg:$0xf]  }
0x232: {  	s10 =	simm.s32 @p0 $0x1FC6;
	s20 =	rddreg [dreg:$0x11]  }
0x233: {  	[hbm:s17], [sflag:s10] =	dma.local @p0 [spmem:s20], $0x1900  }
0x234: {  	s10 =	simm.s32 @p0 $0x6  }
0x235: {  	_ =	swait.ge @p0 [sflag:s10], $0x1900  }
0x236: {  	[sflag:s10] =	ssyncset.done @p0 $0x0  }
0x237: {  	[sflag:s10] =	ssyncadd.s32 @p0 $0xFFFFE700;
	s10 =	rddreg [dreg:$0x12]  }
0x238: {  	[hbm:s17], [sflag:s10] =	dma.local @!p0 [spmem:s22], $0x2800  }
0x239: {  	s10 =	simm.s32 @!p0 $0x6  }
0x23a: {  	_ =	swait.ge @!p0 [sflag:s10], $0x2800  }
0x23b: {  	s16 =	sadd.s32 $0x1, s16;
	s24 =	rddreg [dreg:$0x10]  }
0x23c: {  	p1 =	sne.s32 s16, s24  }
.Ltmp5:
0x23d: {  	_ = 	snop;
	(pc) =	sbr.rel @p1 .LBB2_1-.Ltmp5, $3  }
0x23e: {  	_ =	sdelay $0x1  }
0x23f: {  	[sflag:s10] =	ssyncset.done @!p0 $0x0  }
0x240: {  	[sflag:s10] =	ssyncadd.s32 @!p0 $0xFFFFD800  }
0x241: {  	_ =	sfence.sel $0x180000  }
0x242: {  	[bflag:$0x0] =	sbarrier.arrive $0xFFFF  }
0x243: {  	_ =	strace $0x9000004A  }
0x244: {  	s0 =	stileid.u32;
	[bflag:$0x2] =	sbarrier.arrive $0xFFFF  }
0x245: {  	p0 =	sne.s32 s0, $0x0;
	s0 =	rddreg [dreg:$0x2]  }
0x246: {  	s0 =	sadd.s32 @!p0 $0x100000, s0  }
0x247: {  	[sflag:s0] =	ssyncadd.tile.s32 @!p0 $0x1;
	_ =	shalt  }
.Lfunc_end2:
_tile_overlayer_lowered:
.L_overlay_start_2:
0x248: {  	(tag) =	ssettag $0x2  }
0x249: {  	s0 =	rddreg [dreg:$0x0];
	s2 =	stileid.u32  }
0x24a: {  	s1 =	rddreg [dreg:$0x1];
	p0 =	sne.s32 s2, $0x0  }
0x24b: {  	s3 =	rddreg [dreg:$0x2];
	[bflag:$0x3] =	sbarrier.arrive $0xFFFF;
	s2 =	simm.s32 @!p0 $0x1C06  }
0x24c: {  	[timem:s3], [sflag:s2] =	dma.local @!p0 [hbm:s0], s1  }
0x24d: {  	s0 =	simm.s32 @!p0 $0x6  }
0x24e: {  	_ =	swait.ge @!p0 [sflag:s0], s1  }
0x24f: {  	s1 =	ssub.s32 @!p0 $0x0, s1;
	[sflag:s0] =	ssyncset.done @!p0 $0x0  }
0x250: {  	[sflag:s0] =	ssyncadd.s32 @!p0 s1  }
0x251: {  	[bflag:$0x3] =	sbarrier.arrive $0xFFFF  }
0x252: {  	_ =	shalt  }

// kernel: kernel.7.cloned.1.call-start
scs
__scs_entry_jumppad:
0x0: {  	(pc) =	sbr.rel $0x88, $3  }
0x1: {  	(tag) =	ssettag $0x0;
	lr =	simm.s32 $0x1  }
0x2: {  	[smem:$0x3F86] =	sst lr;
	_ =	strace $0xD0000000  }
0x3: {  	_ = 	snop  }
0x4: {  	_ = 	snop  }
0x5: {  	_ = 	snop  }
0x6: {  	_ = 	snop  }
0x7: {  	_ = 	snop  }
__scs_overlays_trampoline_lowered:
0x8: {  	[smem:$0x3F95] =	sst s0  }
0x9: {  	[smem:$0x3F96] =	sst s1  }
0xa: {  	[smem:$0x3F97] =	sst s2  }
0xb: {  	[smem:$0x3F98] =	sst s3  }
0xc: {  	[smem:$0x3F99] =	sst s4  }
0xd: {  	[smem:$0x3F9A] =	sst s5  }
0xe: {  	[smem:$0x3F9B] =	sst s6  }
0xf: {  	[smem:$0x3F9C] =	sst s7  }
0x10: {  	[smem:$0x3F9D] =	sst s8  }
0x11: {  	[smem:$0x3F9E] =	sst s9;
	s0 =	simm.s32 @!p0 $0x0  }
0x12: {  	s1 =	sld [smem:$0x3F84];
	s0 =	simm.s32 @p0 $0x1  }
0x13: {  	[smem:$0x3F9F] =	sst s0;
	s0 =	simm.s32 @!p1 $0x0  }
0x14: {  	s2 =	sld [smem:$0x3F83];
	s0 =	simm.s32 @p1 $0x1  }
0x15: {  	[smem:$0x3FA0] =	sst s0;
	s0 =	simm.s32 @!p2 $0x0  }
0x16: {  	s3 =	sld [smem:$0x3FDB];
	s0 =	simm.s32 @p2 $0x1  }
0x17: {  	s4 =	simm.s32 $0x1BF5;
	[smem:$0x3FA2] =	sst s0  }
0x18: {  	s0 =	sld [smem:$0x3F85];
	_ =	swait.ge [sflag:s4], $0x0  }
0x19: {  	s7 =	sld [smem:$0x3F86]  }
0x1a: {  	s8 =	sadd.s32 $0xFFFFE003, lr  }
0x1b: {  	s9 =	sadd.s32 $0xFFFFFEF7, lr;
	s5 =	simm.s32 $0xFFFFFFFF;
	p2 =	slt.u32 s8, $0xFFFFF086  }
0x1c: {  	p1 =	slt.u32 s9, $0xF7A;
	s5 =	simm.s32 @!p2 $0x0  }
0x1d: {  	s5 =	simm.s32 @p1 $0x1;
	p0 =	seq.s32 s7, s2  }
0x1e: {  	s7 =	smul.u32 @!p0 $0xF7A, s2;
	p2 =	seq.s32 @!p0 s5, $0x0  }
0x1f: {  	s9 =	smul.u32 $0xF7A, s1;
	s8 =	simm.s32 @!p0 $0x1BF5;
	p2 =	por !p2, p0  }
0x20: {  	[sflag:s8] =	ssyncset.s32 @!p0 $0xFFFFF086;
	s6 =	sadd.s32 @!p0 s3, s7;
	s7 =	simm.s32 @!p0 $0x108  }
0x21: {  	s3 =	sadd.s32 s3, s9;
	s6 =	sadd.s32 @!p0 $0x88, s6;
	s7 =	simm.s32 @p2 $0x1082  }
0x22: {  	[simem:s7], [sflag:s8] =	dma.local @!p0 [hbm:s6], $0xF7A  }
0x23: {  	s9 =	sor.u32 $0xD0000000, s2;
	s6 =	simm.s32 $0x108;
	_ =	swait.ge @!p0 [sflag:s8], $0x0  }
0x24: {  	s3 =	sadd.s32 $0x88, s3;
	s6 =	simm.s32 @!p1 $0x1082;
	[sflag:s4] =	ssyncset.s32 $0xFFFFF086  }
0x25: {  	[simem:s6], [sflag:s4] =	dma.local [hbm:s3], $0xF7A  }
0x26: {  	[smem:$0x3F86] =	sst s1;
	(tag) =	ssettag s2;
	_ =	strace s9  }
0x27: {  	s1 =	sld [smem:$0x3F96]  }
0x28: {  	s2 =	sld [smem:$0x3F97]  }
0x29: {  	s4 =	sld [smem:$0x3F99]  }
0x2a: {  	p0 =	seq.s32 s5, $0x0;
	s5 =	sld [smem:$0x3F9A]  }
0x2b: {  	s6 =	sld [smem:$0x3F9B]  }
0x2c: {  	s7 =	sld [smem:$0x3F9C]  }
0x2d: {  	s3 =	simm.s32 $0x108;
	s8 =	sld [smem:$0x3F9D]  }
0x2e: {  	s3 =	simm.s32 @!p0 $0x1082;
	s9 =	sld [smem:$0x3F9E]  }
0x2f: {  	lr =	sadd.s32 s0, s3;
	s0 =	sld [smem:$0x3F95]  }
0x30: {  	s3 =	sld [smem:$0x3F98]  }
0x31: {  	[smem:$0x3FA1] =	sst s10  }
0x32: {  	s10 =	sld [smem:$0x3F9F];
	_ =	sdelay $0x3  }
0x33: {  	p0 =	seq.s32 s10, $0x1;
	s10 =	sld [smem:$0x3FA1];
	_ =	sdelay $0x3  }
0x34: {  	[smem:$0x3FA1] =	sst s10  }
0x35: {  	s10 =	sld [smem:$0x3FA0];
	_ =	sdelay $0x3  }
0x36: {  	p1 =	seq.s32 s10, $0x1;
	s10 =	sld [smem:$0x3FA1];
	_ =	sdelay $0x3  }
0x37: {  	[smem:$0x3FA1] =	sst s10  }
0x38: {  	s10 =	sld [smem:$0x3FA2]  }
0x39: {  	_ = 	snop;
	(pc) =	sbr.ind lr, $3  }
0x3a: {  	_ = 	snop  }
0x3b: {  	_ = 	snop  }
0x3c: {  	p2 =	seq.s32 s10, $0x1;
	s10 =	sld [smem:$0x3FA1]  }
0x3d: {  	_ =	shalt  }
0x3e: {  	_ =	shalt  }
0x3f: {  	_ =	shalt  }
0x40: {  	_ =	shalt  }
0x41: {  	_ =	shalt  }
0x42: {  	_ =	shalt  }
0x43: {  	_ =	shalt  }
0x44: {  	_ =	shalt  }
0x45: {  	_ =	shalt  }
0x46: {  	_ =	shalt  }
0x47: {  	_ =	shalt  }
0x48: {  	_ =	shalt  }
0x49: {  	_ =	shalt  }
0x4a: {  	_ =	shalt  }
0x4b: {  	_ =	shalt  }
0x4c: {  	_ =	shalt  }
0x4d: {  	_ =	shalt  }
0x4e: {  	_ =	shalt  }
0x4f: {  	_ =	shalt  }
0x50: {  	_ =	shalt  }
0x51: {  	_ =	shalt  }
0x52: {  	_ =	shalt  }
0x53: {  	_ =	shalt  }
0x54: {  	_ =	shalt  }
0x55: {  	_ =	shalt  }
0x56: {  	_ =	shalt  }
0x57: {  	_ =	shalt  }
0x58: {  	_ =	shalt  }
0x59: {  	_ =	shalt  }
0x5a: {  	_ =	shalt  }
0x5b: {  	_ =	shalt  }
0x5c: {  	_ =	shalt  }
0x5d: {  	_ =	shalt  }
0x5e: {  	_ =	shalt  }
0x5f: {  	_ =	shalt  }
0x60: {  	_ =	shalt  }
0x61: {  	_ =	shalt  }
0x62: {  	_ =	shalt  }
0x63: {  	_ =	shalt  }
0x64: {  	_ =	shalt  }
0x65: {  	_ =	shalt  }
0x66: {  	_ =	shalt  }
0x67: {  	_ =	shalt  }
0x68: {  	_ =	shalt  }
0x69: {  	_ =	shalt  }
0x6a: {  	_ =	shalt  }
0x6b: {  	_ =	shalt  }
0x6c: {  	_ =	shalt  }
0x6d: {  	_ =	shalt  }
0x6e: {  	_ =	shalt  }
0x6f: {  	_ =	shalt  }
0x70: {  	_ =	shalt  }
0x71: {  	_ =	shalt  }
0x72: {  	_ =	shalt  }
0x73: {  	_ =	shalt  }
0x74: {  	_ =	shalt  }
0x75: {  	_ =	shalt  }
0x76: {  	_ =	shalt  }
0x77: {  	_ =	shalt  }
0x78: {  	_ =	shalt  }
0x79: {  	_ =	shalt  }
0x7a: {  	_ =	shalt  }
0x7b: {  	_ =	shalt  }
0x7c: {  	_ =	shalt  }
0x7d: {  	_ =	shalt  }
0x7e: {  	_ =	shalt  }
0x7f: {  	_ =	shalt  }
0x80: {  	_ =	shalt  }
0x81: {  	_ =	shalt  }
0x82: {  	_ =	shalt  }
0x83: {  	_ =	shalt  }
0x84: {  	_ =	shalt  }
0x85: {  	_ =	shalt  }
0x86: {  	_ =	shalt  }
0x87: {  	_ =	shalt  }
.Lfunc_end0:
.L_simem_size_0:
called_computation_lowered:
.L_overlay_start_0:
0x88: {  	s2 =	sld [smem:$0x3FD9]  }
0x89: {  	s3 =	sld [smem:$0x3FFE];
	_ =	sdelay $0x1  }
0x8a: {  	s1 =	srdreg.scid  }
0x8b: {  	s0 =	sand.u32 $0x1, s1  }
0x8c: {  	s17 =	sshll.u32 s0, $0xA;
	s2 =	sadd.s32 s3, s2  }
0x8d: {  	s2 =	sadd.s32 s2, s17  }
0x8e: {  	[smem:$0x3FAD] =	sst s2  }
0x8f: {  	_ = 	snop  }
0x90: {  	s2 =	sld [smem:$0x3FD0];
	(tm) =	ssettm $0x1  }
0x91: {  	s18 =	sld [smem:$0x3FFB];
	_ =	sdelay $0x3  }
0x92: {  	_ =	strace s18  }
0x93: {  	s3 =	sld [smem:$0x3FFC];
	_ =	sdelay $0x3  }
0x94: {  	_ =	strace s3  }
0x95: {  	s3 =	sld [smem:$0x3FFD];
	_ =	sdelay $0x3  }
0x96: {  	_ =	strace s3  }
0x97: {  	_ =	strace $0x8FFFFFFF  }
0x98: {  	s19 =	sld [smem:$0x3FDB];
	_ =	sdelay $0x1  }
0x99: {  	s4 =	simm.s32 $_scs_section_size  }
0x9a: {  	s5 =	simm.s32 $_size__tile_overlayer_lowered;
	s6 =	simm.s32 $_tile_overlayer_lowered  }
0x9b: {  	s22 =	simm.s32 $0x1BFF;
	s21 =	sshll.u32 s6, $0x1;
	s3 =	sadd.s32 s4, s19  }
0x9c: {  	s7 =	simm.s32 $0x0;
	s20 =	sshll.u32 s5, $0x1;
	s5 =	sadd.s32 s21, s3  }
0x9d: {  	[timem:s7], [sflag:s22] =	dma.local [hbm:s5], s20  }
0x9e: {  	_ =	swait.ge [sflag:s22], s20  }
0x9f: {  	s4 =	ssub.s32 $0x0, s20;
	[sflag:s22] =	ssyncset.done $0x0  }
0xa0: {  	[sflag:s22] =	ssyncadd.s32 s4;
	_ =	sdelay $0x1  }
0xa1: {  	s23 =	simm.s32 $0x1B8B  }
0xa2: {  	_ =	swait.ge [sflag:s23], $0x1  }
0xa3: {  	[sflag:s23] =	ssyncset.done $0x0  }
0xa4: {  	s25 =	simm.s32 $0x1B8E;
	s24 =	sld [smem:$0x3FFE];
	[sflag:s23] =	ssyncadd.s32 $0xFFFFFFFF  }
0xa5: {  	s26 =	simm.s32 $execute0_lowered;
	[smem:$0x3FD2] =	sst s25  }
0xa6: {  	s5 =	sshll.u32 s26, $0x1;
	_ =	strace $0x80000046;
	[dreg:$0x1] =	wrdreg $0xFFFFFFFF  }
0xa7: {  	s28 =	simm.s32 $_size_execute0_lowered;
	s3 =	sadd.s32 s3, s5;
	[dreg:$0x0] =	wrdreg $0x0  }
0xa8: {  	s5 =	sshll.u32 s28, $0x1;
	[dreg:$0x2] =	wrdreg s3  }
0xa9: {  	[dreg:$0x3] =	wrdreg s5  }
0xaa: {  	[dreg:$0x4] =	wrdreg $0xC0  }
0xab: {  	_ =	task [dreg:s7], $0x5FFFF  }
0xac: {  	[dreg:$0x1] =	wrdreg $0xFFFFFFFF  }
0xad: {  	[dreg:$0x0] =	wrdreg $0x60  }
0xae: {  	[dreg:$0x2] =	wrdreg s24  }
0xaf: {  	[dreg:$0x3] =	wrdreg s2  }
0xb0: {  	[dreg:$0x4] =	wrdreg $0x0  }
0xb1: {  	[dreg:$0x5] =	wrdreg $0x9  }
0xb2: {  	_ =	task.clear_ibuf [dreg:s7], $0x6FFFF;
	_ =	strace $0x90000046  }
0xb3: {  	s29 =	simm.s32 $0x9;
	_ =	strace $0x80000048  }
0xb4: {  	_ =	swait.ge [sflag:s29], $0x1  }
0xb5: {  	[sflag:s29] =	ssyncadd.s32 $0xFFFFFFFF  }
0xb6: {  	_ =	strace $0x90000048  }
0xb7: {  	_ =	sfence  }
0xb8: {  	s30 =	sld [smem:$0x0];
	_ =	sdelay $0x2  }
0xb9: {  	s31 =	sshll.u32 s1, $0xD;
	s1 =	sshrl.u32 s1, $0x2  }
0xba: {  	s3 =	sand.u32 $0x4000, s31;
	s1 =	sadd.s32 s1, s30  }
0xbb: {  	s0 =	sor.u32 s3, s0;
	s1 =	sshll.u32 s1, $0x11  }
0xbc: {  	s0 =	sor.u32 s1, s0  }
0xbd: {  	s0 =	sadd.s32 $0x8F2B, s0  }
0xbe: {  	[sflag:s0] =	ssyncadd.remote.s32 $0x1  }
0xbf: {  	_ =	sfence.sel $0xFFFF  }
0xc0: {  	[dreg:$0x0] =	wrdreg $0xFFFFFFFF;
	(pc) =	sbr.abs _section_cstart, $3  }
0xc1: {  	[dreg:$0x1] =	wrdreg $0xFFFFFFFF  }
0xc2: {  	_ =	task.clear_ibuf [dreg:s7], $0x2FFFF;
	_ =	strace $0x9FFFFFFF  }
0xc3: {  	(tm) =	ssettm $0x7FFFFFFF  }
tec
execute0_lowered:
.L_overlay_start_1:
0x0: {  	(tag) =	ssettag $0x1  }
0x1: {  	s5 =	rddreg [dreg:$0x0]  }
0x2: {  	s2 =	rddreg [dreg:$0x1]  }
0x3: {  	s3 =	rddreg [dreg:$0x2]  }
0x4: {  	s0 =	srdreg.scid;
	s1 =	rddreg [dreg:$0x3];
	s4 =	simm.s32 $0x0  }
0x5: {  	s14 =	simm.s32 $0x16080;
	s15 =	simm.s32 $0x2;
	s6 =	sand.u32 $0x1, s0  }
0x6: {  	s16 =	simm.s32 $0x16100;
	s0 =	stileid.u32;
	s7 =	smul.u32 $0x4E20, s6  }
0x7: {  	s17 =	simm.s32 $0x50;
	s18 =	simm.s32 $0x13880;
	s8 =	smul.u32 $0x50, s0  }
0x8: {  	s19 =	simm.s32 $0x1;
	s20 =	simm.s32 $0x0;
	s24 =	smul.u32 $0x280, s0  }
0x9: {  	[smem:$0x7FF] =	sst s4;
	s12 =	sadd.s32 $0x12C000, s3;
	s9 =	smul.u32 $0x2710, s6  }
0xa: {  	_ =	strace $0x80000047;
	s25 =	smul.u32 $0xA, s0;
	s6 =	ssub.s32 $0x2, s6  }
0xb: {  	s26 =	smul.u32 $0x50000, s0;
	s31 =	ssub.s32 $0x109, s0;
	p0 =	seq.s32 s0, $0xF  }
0xc: {  	s29 =	sshrl.u32 s6, $0x1;
	s7 =	sadd.s32 s8, s7;
	s8 =	sadd.s32 s24, s9  }
0xd: {  	s11 =	sadd.s32 s25, s5;
	s30 =	sshrl.u32 s26, $0x2;
	s7 =	sshrl.u32 s7, $0x3  }
0xe: {  	s28 =	sshll.u32 s8, $0x4;
	s8 =	ssub.s32 s6, s29;
	s13 =	sadd.s32 s30, s3  }
0xf: {  	s6 =	sshrl.u32 s31, $0x4;
	s9 =	sadd.s32 $0x2E00, s11;
	s11 =	sshrl.u32 @p0 s12, $0x3  }
0x10: {  	s12 =	sshll.u32 @!p0 s0, $0x6;
	s10 =	sadd.s32 s7, s5;
	s7 =	sadd.s32 s28, s5  }
0x11: {  	s8 =	smax.u32 s8, $0x1;
	s12 =	sor.u32 @!p0 $0x1C02, s12;
	s13 =	sshrl.u32 @!p0 s13, $0x3  }
0x12: {  	s5 =	sadd.s32 $0x4C00, s7;
	s7 =	sadd.s32 $0xA1000, s7;
	s10 =	sadd.s32 $0x3800, s10  }
.LBB2_1:
0x13: {  	s23 =	simm.s32 @p0 $0x1FC2;
	s22 =	simm.s32 @p0 $0x2  }
0x14: {  	[spmem:s11], [sflag:s23] =	dma.local @p0 [hbm:s5], $0x1900  }
0x15: {  	_ =	swait.ge @p0 [sflag:s22], $0x1900  }
0x16: {  	[sflag:s22] =	ssyncset.done @p0 $0x0  }
0x17: {  	s21 =	simm.s32 @!p0 $0x2;
	[sflag:s22] =	ssyncadd.s32 @p0 $0xFFFFE700  }
0x18: {  	[spmem:s13], [sflag:s12] =	dma.local @!p0 [hbm:s5], $0x2800  }
0x19: {  	_ =	swait.ge @!p0 [sflag:s21], $0x2800  }
0x1a: {  	[sflag:s21] =	ssyncset.done @!p0 $0x0  }
0x1b: {  	[sflag:s21] =	ssyncadd.s32 @!p0 $0xFFFFD800  }
0x1c: {  	[bflag:$0x0] =	sbarrier.arrive $0xFFFF  }
0x1d: {  	[tilespmem:s14], [sflag:$0x2] =	stream.linear.gather [hbm4b:s10+s4], $0x50, $0x38;
	[tilespmem:$0x16180] =	vst v63  }
0x1e: {  	_ =	swait.ge [sflag:s15], $0x50  }
0x1f: {  	[sflag:s15] =	ssyncset.done $0x0  }
0x20: {  	[sflag:s15] =	ssyncadd.s32 $0xFFFFFFB0  }
0x21: {  	[tilespmem:s16], [sflag:$0x2] =	stream.linear.gather [hbm4b:s9+s4], $0x50, $0x38;
	[tilespmem:$0x16180] =	vst v63  }
0x22: {  	_ =	swait.ge [sflag:s15], $0x50  }
0x23: {  	[sflag:s15] =	ssyncset.done $0x0  }
0x24: {  	[sflag:s15] =	ssyncadd.s32 $0xFFFFFFB0  }
0x25: {  	[tilespmem:s18], [sflag:$0x1] =	stream.indirect.gather [hbm4b:s2+s17], $0x80, s14, s17, $0xb8;
	[tilespmem:$0x16180] =	vst v63  }
0x26: {  	p1 =	sne.s32 s6, $0x1;
	_ =	swait.ge [sflag:s19], $0x2800  }
.Ltmp0:
0x27: {  	[sflag:s19] =	ssyncset.done $0x0;
	(pc) =	sbr.rel @!p1 .LBB2_3-.Ltmp0, $4  }
0x28: {  	[sflag:s19] =	ssyncadd.s32 $0xFFFFD800  }
0x29: {  	[spmem:s3] =	stream.indirect.scatter.add.f32 [tilespmem:s18], [sflag:$0x2], $0x80, s16, s17, $0xb8;
	[tilespmem:$0x16180] =	vst v63  }
0x2a: {  	s24 =	sadd.s32 $0xFFFFFFFF, s6;
	_ =	swait.ge [sflag:s15], $0x2800  }
0x2b: {  	s25 =	smov.u32 s9;
	s26 =	smov.u32 s10;
	[sflag:s15] =	ssyncset.done $0x0  }
.LBB2_2:
0x2c: {  	[sflag:s15] =	ssyncadd.s32 $0xFFFFD800;
	s25 =	sadd.s32 $0xA0, s25;
	s26 =	sadd.s32 $0xA0, s26  }
0x2d: {  	[tilespmem:s14], [sflag:$0x2] =	stream.linear.gather [hbm4b:s26+s4], $0x50, $0x38;
	[tilespmem:$0x16180] =	vst v63  }
0x2e: {  	p1 =	sne.s32 s24, $0x1;
	s24 =	sadd.s32 $0xFFFFFFFF, s24;
	_ =	swait.ge [sflag:s15], $0x50  }
0x2f: {  	[sflag:s15] =	ssyncset.done $0x0  }
0x30: {  	[sflag:s15] =	ssyncadd.s32 $0xFFFFFFB0  }
0x31: {  	[tilespmem:s16], [sflag:$0x2] =	stream.linear.gather [hbm4b:s25+s4], $0x50, $0x38;
	[tilespmem:$0x16180] =	vst v63  }
0x32: {  	_ =	swait.ge [sflag:s15], $0x50  }
0x33: {  	[sflag:s15] =	ssyncset.done $0x0  }
0x34: {  	[sflag:s15] =	ssyncadd.s32 $0xFFFFFFB0  }
0x35: {  	[tilespmem:s18], [sflag:$0x1] =	stream.indirect.gather [hbm4b:s2+s17], $0x80, s14, s17, $0xb8;
	[tilespmem:$0x16180] =	vst v63  }
0x36: {  	_ =	swait.ge [sflag:s19], $0x2800  }
.Ltmp1:
0x37: {  	[sflag:s19] =	ssyncset.done $0x0;
	(pc) =	sbr.rel @p1 .LBB2_2-.Ltmp1, $4  }
0x38: {  	[sflag:s19] =	ssyncadd.s32 $0xFFFFD800  }
0x39: {  	[spmem:s3] =	stream.indirect.scatter.add.f32 [tilespmem:s18], [sflag:$0x2], $0x80, s16, s17, $0xb8;
	[tilespmem:$0x16180] =	vst v63  }
0x3a: {  	_ =	swait.ge [sflag:s15], $0x2800  }
0x3b: {  	[sflag:s15] =	ssyncset.done $0x0  }
.LBB2_3:
0x3c: {  	[sflag:s15] =	ssyncadd.s32 $0xFFFFD800  }
0x3d: {  	[bflag:$0x0] =	sbarrier.arrive $0xFFFF  }
0x3e: {  	[hbm:s7], [sflag:s23] =	dma.local @p0 [spmem:s11], $0x1900  }
0x3f: {  	s20 =	sadd.s32 $0x1, s20;
	_ =	swait.ge @p0 [sflag:s22], $0x1900  }
0x40: {  	p1 =	sne.s32 s20, s8;
	[sflag:s22] =	ssyncset.done @p0 $0x0  }
.Ltmp2:
0x41: {  	[sflag:s22] =	ssyncadd.s32 @p0 $0xFFFFE700;
	(pc) =	sbr.rel @p1 .LBB2_1-.Ltmp2, $4  }
0x42: {  	[hbm:s7], [sflag:s12] =	dma.local @!p0 [spmem:s13], $0x2800  }
0x43: {  	_ =	swait.ge @!p0 [sflag:s21], $0x2800  }
0x44: {  	[sflag:s21] =	ssyncset.done @!p0 $0x0  }
0x45: {  	[sflag:s21] =	ssyncadd.s32 @!p0 $0xFFFFD800  }
0x46: {  	_ =	sfence.sel $0x180000  }
0x47: {  	[bflag:$0x0] =	sbarrier.arrive $0xFFFF  }
0x48: {  	p0 =	sne.s32 s0, $0x0;
	_ =	strace $0x90000047  }
0x49: {  	s0 =	sadd.s32 @!p0 $0x100000, s1;
	[bflag:$0x2] =	sbarrier.arrive $0xFFFF  }
0x4a: {  	[sflag:s0] =	ssyncadd.tile.s32 @!p0 $0x1;
	_ =	shalt  }
.Lfunc_end2:
_tile_overlayer_lowered:
.L_overlay_start_2:
0x4b: {  	(tag) =	ssettag $0x2  }
0x4c: {  	s0 =	rddreg [dreg:$0x0];
	s2 =	stileid.u32  }
0x4d: {  	s1 =	rddreg [dreg:$0x1];
	p0 =	sne.s32 s2, $0x0  }
0x4e: {  	s3 =	rddreg [dreg:$0x2];
	[bflag:$0x3] =	sbarrier.arrive $0xFFFF;
	s2 =	simm.s32 @!p0 $0x1C02  }
0x4f: {  	[timem:s3], [sflag:s2] =	dma.local @!p0 [hbm:s0], s1  }
0x50: {  	s0 =	simm.s32 @!p0 $0x2  }
0x51: {  	_ =	swait.ge @!p0 [sflag:s0], s1  }
0x52: {  	s1 =	ssub.s32 @!p0 $0x0, s1;
	[sflag:s0] =	ssyncset.done @!p0 $0x0  }
0x53: {  	[sflag:s0] =	ssyncadd.s32 @!p0 s1  }
0x54: {  	[bflag:$0x3] =	sbarrier.arrive $0xFFFF  }
0x55: {  	_ =	shalt  }

</sc_bundles>
